<compile_context>
chip_gen: v7x
topology: tpu7x:2x2x1
jax: 0.10.2.dev20260603
libtpu: 0.0.44.dev20260713+nightly
codegen_flags: <defaults>
</compile_context>

<pallas_src>
import jax
import jax.numpy as jnp
from jax import lax
from jax.experimental import pallas as pl
from jax.experimental.pallas import tpu as pltpu
from jax.experimental.pallas import tpu_sc as plsc

NE = 200000
ND = 128
NNODES = 100000
NW = 32
NT = 3136
NPAD = NW * NT
DUMP = NPAD
GROUPS = NT // 16
TBUF = 3328
NTR = TBUF // 128
ECH1 = 6256
NEPAD = NW * ECH1
EV1 = ECH1 // 16


def _shift_up(x, lane):
    idx = jnp.minimum(lane + 1, 15).reshape(16, 1)
    return lax.gather(
        x, idx,
        dimension_numbers=lax.GatherDimensionNumbers(
            offset_dims=(), collapsed_slice_dims=(0,), start_index_map=(0,)),
        slice_sizes=(1,),
        mode=lax.GatherScatterMode.PROMISE_IN_BOUNDS)


def _body1(nid_hbm, partials_out, lp_ref, ev_ref):
    wid = lax.axis_index("s") * 2 + lax.axis_index("c")
    lane = lax.iota(jnp.int32, 16)
    neg1 = jnp.full((16,), -1, jnp.int32)

    def init_lp(g, _):
        for q in range(4):
            lp_ref[pl.ds(g * 64 + q * 16, 16)] = neg1
        return 0
    lax.fori_loop(0, NPAD // 64, init_lp, 0)

    raw = wid * (NE // NW)
    base = pl.multiple_of(raw - lax.rem(raw, 8), 8)
    pltpu.sync_copy(nid_hbm.at[pl.ds(base, ECH1)], ev_ref)

    def ev_vec(i, _):
        nid = ev_ref[pl.ds(i * 16, 16)]
        pos = base + i * 16 + lane
        key = lax.shift_left(nid, 4) + lane
        skey, spos = lax.sort([key, pos], num_keys=1)
        snid = lax.shift_right_arithmetic(skey, 4)
        nxt = _shift_up(snid, lane)
        m = (snid != nxt) | (lane == 15)
        localc = jnp.clip(snid, 0, NPAD - 1)
        plsc.store_scatter(lp_ref, [localc], spos, mask=m)
        return 0
    lax.fori_loop(0, EV1, ev_vec, 0)

    pltpu.sync_copy(lp_ref, partials_out.at[pl.ds(wid * NPAD, NPAD)])


_k1 = pl.kernel(
    _body1,
    out_type=[jax.ShapeDtypeStruct((NW * NPAD,), jnp.int32)],
    mesh=plsc.VectorSubcoreMesh(core_axis_name="c", subcore_axis_name="s"),
    compiler_params=pltpu.CompilerParams(needs_layout_passes=False),
    scratch_types=[
        pltpu.VMEM((NPAD,), jnp.int32),
        pltpu.VMEM((ECH1,), jnp.int32),
    ],
)


def _body2(partials, msg_hbm, ts_hbm, zeros_hbm, nn_hbm,
           msg_out, ts_out, vi_out,
           lp_ref, pb0, pb1, pb2, pb3, pb4, pb5, pb6, pb7,
           nn_ref, ts_idx, vi_buf, idst, idst2, ts_buf,
           rows_a, rows_b, rows_c, rows_d, zbuf, semg, sems, semt,
           semw0, semw1, semw2, semw3, semm):
    pbufs = [pb0, pb1, pb2, pb3, pb4, pb5, pb6, pb7]
    rbufs = [rows_a, rows_b, rows_c, rows_d]
    semw = [semw0, semw1, semw2, semw3]
    wid = lax.axis_index("s") * 2 + lax.axis_index("c")
    lo = wid * NT
    lane = lax.iota(jnp.int32, 16)

    pltpu.sync_copy(nn_hbm, nn_ref)
    pltpu.sync_copy(zeros_hbm, zbuf)

    neg1 = jnp.full((16,), -1, jnp.int32)
    zero16 = jnp.zeros((16,), jnp.int32)
    dump16 = jnp.full((16,), DUMP, jnp.int32)

    def init_lp(g, _):
        lp_ref[pl.ds(g * 16, 16)] = neg1
        return 0
    lax.fori_loop(0, GROUPS, init_lp, 0)

    def init_bufs(g, _):
        ts_idx[pl.ds(g * 16, 16)] = zero16
        idst[pl.ds(g * 16, 16)] = dump16
        return 0
    lax.fori_loop(0, TBUF // 16, init_bufs, 0)

    def _fire(b, bufs):
        return [pltpu.async_copy(
                    partials.at[pl.ds((b * 4 + r) * NPAD + lo, NT)],
                    bufs[r], semt if b % 2 == 0 else semm)
                for r in range(4)]

    _fire(0, pbufs[:4])
    for b in range(8):
        cur = pbufs[:4] if b % 2 == 0 else pbufs[4:]
        nxt = pbufs[4:] if b % 2 == 0 else pbufs[:4]
        for r in range(4):
            pltpu.make_async_copy(
                partials.at[pl.ds((b * 4 + r) * NPAD + lo, NT)],
                cur[r], semt if b % 2 == 0 else semm).wait()
        if b < 7:
            _fire(b + 1, nxt)

        def mg(g, _):
            acc = lp_ref[pl.ds(g * 16, 16)]
            for r in range(4):
                acc = jnp.maximum(acc, cur[r][pl.ds(g * 16, 16)])
            lp_ref[pl.ds(g * 16, 16)] = acc
            return 0
        lax.fori_loop(0, GROUPS, mg, 0)

    nn = nn_ref[pl.ds(0, 16)]

    def a_body(g, ni):
        lp = lp_ref[pl.ds(g * 16, 16)]
        node = lo + g * 16 + lane
        valid = (lp >= 0) & (node < nn)
        safe = jnp.where(valid, lp, node)
        ts_idx[pl.ds(g * 16, 16)] = safe
        vi_buf[pl.ds(g * 16, 16)] = jnp.where(valid, 1, 0)
        inv = (~valid) & (node < NNODES)
        plsc.store_compressed(idst.at[pl.ds(ni, 16)], node, mask=inv)
        cv = jnp.max(plsc.all_reduce_population_count(inv))
        return ni + cv

    ni = lax.fori_loop(0, 32, a_body, jnp.int32(0))
    for q in range(4):
        pltpu.async_copy(
            msg_hbm.at[ts_idx.at[pl.ds(q * 128, 128)]], rbufs[q], semg)
    ni = lax.fori_loop(32, GROUPS, a_body, ni)

    lastn = plsc.load_gather(idst, [jnp.full((16,), jnp.maximum(ni - 1, 0),
                                             jnp.int32)])
    for k in range(8):
        idst[pl.ds(ni + k * 16, 16)] = lastn

    def c_body(j, _):
        for q in range(8):
            idst2[j, pl.ds(q * 16, 16)] = idst[pl.ds(j * 128 + q * 16, 16)]
        return 0
    lax.fori_loop(0, NTR, c_body, 0)

    def ts_f(j, _):
        pltpu.async_copy(ts_hbm.at[ts_idx.at[pl.ds(j * 128, 128)]],
                         ts_buf.at[pl.ds(j * 128, 128)], semt)
        return 0
    lax.fori_loop(0, 25, ts_f, 0)

    def _mw(c, q, drain):
        start = lo + c * 128

        @pl.when(start + 128 <= NNODES)
        def _():
            d = pltpu.make_async_copy(
                rbufs[q], msg_out.at[pl.ds(start, 128), :], semw[q])
            if drain:
                d.wait()
            else:
                d.start()

        @pl.when((start < NNODES) & (start + 128 > NNODES))
        def _():
            d = pltpu.make_async_copy(
                rbufs[q].at[pl.ds(0, 96), :],
                msg_out.at[pl.ds(start, 96), :], semw[q])
            if drain:
                d.wait()
            else:
                d.start()

    def m_body(j, _):
        for q in range(4):

            @pl.when(j > 0)
            def _():
                _mw(j * 4 + q - 4, q, drain=True)
                pltpu.async_copy(
                    msg_hbm.at[ts_idx.at[pl.ds((j * 4 + q) * 128, 128)]],
                    rbufs[q], semg)
        for q in range(4):
            pltpu.make_async_copy(
                msg_hbm.at[pl.ds(0, 128), :], rbufs[q], semg).wait()
            _mw(j * 4 + q, q, drain=False)
        return 0
    lax.fori_loop(0, 6, m_body, 0)

    for q in range(4):
        _mw(20 + q, q, drain=True)

    @pl.when(lo + 24 * 128 + 64 <= NNODES)
    def _():
        tg = pltpu.async_copy(
            msg_hbm.at[ts_idx.at[pl.ds(24 * 128, 64)]],
            rows_a.at[pl.ds(0, 64), :], semg)
        tg.wait()
        pltpu.async_copy(rows_a.at[pl.ds(0, 64), :],
                         msg_out.at[pl.ds(lo + 24 * 128, 64), :], sems).wait()

    nit = (ni + 127) // 128

    def z_f(j, _):
        pltpu.async_copy(zbuf, msg_out.at[idst2.at[j]], sems)
        return 0
    lax.fori_loop(0, nit, z_f, 0)

    def ts_d(j, _):
        pltpu.make_async_copy(ts_hbm.at[pl.ds(0, 128)],
                              ts_buf.at[pl.ds(j * 128, 128)], semt).wait()
        return 0
    lax.fori_loop(0, 25, ts_d, 0)

    def ts_m(g, _):
        v = vi_buf[pl.ds(g * 16, 16)].astype(jnp.float32)
        ts_buf[pl.ds(g * 16, 16)] = ts_buf[pl.ds(g * 16, 16)] * v
        return 0
    lax.fori_loop(0, GROUPS, ts_m, 0)
    NLAST = NNODES - (NW - 1) * NT

    @pl.when(lo + NT <= NNODES)
    def _():
        pltpu.sync_copy(ts_buf.at[pl.ds(0, NT)], ts_out.at[pl.ds(lo, NT)])
        pltpu.sync_copy(vi_buf.at[pl.ds(0, NT)], vi_out.at[pl.ds(lo, NT)])

    @pl.when(lo + NT > NNODES)
    def _():
        pltpu.sync_copy(ts_buf.at[pl.ds(0, NLAST)],
                        ts_out.at[pl.ds(lo, NLAST)])
        pltpu.sync_copy(vi_buf.at[pl.ds(0, NLAST)],
                        vi_out.at[pl.ds(lo, NLAST)])

    def z_d(j, _):
        pltpu.make_async_copy(zbuf, msg_out.at[idst2.at[j]], sems).wait()
        return 0
    lax.fori_loop(0, nit, z_d, 0)


_k2 = pl.kernel(
    _body2,
    out_type=[
        jax.ShapeDtypeStruct((NNODES, ND), jnp.float32),
        jax.ShapeDtypeStruct((NNODES,), jnp.float32),
        jax.ShapeDtypeStruct((NNODES,), jnp.int32),
    ],
    mesh=plsc.VectorSubcoreMesh(core_axis_name="c", subcore_axis_name="s"),
    compiler_params=pltpu.CompilerParams(needs_layout_passes=False),
    scratch_types=[
        pltpu.VMEM((NT,), jnp.int32),
        pltpu.VMEM((NT,), jnp.int32),
        pltpu.VMEM((NT,), jnp.int32),
        pltpu.VMEM((NT,), jnp.int32),
        pltpu.VMEM((NT,), jnp.int32),
        pltpu.VMEM((NT,), jnp.int32),
        pltpu.VMEM((NT,), jnp.int32),
        pltpu.VMEM((NT,), jnp.int32),
        pltpu.VMEM((NT,), jnp.int32),
        pltpu.VMEM((16,), jnp.int32),
        pltpu.VMEM((TBUF,), jnp.int32),
        pltpu.VMEM((TBUF,), jnp.int32),
        pltpu.VMEM((TBUF,), jnp.int32),
        pltpu.VMEM((NTR, 128), jnp.int32),
        pltpu.VMEM((TBUF,), jnp.float32),
        pltpu.VMEM((128, ND), jnp.float32),
        pltpu.VMEM((128, ND), jnp.float32),
        pltpu.VMEM((128, ND), jnp.float32),
        pltpu.VMEM((128, ND), jnp.float32),
        pltpu.VMEM((128, ND), jnp.float32),
        pltpu.SemaphoreType.DMA,
        pltpu.SemaphoreType.DMA,
        pltpu.SemaphoreType.DMA,
        pltpu.SemaphoreType.DMA,
        pltpu.SemaphoreType.DMA,
        pltpu.SemaphoreType.DMA,
        pltpu.SemaphoreType.DMA,
        pltpu.SemaphoreType.DMA,
    ],
)


def kernel(node_ids, messages, timestamps, n_nodes):
    (partials,) = _k1(node_ids)
    zeros = jnp.zeros((128, ND), jnp.float32)
    nn = jnp.full((16,), n_nodes, jnp.int32)
    msg_o, ts_o, vi_o = _k2(partials, messages, timestamps, zeros, nn)
    return msg_o, ts_o, vi_o > 0

# --- scband reference (transcript-rebuilt; emitter-appended) ---
"""Pipeline reference for scband-last-message-aggregator-56487409877344 (READ-ONLY COPY).

The authoritative reference and input builder live on the scoring server;
editing this copy changes nothing except your own understanding.
"""

import jax, jax.numpy as jnp
import numpy as np

N_EVENTS = 200000
N_NODES = 100000
MSG_DIM = 128

def setup_inputs(seed: int = 0) -> dict:
    key = jax.random.key(seed)
    k1, k2, k3 = jax.random.split(key, 3)
    node_ids = jax.random.randint(k1, (N_EVENTS,), 0, N_NODES, dtype=jnp.int64 if jax.config.jax_enable_x64 else jnp.int32).astype(jnp.int32)
    messages = jax.random.normal(k2, (N_EVENTS, MSG_DIM), dtype=jnp.float32)
    timestamps = jax.random.uniform(k3, (N_EVENTS,), dtype=jnp.float32)
    return {"node_ids": node_ids, "messages": messages, "timestamps": timestamps, "n_nodes": N_NODES}

def reference(node_ids, messages, timestamps, n_nodes):
    # LastMessageAggregator: for each unique node id appearing in the event
    # stream, keep only the LAST (most recent, i.e. last-occurring) message
    # and its timestamp. Dense tensorized equivalent of the python dict loop:
    #   unique_node_ids = np.unique(node_ids); messages[node_id][-1]
    n_events = node_ids.shape[0]
    positions = jnp.arange(n_events, dtype=jnp.int32)
    # scatter-max of event position per node -> index of last message for each node
    last_pos = jnp.full((N_NODES,), -1, dtype=jnp.int32).at[node_ids].max(positions)
    in_range = jnp.arange(N_NODES, dtype=jnp.int32) < n_nodes
    valid = (last_pos >= 0) & in_range  # nodes that have at least one message (the unique set)
    safe_pos = jnp.where(valid, last_pos, 0)
    # gather the last message / timestamp for each node with messages
    aggregated_messages = jnp.where(valid[:, None], jnp.take(messages, safe_pos, axis=0), 0.0)
    aggregated_timestamps = jnp.where(valid, jnp.take(timestamps, safe_pos, axis=0), 0.0)
    return aggregated_messages, aggregated_timestamps, valid

if __name__ == "__main__":
    import jax
    _d = setup_inputs()
    print(jax.jit(kernel)(*tuple(_d.values())))

</pallas_src>

<mosaic_0001>
#map = affine_map<(d0, d1) -> (0)>
module attributes {stable_mosaic.version = 14 : i64} {
  func.func @_body1(%arg0: i32, %arg1: i32, %arg2: memref<200000xi32, #tpu.memory_space<hbm>>, %arg3: memref<3211264xi32, #tpu.memory_space<hbm>>, %arg4: memref<100352xi32, #tpu.memory_space<vmem>>, %arg5: memref<6256xi32, #tpu.memory_space<vmem>>) attributes {dimension_semantics = [#tpu.dimension_semantics<core_parallel>, #tpu.dimension_semantics<subcore_parallel>], iteration_bounds = array<i64: 2, 16>, scalar_prefetch = 0 : i64, scratch_operands = 2 : i64, tpu.core_type = #tpu.core_type<sc_vector_subcore>, window_params = [{transform_indices = #map}, {transform_indices = #map}]} {
    %mul3A = arith.constant 2 : i32
    %mul3A_0 = arith.muli %arg1, %mul3A : i32
    %add3A = arith.addi %mul3A_0, %arg0 : i32
    %iota3A = tpu.iota {dimensions = array<i32: 0>} : vector<16xi32>
    %broadcast_in_dim3A = arith.constant -1 : i32
    %broadcast_in_dim3A_1 = vector.broadcast %broadcast_in_dim3A : i32 to vector<16xi32>
    %scan3A = arith.constant 0 : i32
    %scan3A_2 = arith.constant 0 : i32
    %scan3A_3 = arith.constant 1568 : i32
    %scan3A_4 = arith.addi %scan3A_2, %scan3A_3 : i32
    %scan3A_5 = arith.constant 1 : i32
    %scan3A_6 = scf.for %scan3A_20 = %scan3A_2 to %scan3A_4 step %scan3A_5 iter_args(%scan3A_21 = %scan3A) -> (i32)  : i32 {
      %mul3A_22 = arith.constant 64 : i32
      %mul3A_23 = arith.muli %scan3A_20, %mul3A_22 : i32
      %add3A_24 = arith.constant 0 : i32
      %add3A_25 = arith.addi %mul3A_23, %add3A_24 : i32
      %swap3A = arith.index_cast %add3A_25 : i32 to index
      %swap3A_26 = tpu.vector_load %arg4[%swap3A] {strides = array<i32>} : memref<100352xi32, #tpu.memory_space<vmem>>, vector<16xi32>,
      tpu.vector_store %arg4[%swap3A], %broadcast_in_dim3A_1 {strides = array<i32>} : memref<100352xi32, #tpu.memory_space<vmem>>, vector<16xi32>,
      %mul3A_27 = arith.constant 64 : i32
      %mul3A_28 = arith.muli %scan3A_20, %mul3A_27 : i32
      %add3A_29 = arith.constant 16 : i32
      %add3A_30 = arith.addi %mul3A_28, %add3A_29 : i32
      %swap3A_31 = arith.index_cast %add3A_30 : i32 to index
      %swap3A_32 = tpu.vector_load %arg4[%swap3A_31] {strides = array<i32>} : memref<100352xi32, #tpu.memory_space<vmem>>, vector<16xi32>,
      tpu.vector_store %arg4[%swap3A_31], %broadcast_in_dim3A_1 {strides = array<i32>} : memref<100352xi32, #tpu.memory_space<vmem>>, vector<16xi32>,
      %mul3A_33 = arith.constant 64 : i32
      %mul3A_34 = arith.muli %scan3A_20, %mul3A_33 : i32
      %add3A_35 = arith.constant 32 : i32
      %add3A_36 = arith.addi %mul3A_34, %add3A_35 : i32
      %swap3A_37 = arith.index_cast %add3A_36 : i32 to index
      %swap3A_38 = tpu.vector_load %arg4[%swap3A_37] {strides = array<i32>} : memref<100352xi32, #tpu.memory_space<vmem>>, vector<16xi32>,
      tpu.vector_store %arg4[%swap3A_37], %broadcast_in_dim3A_1 {strides = array<i32>} : memref<100352xi32, #tpu.memory_space<vmem>>, vector<16xi32>,
      %mul3A_39 = arith.constant 64 : i32
      %mul3A_40 = arith.muli %scan3A_20, %mul3A_39 : i32
      %add3A_41 = arith.constant 48 : i32
      %add3A_42 = arith.addi %mul3A_40, %add3A_41 : i32
      %swap3A_43 = arith.index_cast %add3A_42 : i32 to index
      %swap3A_44 = tpu.vector_load %arg4[%swap3A_43] {strides = array<i32>} : memref<100352xi32, #tpu.memory_space<vmem>>, vector<16xi32>,
      tpu.vector_store %arg4[%swap3A_43], %broadcast_in_dim3A_1 {strides = array<i32>} : memref<100352xi32, #tpu.memory_space<vmem>>, vector<16xi32>,
      %scan3A_45 = arith.constant 0 : i32
      scf.yield %scan3A_45 : i32
    }
    %scan3A_7 = arith.constant 1568 : i32
    %mul3A_8 = arith.constant 6250 : i32
    %mul3A_9 = arith.muli %add3A, %mul3A_8 : i32
    %rem3A = arith.constant 8 : i32
    %rem3A_10 = arith.remsi %mul3A_9, %rem3A : i32
    %sub3A = arith.subi %mul3A_9, %rem3A_10 : i32
    %multiple_of3A = tpu.assume_multiple %sub3A, 8 : i32
    "tpu.region"() ({
      %run_scoped3A = tpu.sem_alloc : memref<!tpu.dma_semaphore, #tpu.memory_space<semaphore_mem>>
      %dma_start3A = tpu.memref_slice %arg2[%multiple_of3A] : memref<200000xi32, #tpu.memory_space<hbm>> -> memref<6256xi32, #tpu.memory_space<hbm>>
      %dma_start3A_20 = tpu.memref_slice %arg2[%multiple_of3A] : memref<200000xi32, #tpu.memory_space<hbm>> -> memref<6256xi32, #tpu.memory_space<hbm>>
      tpu.enqueue_dma source(%dma_start3A_20 : memref<6256xi32, #tpu.memory_space<hbm>>) target(%arg5 : memref<6256xi32, #tpu.memory_space<vmem>>) target_semaphore(%run_scoped3A : memref<!tpu.dma_semaphore, #tpu.memory_space<semaphore_mem>>)
      %dma_wait3A = tpu.memref_slice %arg2[%multiple_of3A] : memref<200000xi32, #tpu.memory_space<hbm>> -> memref<6256xi32, #tpu.memory_space<hbm>>
      %dma_wait3A_21 = tpu.memref_slice %arg2[%multiple_of3A] : memref<200000xi32, #tpu.memory_space<hbm>> -> memref<6256xi32, #tpu.memory_space<hbm>>
      tpu.wait_dma2 semaphore(%run_scoped3A : memref<!tpu.dma_semaphore, #tpu.memory_space<semaphore_mem>>) src(%dma_wait3A_21 : memref<6256xi32, #tpu.memory_space<hbm>>) dst(%arg5 : memref<6256xi32, #tpu.memory_space<vmem>>)
      tpu.yield
    }) : () -> ()
    %scan3A_11 = arith.constant 0 : i32
    %scan3A_12 = arith.constant 0 : i32
    %scan3A_13 = arith.constant 391 : i32
    %scan3A_14 = arith.addi %scan3A_12, %scan3A_13 : i32
    %scan3A_15 = arith.constant 1 : i32
    %scan3A_16 = scf.for %scan3A_20 = %scan3A_12 to %scan3A_14 step %scan3A_15 iter_args(%scan3A_21 = %scan3A_11) -> (i32)  : i32 {
      %mul3A_22 = arith.constant 16 : i32
      %mul3A_23 = arith.muli %scan3A_20, %mul3A_22 : i32
      %get3A = arith.index_cast %mul3A_23 : i32 to index
      %get3A_24 = tpu.vector_load %arg5[%get3A] {strides = array<i32>} : memref<6256xi32, #tpu.memory_space<vmem>>, vector<16xi32>,
      %mul3A_25 = arith.constant 16 : i32
      %mul3A_26 = arith.muli %scan3A_20, %mul3A_25 : i32
      %add3A_27 = arith.addi %multiple_of3A, %mul3A_26 : i32
      %add3A_28 = vector.broadcast %add3A_27 : i32 to vector<16xi32>
      %add3A_29 = arith.addi %add3A_28, %iota3A : vector<16xi32>
      %shift_left3A = arith.constant 4 : i32
      %shift_left3A_30 = vector.broadcast %shift_left3A : i32 to vector<16xi32>
      %shift_left3A_31 = arith.shli %get3A_24, %shift_left3A_30 : vector<16xi32>
      %add3A_32 = arith.addi %shift_left3A_31, %iota3A : vector<16xi32>
      %sort3A = arith.constant dense<true> : vector<16xi1>
      %sort3A_33, %sort3A_34, %sort3A_35 = tpu.sort %add3A_32, %add3A_29 masked %sort3A : (vector<16xi32>, vector<16xi32>, vector<16xi1>) -> (vector<16xi1>, vector<16xi32>, vector<16xi32>)
      %shift_right_arithmetic3A = arith.constant 4 : i32
      %shift_right_arithmetic3A_36 = vector.broadcast %shift_right_arithmetic3A : i32 to vector<16xi32>
      %shift_right_arithmetic3A_37 = arith.shrsi %sort3A_34, %shift_right_arithmetic3A_36 : vector<16xi32>
      %add3A_38 = arith.constant 1 : i32
      %add3A_39 = vector.broadcast %add3A_38 : i32 to vector<16xi32>
      %add3A_40 = arith.addi %iota3A, %add3A_39 : vector<16xi32>
      %min3A = arith.constant 15 : i32
      %min3A_41 = vector.broadcast %min3A : i32 to vector<16xi32>
      %min3A_42 = arith.minsi %add3A_40, %min3A_41 : vector<16xi32>
      %reshape3A = vector.shape_cast %min3A_42 : vector<16xi32> to vector<16x1xi32>
      %gather3A = vector.shape_cast %reshape3A : vector<16x1xi32> to vector<16xi32>
      %gather3A_43 = tpu.dynamic_gather %shift_right_arithmetic3A_37[%gather3A] in [0] : vector<16xi32>, vector<16xi32> -> vector<16xi32>
      %ne3A = arith.cmpi ne, %shift_right_arithmetic3A_37, %gather3A_43 : vector<16xi32>
      %eq3A = arith.constant 15 : i32
      %eq3A_44 = vector.broadcast %eq3A : i32 to vector<16xi32>
      %eq3A_45 = arith.cmpi eq, %iota3A, %eq3A_44 : vector<16xi32>
      %or3A = arith.ori %ne3A, %eq3A_45 : vector<16xi1>
      %jit3A = arith.constant 0 : i32
      %jit3A_46 = arith.constant 100351 : i32
      %max3A = vector.broadcast %jit3A : i32 to vector<16xi32>
      %max3A_47 = arith.maxsi %max3A, %shift_right_arithmetic3A_37 : vector<16xi32>
      %min3A_48 = vector.broadcast %jit3A_46 : i32 to vector<16xi32>
      %min3A_49 = arith.minsi %min3A_48, %max3A_47 : vector<16xi32>
      tpu.vector_store_idx %arg4[%min3A_49], %sort3A_35 masked %or3A : memref<100352xi32, #tpu.memory_space<vmem>>[vector<16xi32>], vector<16xi32>, vector<16xi1>
      %scan3A_50 = arith.constant 0 : i32
      scf.yield %scan3A_50 : i32
    }
    %scan3A_17 = arith.constant 391 : i32
    %mul3A_18 = arith.constant 100352 : i32
    %mul3A_19 = arith.muli %add3A, %mul3A_18 : i32
    "tpu.region"() ({
      %run_scoped3A = tpu.sem_alloc : memref<!tpu.dma_semaphore, #tpu.memory_space<semaphore_mem>>
      %dma_start3A = tpu.memref_slice %arg3[%mul3A_19] : memref<3211264xi32, #tpu.memory_space<hbm>> -> memref<100352xi32, #tpu.memory_space<hbm>>
      %dma_start3A_20 = tpu.memref_slice %arg3[%mul3A_19] : memref<3211264xi32, #tpu.memory_space<hbm>> -> memref<100352xi32, #tpu.memory_space<hbm>>
      tpu.enqueue_dma source(%arg4 : memref<100352xi32, #tpu.memory_space<vmem>>) target(%dma_start3A_20 : memref<100352xi32, #tpu.memory_space<hbm>>) target_semaphore(%run_scoped3A : memref<!tpu.dma_semaphore, #tpu.memory_space<semaphore_mem>>)
      %dma_wait3A = tpu.memref_slice %arg3[%mul3A_19] : memref<3211264xi32, #tpu.memory_space<hbm>> -> memref<100352xi32, #tpu.memory_space<hbm>>
      %dma_wait3A_21 = tpu.memref_slice %arg3[%mul3A_19] : memref<3211264xi32, #tpu.memory_space<hbm>> -> memref<100352xi32, #tpu.memory_space<hbm>>
      tpu.wait_dma2 semaphore(%run_scoped3A : memref<!tpu.dma_semaphore, #tpu.memory_space<semaphore_mem>>) src(%arg4 : memref<100352xi32, #tpu.memory_space<vmem>>) dst(%dma_wait3A_21 : memref<100352xi32, #tpu.memory_space<hbm>>)
      tpu.yield
    }) : () -> ()
    return
  }
}

#map = affine_map<(d0, d1) -> (0)>
#map1 = affine_map<(d0, d1) -> (0, 0)>
module attributes {stable_mosaic.version = 14 : i64} {
  func.func @_body2(%arg0: i32, %arg1: i32, %arg2: memref<3211264xi32, #tpu.memory_space<hbm>>, %arg3: memref<200000x128xf32, #tpu.memory_space<hbm>>, %arg4: memref<200000xf32, #tpu.memory_space<hbm>>, %arg5: memref<128x128xf32, #tpu.memory_space<hbm>>, %arg6: memref<16xi32, #tpu.memory_space<hbm>>, %arg7: memref<100000x128xf32, #tpu.memory_space<hbm>>, %arg8: memref<100000xf32, #tpu.memory_space<hbm>>, %arg9: memref<100000xi32, #tpu.memory_space<hbm>>, %arg10: memref<3136xi32, #tpu.memory_space<vmem>>, %arg11: memref<3136xi32, #tpu.memory_space<vmem>>, %arg12: memref<3136xi32, #tpu.memory_space<vmem>>, %arg13: memref<3136xi32, #tpu.memory_space<vmem>>, %arg14: memref<3136xi32, #tpu.memory_space<vmem>>, %arg15: memref<3136xi32, #tpu.memory_space<vmem>>, %arg16: memref<3136xi32, #tpu.memory_space<vmem>>, %arg17: memref<3136xi32, #tpu.memory_space<vmem>>, %arg18: memref<3136xi32, #tpu.memory_space<vmem>>, %arg19: memref<16xi32, #tpu.memory_space<vmem>>, %arg20: memref<3328xi32, #tpu.memory_space<vmem>>, %arg21: memref<3328xi32, #tpu.memory_space<vmem>>, %arg22: memref<3328xi32, #tpu.memory_space<vmem>>, %arg23: memref<26x128xi32, #tpu.memory_space<vmem>>, %arg24: memref<3328xf32, #tpu.memory_space<vmem>>, %arg25: memref<128x128xf32, #tpu.memory_space<vmem>>, %arg26: memref<128x128xf32, #tpu.memory_space<vmem>>, %arg27: memref<128x128xf32, #tpu.memory_space<vmem>>, %arg28: memref<128x128xf32, #tpu.memory_space<vmem>>, %arg29: memref<128x128xf32, #tpu.memory_space<vmem>>, %arg30: memref<!tpu.dma_semaphore, #tpu.memory_space<semaphore_mem>>, %arg31: memref<!tpu.dma_semaphore, #tpu.memory_space<semaphore_mem>>, %arg32: memref<!tpu.dma_semaphore, #tpu.memory_space<semaphore_mem>>, %arg33: memref<!tpu.dma_semaphore, #tpu.memory_space<semaphore_mem>>, %arg34: memref<!tpu.dma_semaphore, #tpu.memory_space<semaphore_mem>>, %arg35: memref<!tpu.dma_semaphore, #tpu.memory_space<semaphore_mem>>, %arg36: memref<!tpu.dma_semaphore, #tpu.memory_space<semaphore_mem>>, %arg37: memref<!tpu.dma_semaphore, #tpu.memory_space<semaphore_mem>>) attributes {dimension_semantics = [#tpu.dimension_semantics<core_parallel>, #tpu.dimension_semantics<subcore_parallel>], iteration_bounds = array<i64: 2, 16>, scalar_prefetch = 0 : i64, scratch_operands = 28 : i64, tpu.core_type = #tpu.core_type<sc_vector_subcore>, window_params = [{transform_indices = #map}, {transform_indices = #map1}, {transform_indices = #map}, {transform_indices = #map1}, {transform_indices = #map}, {transform_indices = #map1}, {transform_indices = #map}, {transform_indices = #map}]} {
    %mul3A = arith.constant 2 : i32
    %mul3A_0 = arith.muli %arg1, %mul3A : i32
    %add3A = arith.addi %mul3A_0, %arg0 : i32
    %mul3A_1 = arith.constant 3136 : i32
    %mul3A_2 = arith.muli %add3A, %mul3A_1 : i32
    %iota3A = tpu.iota {dimensions = array<i32: 0>} : vector<16xi32>
    "tpu.region"() ({
      %run_scoped3A = tpu.sem_alloc : memref<!tpu.dma_semaphore, #tpu.memory_space<semaphore_mem>>
      tpu.enqueue_dma source(%arg6 : memref<16xi32, #tpu.memory_space<hbm>>) target(%arg19 : memref<16xi32, #tpu.memory_space<vmem>>) target_semaphore(%run_scoped3A : memref<!tpu.dma_semaphore, #tpu.memory_space<semaphore_mem>>)
      tpu.wait_dma2 semaphore(%run_scoped3A : memref<!tpu.dma_semaphore, #tpu.memory_space<semaphore_mem>>) src(%arg6 : memref<16xi32, #tpu.memory_space<hbm>>) dst(%arg19 : memref<16xi32, #tpu.memory_space<vmem>>)
      tpu.yield
    }) : () -> ()
    "tpu.region"() ({
      %run_scoped3A = tpu.sem_alloc : memref<!tpu.dma_semaphore, #tpu.memory_space<semaphore_mem>>
      tpu.enqueue_dma source(%arg5 : memref<128x128xf32, #tpu.memory_space<hbm>>) target(%arg29 : memref<128x128xf32, #tpu.memory_space<vmem>>) target_semaphore(%run_scoped3A : memref<!tpu.dma_semaphore, #tpu.memory_space<semaphore_mem>>)
      tpu.wait_dma2 semaphore(%run_scoped3A : memref<!tpu.dma_semaphore, #tpu.memory_space<semaphore_mem>>) src(%arg5 : memref<128x128xf32, #tpu.memory_space<hbm>>) dst(%arg29 : memref<128x128xf32, #tpu.memory_space<vmem>>)
      tpu.yield
    }) : () -> ()
    %broadcast_in_dim3A = arith.constant -1 : i32
    %broadcast_in_dim3A_3 = vector.broadcast %broadcast_in_dim3A : i32 to vector<16xi32>
    %broadcast_in_dim3A_4 = arith.constant 0 : i32
    %broadcast_in_dim3A_5 = vector.broadcast %broadcast_in_dim3A_4 : i32 to vector<16xi32>
    %broadcast_in_dim3A_6 = arith.constant 100352 : i32
    %broadcast_in_dim3A_7 = vector.broadcast %broadcast_in_dim3A_6 : i32 to vector<16xi32>
    %scan3A = arith.constant 0 : i32
    %scan3A_8 = arith.constant 0 : i32
    %scan3A_9 = arith.constant 196 : i32
    %scan3A_10 = arith.addi %scan3A_8, %scan3A_9 : i32
    %scan3A_11 = arith.constant 1 : i32
    %scan3A_12 = scf.for %scan3A_570 = %scan3A_8 to %scan3A_10 step %scan3A_11 iter_args(%scan3A_571 = %scan3A) -> (i32)  : i32 {
      %mul3A_572 = arith.constant 16 : i32
      %mul3A_573 = arith.muli %scan3A_570, %mul3A_572 : i32
      %swap3A_574 = arith.index_cast %mul3A_573 : i32 to index
      %swap3A_575 = tpu.vector_load %arg10[%swap3A_574] {strides = array<i32>} : memref<3136xi32, #tpu.memory_space<vmem>>, vector<16xi32>,
      tpu.vector_store %arg10[%swap3A_574], %broadcast_in_dim3A_3 {strides = array<i32>} : memref<3136xi32, #tpu.memory_space<vmem>>, vector<16xi32>,
      %scan3A_576 = arith.constant 0 : i32
      scf.yield %scan3A_576 : i32
    }
    %scan3A_13 = arith.constant 196 : i32
    %scan3A_14 = arith.constant 0 : i32
    %scan3A_15 = arith.constant 0 : i32
    %scan3A_16 = arith.constant 208 : i32
    %scan3A_17 = arith.addi %scan3A_15, %scan3A_16 : i32
    %scan3A_18 = arith.constant 1 : i32
    %scan3A_19 = scf.for %scan3A_570 = %scan3A_15 to %scan3A_17 step %scan3A_18 iter_args(%scan3A_571 = %scan3A_14) -> (i32)  : i32 {
      %mul3A_572 = arith.constant 16 : i32
      %mul3A_573 = arith.muli %scan3A_570, %mul3A_572 : i32
      %swap3A_574 = arith.index_cast %mul3A_573 : i32 to index
      %swap3A_575 = tpu.vector_load %arg20[%swap3A_574] {strides = array<i32>} : memref<3328xi32, #tpu.memory_space<vmem>>, vector<16xi32>,
      tpu.vector_store %arg20[%swap3A_574], %broadcast_in_dim3A_5 {strides = array<i32>} : memref<3328xi32, #tpu.memory_space<vmem>>, vector<16xi32>,
      %mul3A_576 = arith.constant 16 : i32
      %mul3A_577 = arith.muli %scan3A_570, %mul3A_576 : i32
      %swap3A_578 = arith.index_cast %mul3A_577 : i32 to index
      %swap3A_579 = tpu.vector_load %arg22[%swap3A_578] {strides = array<i32>} : memref<3328xi32, #tpu.memory_space<vmem>>, vector<16xi32>,
      tpu.vector_store %arg22[%swap3A_578], %broadcast_in_dim3A_7 {strides = array<i32>} : memref<3328xi32, #tpu.memory_space<vmem>>, vector<16xi32>,
      %scan3A_580 = arith.constant 0 : i32
      scf.yield %scan3A_580 : i32
    }
    %scan3A_20 = arith.constant 208 : i32
    %add3A_21 = arith.constant 0 : i32
    %add3A_22 = arith.addi %add3A_21, %mul3A_2 : i32
    %dma_start3A = tpu.memref_slice %arg2[%add3A_22] : memref<3211264xi32, #tpu.memory_space<hbm>> -> memref<3136xi32, #tpu.memory_space<hbm>>
    %dma_start3A_23 = tpu.memref_slice %arg2[%add3A_22] : memref<3211264xi32, #tpu.memory_space<hbm>> -> memref<3136xi32, #tpu.memory_space<hbm>>
    tpu.enqueue_dma source(%dma_start3A_23 : memref<3136xi32, #tpu.memory_space<hbm>>) target(%arg11 : memref<3136xi32, #tpu.memory_space<vmem>>) target_semaphore(%arg32 : memref<!tpu.dma_semaphore, #tpu.memory_space<semaphore_mem>>)
    %add3A_24 = arith.constant 100352 : i32
    %add3A_25 = arith.addi %add3A_24, %mul3A_2 : i32
    %dma_start3A_26 = tpu.memref_slice %arg2[%add3A_25] : memref<3211264xi32, #tpu.memory_space<hbm>> -> memref<3136xi32, #tpu.memory_space<hbm>>
    %dma_start3A_27 = tpu.memref_slice %arg2[%add3A_25] : memref<3211264xi32, #tpu.memory_space<hbm>> -> memref<3136xi32, #tpu.memory_space<hbm>>
    tpu.enqueue_dma source(%dma_start3A_27 : memref<3136xi32, #tpu.memory_space<hbm>>) target(%arg12 : memref<3136xi32, #tpu.memory_space<vmem>>) target_semaphore(%arg32 : memref<!tpu.dma_semaphore, #tpu.memory_space<semaphore_mem>>)
    %add3A_28 = arith.constant 200704 : i32
    %add3A_29 = arith.addi %add3A_28, %mul3A_2 : i32
    %dma_start3A_30 = tpu.memref_slice %arg2[%add3A_29] : memref<3211264xi32, #tpu.memory_space<hbm>> -> memref<3136xi32, #tpu.memory_space<hbm>>
    %dma_start3A_31 = tpu.memref_slice %arg2[%add3A_29] : memref<3211264xi32, #tpu.memory_space<hbm>> -> memref<3136xi32, #tpu.memory_space<hbm>>
    tpu.enqueue_dma source(%dma_start3A_31 : memref<3136xi32, #tpu.memory_space<hbm>>) target(%arg13 : memref<3136xi32, #tpu.memory_space<vmem>>) target_semaphore(%arg32 : memref<!tpu.dma_semaphore, #tpu.memory_space<semaphore_mem>>)
    %add3A_32 = arith.constant 301056 : i32
    %add3A_33 = arith.addi %add3A_32, %mul3A_2 : i32
    %dma_start3A_34 = tpu.memref_slice %arg2[%add3A_33] : memref<3211264xi32, #tpu.memory_space<hbm>> -> memref<3136xi32, #tpu.memory_space<hbm>>
    %dma_start3A_35 = tpu.memref_slice %arg2[%add3A_33] : memref<3211264xi32, #tpu.memory_space<hbm>> -> memref<3136xi32, #tpu.memory_space<hbm>>
    tpu.enqueue_dma source(%dma_start3A_35 : memref<3136xi32, #tpu.memory_space<hbm>>) target(%arg14 : memref<3136xi32, #tpu.memory_space<vmem>>) target_semaphore(%arg32 : memref<!tpu.dma_semaphore, #tpu.memory_space<semaphore_mem>>)
    %add3A_36 = arith.constant 0 : i32
    %add3A_37 = arith.addi %add3A_36, %mul3A_2 : i32
    %dma_wait3A = tpu.memref_slice %arg2[%add3A_37] : memref<3211264xi32, #tpu.memory_space<hbm>> -> memref<3136xi32, #tpu.memory_space<hbm>>
    %dma_wait3A_38 = tpu.memref_slice %arg2[%add3A_37] : memref<3211264xi32, #tpu.memory_space<hbm>> -> memref<3136xi32, #tpu.memory_space<hbm>>
    tpu.wait_dma2 semaphore(%arg32 : memref<!tpu.dma_semaphore, #tpu.memory_space<semaphore_mem>>) src(%dma_wait3A_38 : memref<3136xi32, #tpu.memory_space<hbm>>) dst(%arg11 : memref<3136xi32, #tpu.memory_space<vmem>>)
    %add3A_39 = arith.constant 100352 : i32
    %add3A_40 = arith.addi %add3A_39, %mul3A_2 : i32
    %dma_wait3A_41 = tpu.memref_slice %arg2[%add3A_40] : memref<3211264xi32, #tpu.memory_space<hbm>> -> memref<3136xi32, #tpu.memory_space<hbm>>
    %dma_wait3A_42 = tpu.memref_slice %arg2[%add3A_40] : memref<3211264xi32, #tpu.memory_space<hbm>> -> memref<3136xi32, #tpu.memory_space<hbm>>
    tpu.wait_dma2 semaphore(%arg32 : memref<!tpu.dma_semaphore, #tpu.memory_space<semaphore_mem>>) src(%dma_wait3A_42 : memref<3136xi32, #tpu.memory_space<hbm>>) dst(%arg12 : memref<3136xi32, #tpu.memory_space<vmem>>)
    %add3A_43 = arith.constant 200704 : i32
    %add3A_44 = arith.addi %add3A_43, %mul3A_2 : i32
    %dma_wait3A_45 = tpu.memref_slice %arg2[%add3A_44] : memref<3211264xi32, #tpu.memory_space<hbm>> -> memref<3136xi32, #tpu.memory_space<hbm>>
    %dma_wait3A_46 = tpu.memref_slice %arg2[%add3A_44] : memref<3211264xi32, #tpu.memory_space<hbm>> -> memref<3136xi32, #tpu.memory_space<hbm>>
    tpu.wait_dma2 semaphore(%arg32 : memref<!tpu.dma_semaphore, #tpu.memory_space<semaphore_mem>>) src(%dma_wait3A_46 : memref<3136xi32, #tpu.memory_space<hbm>>) dst(%arg13 : memref<3136xi32, #tpu.memory_space<vmem>>)
    %add3A_47 = arith.constant 301056 : i32
    %add3A_48 = arith.addi %add3A_47, %mul3A_2 : i32
    %dma_wait3A_49 = tpu.memref_slice %arg2[%add3A_48] : memref<3211264xi32, #tpu.memory_space<hbm>> -> memref<3136xi32, #tpu.memory_space<hbm>>
    %dma_wait3A_50 = tpu.memref_slice %arg2[%add3A_48] : memref<3211264xi32, #tpu.memory_space<hbm>> -> memref<3136xi32, #tpu.memory_space<hbm>>
    tpu.wait_dma2 semaphore(%arg32 : memref<!tpu.dma_semaphore, #tpu.memory_space<semaphore_mem>>) src(%dma_wait3A_50 : memref<3136xi32, #tpu.memory_space<hbm>>) dst(%arg14 : memref<3136xi32, #tpu.memory_space<vmem>>)
    %add3A_51 = arith.constant 401408 : i32
    %add3A_52 = arith.addi %add3A_51, %mul3A_2 : i32
    %dma_start3A_53 = tpu.memref_slice %arg2[%add3A_52] : memref<3211264xi32, #tpu.memory_space<hbm>> -> memref<3136xi32, #tpu.memory_space<hbm>>
    %dma_start3A_54 = tpu.memref_slice %arg2[%add3A_52] : memref<3211264xi32, #tpu.memory_space<hbm>> -> memref<3136xi32, #tpu.memory_space<hbm>>
    tpu.enqueue_dma source(%dma_start3A_54 : memref<3136xi32, #tpu.memory_space<hbm>>) target(%arg15 : memref<3136xi32, #tpu.memory_space<vmem>>) target_semaphore(%arg37 : memref<!tpu.dma_semaphore, #tpu.memory_space<semaphore_mem>>)
    %add3A_55 = arith.constant 501760 : i32
    %add3A_56 = arith.addi %add3A_55, %mul3A_2 : i32
    %dma_start3A_57 = tpu.memref_slice %arg2[%add3A_56] : memref<3211264xi32, #tpu.memory_space<hbm>> -> memref<3136xi32, #tpu.memory_space<hbm>>
    %dma_start3A_58 = tpu.memref_slice %arg2[%add3A_56] : memref<3211264xi32, #tpu.memory_space<hbm>> -> memref<3136xi32, #tpu.memory_space<hbm>>
    tpu.enqueue_dma source(%dma_start3A_58 : memref<3136xi32, #tpu.memory_space<hbm>>) target(%arg16 : memref<3136xi32, #tpu.memory_space<vmem>>) target_semaphore(%arg37 : memref<!tpu.dma_semaphore, #tpu.memory_space<semaphore_mem>>)
    %add3A_59 = arith.constant 602112 : i32
    %add3A_60 = arith.addi %add3A_59, %mul3A_2 : i32
    %dma_start3A_61 = tpu.memref_slice %arg2[%add3A_60] : memref<3211264xi32, #tpu.memory_space<hbm>> -> memref<3136xi32, #tpu.memory_space<hbm>>
    %dma_start3A_62 = tpu.memref_slice %arg2[%add3A_60] : memref<3211264xi32, #tpu.memory_space<hbm>> -> memref<3136xi32, #tpu.memory_space<hbm>>
    tpu.enqueue_dma source(%dma_start3A_62 : memref<3136xi32, #tpu.memory_space<hbm>>) target(%arg17 : memref<3136xi32, #tpu.memory_space<vmem>>) target_semaphore(%arg37 : memref<!tpu.dma_semaphore, #tpu.memory_space<semaphore_mem>>)
    %add3A_63 = arith.constant 702464 : i32
    %add3A_64 = arith.addi %add3A_63, %mul3A_2 : i32
    %dma_start3A_65 = tpu.memref_slice %arg2[%add3A_64] : memref<3211264xi32, #tpu.memory_space<hbm>> -> memref<3136xi32, #tpu.memory_space<hbm>>
    %dma_start3A_66 = tpu.memref_slice %arg2[%add3A_64] : memref<3211264xi32, #tpu.memory_space<hbm>> -> memref<3136xi32, #tpu.memory_space<hbm>>
    tpu.enqueue_dma source(%dma_start3A_66 : memref<3136xi32, #tpu.memory_space<hbm>>) target(%arg18 : memref<3136xi32, #tpu.memory_space<vmem>>) target_semaphore(%arg37 : memref<!tpu.dma_semaphore, #tpu.memory_space<semaphore_mem>>)
    %scan3A_67 = arith.constant 0 : i32
    %scan3A_68 = arith.constant 0 : i32
    %scan3A_69 = arith.constant 196 : i32
    %scan3A_70 = arith.addi %scan3A_68, %scan3A_69 : i32
    %scan3A_71 = arith.constant 1 : i32
    %scan3A_72 = scf.for %scan3A_570 = %scan3A_68 to %scan3A_70 step %scan3A_71 iter_args(%scan3A_571 = %scan3A_67) -> (i32)  : i32 {
      %mul3A_572 = arith.constant 16 : i32
      %mul3A_573 = arith.muli %scan3A_570, %mul3A_572 : i32
      %get3A_574 = arith.index_cast %mul3A_573 : i32 to index
      %get3A_575 = tpu.vector_load %arg10[%get3A_574] {strides = array<i32>} : memref<3136xi32, #tpu.memory_space<vmem>>, vector<16xi32>,
      %mul3A_576 = arith.constant 16 : i32
      %mul3A_577 = arith.muli %scan3A_570, %mul3A_576 : i32
      %get3A_578 = arith.index_cast %mul3A_577 : i32 to index
      %get3A_579 = tpu.vector_load %arg11[%get3A_578] {strides = array<i32>} : memref<3136xi32, #tpu.memory_space<vmem>>, vector<16xi32>,
      %max3A_580 = arith.maxsi %get3A_575, %get3A_579 : vector<16xi32>
      %mul3A_581 = arith.constant 16 : i32
      %mul3A_582 = arith.muli %scan3A_570, %mul3A_581 : i32
      %get3A_583 = arith.index_cast %mul3A_582 : i32 to index
      %get3A_584 = tpu.vector_load %arg12[%get3A_583] {strides = array<i32>} : memref<3136xi32, #tpu.memory_space<vmem>>, vector<16xi32>,
      %max3A_585 = arith.maxsi %max3A_580, %get3A_584 : vector<16xi32>
      %mul3A_586 = arith.constant 16 : i32
      %mul3A_587 = arith.muli %scan3A_570, %mul3A_586 : i32
      %get3A_588 = arith.index_cast %mul3A_587 : i32 to index
      %get3A_589 = tpu.vector_load %arg13[%get3A_588] {strides = array<i32>} : memref<3136xi32, #tpu.memory_space<vmem>>, vector<16xi32>,
      %max3A_590 = arith.maxsi %max3A_585, %get3A_589 : vector<16xi32>
      %mul3A_591 = arith.constant 16 : i32
      %mul3A_592 = arith.muli %scan3A_570, %mul3A_591 : i32
      %get3A_593 = arith.index_cast %mul3A_592 : i32 to index
      %get3A_594 = tpu.vector_load %arg14[%get3A_593] {strides = array<i32>} : memref<3136xi32, #tpu.memory_space<vmem>>, vector<16xi32>,
      %max3A_595 = arith.maxsi %max3A_590, %get3A_594 : vector<16xi32>
      %mul3A_596 = arith.constant 16 : i32
      %mul3A_597 = arith.muli %scan3A_570, %mul3A_596 : i32
      %swap3A_598 = arith.index_cast %mul3A_597 : i32 to index
      %swap3A_599 = tpu.vector_load %arg10[%swap3A_598] {strides = array<i32>} : memref<3136xi32, #tpu.memory_space<vmem>>, vector<16xi32>,
      tpu.vector_store %arg10[%swap3A_598], %max3A_595 {strides = array<i32>} : memref<3136xi32, #tpu.memory_space<vmem>>, vector<16xi32>,
      %scan3A_600 = arith.constant 0 : i32
      scf.yield %scan3A_600 : i32
    }
    %scan3A_73 = arith.constant 196 : i32
    %add3A_74 = arith.constant 401408 : i32
    %add3A_75 = arith.addi %add3A_74, %mul3A_2 : i32
    %dma_wait3A_76 = tpu.memref_slice %arg2[%add3A_75] : memref<3211264xi32, #tpu.memory_space<hbm>> -> memref<3136xi32, #tpu.memory_space<hbm>>
    %dma_wait3A_77 = tpu.memref_slice %arg2[%add3A_75] : memref<3211264xi32, #tpu.memory_space<hbm>> -> memref<3136xi32, #tpu.memory_space<hbm>>
    tpu.wait_dma2 semaphore(%arg37 : memref<!tpu.dma_semaphore, #tpu.memory_space<semaphore_mem>>) src(%dma_wait3A_77 : memref<3136xi32, #tpu.memory_space<hbm>>) dst(%arg15 : memref<3136xi32, #tpu.memory_space<vmem>>)
    %add3A_78 = arith.constant 501760 : i32
    %add3A_79 = arith.addi %add3A_78, %mul3A_2 : i32
    %dma_wait3A_80 = tpu.memref_slice %arg2[%add3A_79] : memref<3211264xi32, #tpu.memory_space<hbm>> -> memref<3136xi32, #tpu.memory_space<hbm>>
    %dma_wait3A_81 = tpu.memref_slice %arg2[%add3A_79] : memref<3211264xi32, #tpu.memory_space<hbm>> -> memref<3136xi32, #tpu.memory_space<hbm>>
    tpu.wait_dma2 semaphore(%arg37 : memref<!tpu.dma_semaphore, #tpu.memory_space<semaphore_mem>>) src(%dma_wait3A_81 : memref<3136xi32, #tpu.memory_space<hbm>>) dst(%arg16 : memref<3136xi32, #tpu.memory_space<vmem>>)
    %add3A_82 = arith.constant 602112 : i32
    %add3A_83 = arith.addi %add3A_82, %mul3A_2 : i32
    %dma_wait3A_84 = tpu.memref_slice %arg2[%add3A_83] : memref<3211264xi32, #tpu.memory_space<hbm>> -> memref<3136xi32, #tpu.memory_space<hbm>>
    %dma_wait3A_85 = tpu.memref_slice %arg2[%add3A_83] : memref<3211264xi32, #tpu.memory_space<hbm>> -> memref<3136xi32, #tpu.memory_space<hbm>>
    tpu.wait_dma2 semaphore(%arg37 : memref<!tpu.dma_semaphore, #tpu.memory_space<semaphore_mem>>) src(%dma_wait3A_85 : memref<3136xi32, #tpu.memory_space<hbm>>) dst(%arg17 : memref<3136xi32, #tpu.memory_space<vmem>>)
    %add3A_86 = arith.constant 702464 : i32
    %add3A_87 = arith.addi %add3A_86, %mul3A_2 : i32
    %dma_wait3A_88 = tpu.memref_slice %arg2[%add3A_87] : memref<3211264xi32, #tpu.memory_space<hbm>> -> memref<3136xi32, #tpu.memory_space<hbm>>
    %dma_wait3A_89 = tpu.memref_slice %arg2[%add3A_87] : memref<3211264xi32, #tpu.memory_space<hbm>> -> memref<3136xi32, #tpu.memory_space<hbm>>
    tpu.wait_dma2 semaphore(%arg37 : memref<!tpu.dma_semaphore, #tpu.memory_space<semaphore_mem>>) src(%dma_wait3A_89 : memref<3136xi32, #tpu.memory_space<hbm>>) dst(%arg18 : memref<3136xi32, #tpu.memory_space<vmem>>)
    %add3A_90 = arith.constant 802816 : i32
    %add3A_91 = arith.addi %add3A_90, %mul3A_2 : i32
    %dma_start3A_92 = tpu.memref_slice %arg2[%add3A_91] : memref<3211264xi32, #tpu.memory_space<hbm>> -> memref<3136xi32, #tpu.memory_space<hbm>>
    %dma_start3A_93 = tpu.memref_slice %arg2[%add3A_91] : memref<3211264xi32, #tpu.memory_space<hbm>> -> memref<3136xi32, #tpu.memory_space<hbm>>
    tpu.enqueue_dma source(%dma_start3A_93 : memref<3136xi32, #tpu.memory_space<hbm>>) target(%arg11 : memref<3136xi32, #tpu.memory_space<vmem>>) target_semaphore(%arg32 : memref<!tpu.dma_semaphore, #tpu.memory_space<semaphore_mem>>)
    %add3A_94 = arith.constant 903168 : i32
    %add3A_95 = arith.addi %add3A_94, %mul3A_2 : i32
    %dma_start3A_96 = tpu.memref_slice %arg2[%add3A_95] : memref<3211264xi32, #tpu.memory_space<hbm>> -> memref<3136xi32, #tpu.memory_space<hbm>>
    %dma_start3A_97 = tpu.memref_slice %arg2[%add3A_95] : memref<3211264xi32, #tpu.memory_space<hbm>> -> memref<3136xi32, #tpu.memory_space<hbm>>
    tpu.enqueue_dma source(%dma_start3A_97 : memref<3136xi32, #tpu.memory_space<hbm>>) target(%arg12 : memref<3136xi32, #tpu.memory_space<vmem>>) target_semaphore(%arg32 : memref<!tpu.dma_semaphore, #tpu.memory_space<semaphore_mem>>)
    %add3A_98 = arith.constant 1003520 : i32
    %add3A_99 = arith.addi %add3A_98, %mul3A_2 : i32
    %dma_start3A_100 = tpu.memref_slice %arg2[%add3A_99] : memref<3211264xi32, #tpu.memory_space<hbm>> -> memref<3136xi32, #tpu.memory_space<hbm>>
    %dma_start3A_101 = tpu.memref_slice %arg2[%add3A_99] : memref<3211264xi32, #tpu.memory_space<hbm>> -> memref<3136xi32, #tpu.memory_space<hbm>>
    tpu.enqueue_dma source(%dma_start3A_101 : memref<3136xi32, #tpu.memory_space<hbm>>) target(%arg13 : memref<3136xi32, #tpu.memory_space<vmem>>) target_semaphore(%arg32 : memref<!tpu.dma_semaphore, #tpu.memory_space<semaphore_mem>>)
    %add3A_102 = arith.constant 1103872 : i32
    %add3A_103 = arith.addi %add3A_102, %mul3A_2 : i32
    %dma_start3A_104 = tpu.memref_slice %arg2[%add3A_103] : memref<3211264xi32, #tpu.memory_space<hbm>> -> memref<3136xi32, #tpu.memory_space<hbm>>
    %dma_start3A_105 = tpu.memref_slice %arg2[%add3A_103] : memref<3211264xi32, #tpu.memory_space<hbm>> -> memref<3136xi32, #tpu.memory_space<hbm>>
    tpu.enqueue_dma source(%dma_start3A_105 : memref<3136xi32, #tpu.memory_space<hbm>>) target(%arg14 : memref<3136xi32, #tpu.memory_space<vmem>>) target_semaphore(%arg32 : memref<!tpu.dma_semaphore, #tpu.memory_space<semaphore_mem>>)
    %scan3A_106 = arith.constant 0 : i32
    %scan3A_107 = arith.constant 0 : i32
    %scan3A_108 = arith.constant 196 : i32
    %scan3A_109 = arith.addi %scan3A_107, %scan3A_108 : i32
    %scan3A_110 = arith.constant 1 : i32
    %scan3A_111 = scf.for %scan3A_570 = %scan3A_107 to %scan3A_109 step %scan3A_110 iter_args(%scan3A_571 = %scan3A_106) -> (i32)  : i32 {
      %mul3A_572 = arith.constant 16 : i32
      %mul3A_573 = arith.muli %scan3A_570, %mul3A_572 : i32
      %get3A_574 = arith.index_cast %mul3A_573 : i32 to index
      %get3A_575 = tpu.vector_load %arg10[%get3A_574] {strides = array<i32>} : memref<3136xi32, #tpu.memory_space<vmem>>, vector<16xi32>,
      %mul3A_576 = arith.constant 16 : i32
      %mul3A_577 = arith.muli %scan3A_570, %mul3A_576 : i32
      %get3A_578 = arith.index_cast %mul3A_577 : i32 to index
      %get3A_579 = tpu.vector_load %arg15[%get3A_578] {strides = array<i32>} : memref<3136xi32, #tpu.memory_space<vmem>>, vector<16xi32>,
      %max3A_580 = arith.maxsi %get3A_575, %get3A_579 : vector<16xi32>
      %mul3A_581 = arith.constant 16 : i32
      %mul3A_582 = arith.muli %scan3A_570, %mul3A_581 : i32
      %get3A_583 = arith.index_cast %mul3A_582 : i32 to index
      %get3A_584 = tpu.vector_load %arg16[%get3A_583] {strides = array<i32>} : memref<3136xi32, #tpu.memory_space<vmem>>, vector<16xi32>,
      %max3A_585 = arith.maxsi %max3A_580, %get3A_584 : vector<16xi32>
      %mul3A_586 = arith.constant 16 : i32
      %mul3A_587 = arith.muli %scan3A_570, %mul3A_586 : i32
      %get3A_588 = arith.index_cast %mul3A_587 : i32 to index
      %get3A_589 = tpu.vector_load %arg17[%get3A_588] {strides = array<i32>} : memref<3136xi32, #tpu.memory_space<vmem>>, vector<16xi32>,
      %max3A_590 = arith.maxsi %max3A_585, %get3A_589 : vector<16xi32>
      %mul3A_591 = arith.constant 16 : i32
      %mul3A_592 = arith.muli %scan3A_570, %mul3A_591 : i32
      %get3A_593 = arith.index_cast %mul3A_592 : i32 to index
      %get3A_594 = tpu.vector_load %arg18[%get3A_593] {strides = array<i32>} : memref<3136xi32, #tpu.memory_space<vmem>>, vector<16xi32>,
      %max3A_595 = arith.maxsi %max3A_590, %get3A_594 : vector<16xi32>
      %mul3A_596 = arith.constant 16 : i32
      %mul3A_597 = arith.muli %scan3A_570, %mul3A_596 : i32
      %swap3A_598 = arith.index_cast %mul3A_597 : i32 to index
      %swap3A_599 = tpu.vector_load %arg10[%swap3A_598] {strides = array<i32>} : memref<3136xi32, #tpu.memory_space<vmem>>, vector<16xi32>,
      tpu.vector_store %arg10[%swap3A_598], %max3A_595 {strides = array<i32>} : memref<3136xi32, #tpu.memory_space<vmem>>, vector<16xi32>,
      %scan3A_600 = arith.constant 0 : i32
      scf.yield %scan3A_600 : i32
    }
    %scan3A_112 = arith.constant 196 : i32
    %add3A_113 = arith.constant 802816 : i32
    %add3A_114 = arith.addi %add3A_113, %mul3A_2 : i32
    %dma_wait3A_115 = tpu.memref_slice %arg2[%add3A_114] : memref<3211264xi32, #tpu.memory_space<hbm>> -> memref<3136xi32, #tpu.memory_space<hbm>>
    %dma_wait3A_116 = tpu.memref_slice %arg2[%add3A_114] : memref<3211264xi32, #tpu.memory_space<hbm>> -> memref<3136xi32, #tpu.memory_space<hbm>>
    tpu.wait_dma2 semaphore(%arg32 : memref<!tpu.dma_semaphore, #tpu.memory_space<semaphore_mem>>) src(%dma_wait3A_116 : memref<3136xi32, #tpu.memory_space<hbm>>) dst(%arg11 : memref<3136xi32, #tpu.memory_space<vmem>>)
    %add3A_117 = arith.constant 903168 : i32
    %add3A_118 = arith.addi %add3A_117, %mul3A_2 : i32
    %dma_wait3A_119 = tpu.memref_slice %arg2[%add3A_118] : memref<3211264xi32, #tpu.memory_space<hbm>> -> memref<3136xi32, #tpu.memory_space<hbm>>
    %dma_wait3A_120 = tpu.memref_slice %arg2[%add3A_118] : memref<3211264xi32, #tpu.memory_space<hbm>> -> memref<3136xi32, #tpu.memory_space<hbm>>
    tpu.wait_dma2 semaphore(%arg32 : memref<!tpu.dma_semaphore, #tpu.memory_space<semaphore_mem>>) src(%dma_wait3A_120 : memref<3136xi32, #tpu.memory_space<hbm>>) dst(%arg12 : memref<3136xi32, #tpu.memory_space<vmem>>)
    %add3A_121 = arith.constant 1003520 : i32
    %add3A_122 = arith.addi %add3A_121, %mul3A_2 : i32
    %dma_wait3A_123 = tpu.memref_slice %arg2[%add3A_122] : memref<3211264xi32, #tpu.memory_space<hbm>> -> memref<3136xi32, #tpu.memory_space<hbm>>
    %dma_wait3A_124 = tpu.memref_slice %arg2[%add3A_122] : memref<3211264xi32, #tpu.memory_space<hbm>> -> memref<3136xi32, #tpu.memory_space<hbm>>
    tpu.wait_dma2 semaphore(%arg32 : memref<!tpu.dma_semaphore, #tpu.memory_space<semaphore_mem>>) src(%dma_wait3A_124 : memref<3136xi32, #tpu.memory_space<hbm>>) dst(%arg13 : memref<3136xi32, #tpu.memory_space<vmem>>)
    %add3A_125 = arith.constant 1103872 : i32
    %add3A_126 = arith.addi %add3A_125, %mul3A_2 : i32
    %dma_wait3A_127 = tpu.memref_slice %arg2[%add3A_126] : memref<3211264xi32, #tpu.memory_space<hbm>> -> memref<3136xi32, #tpu.memory_space<hbm>>
    %dma_wait3A_128 = tpu.memref_slice %arg2[%add3A_126] : memref<3211264xi32, #tpu.memory_space<hbm>> -> memref<3136xi32, #tpu.memory_space<hbm>>
    tpu.wait_dma2 semaphore(%arg32 : memref<!tpu.dma_semaphore, #tpu.memory_space<semaphore_mem>>) src(%dma_wait3A_128 : memref<3136xi32, #tpu.memory_space<hbm>>) dst(%arg14 : memref<3136xi32, #tpu.memory_space<vmem>>)
    %add3A_129 = arith.constant 1204224 : i32
    %add3A_130 = arith.addi %add3A_129, %mul3A_2 : i32
    %dma_start3A_131 = tpu.memref_slice %arg2[%add3A_130] : memref<3211264xi32, #tpu.memory_space<hbm>> -> memref<3136xi32, #tpu.memory_space<hbm>>
    %dma_start3A_132 = tpu.memref_slice %arg2[%add3A_130] : memref<3211264xi32, #tpu.memory_space<hbm>> -> memref<3136xi32, #tpu.memory_space<hbm>>
    tpu.enqueue_dma source(%dma_start3A_132 : memref<3136xi32, #tpu.memory_space<hbm>>) target(%arg15 : memref<3136xi32, #tpu.memory_space<vmem>>) target_semaphore(%arg37 : memref<!tpu.dma_semaphore, #tpu.memory_space<semaphore_mem>>)
    %add3A_133 = arith.constant 1304576 : i32
    %add3A_134 = arith.addi %add3A_133, %mul3A_2 : i32
    %dma_start3A_135 = tpu.memref_slice %arg2[%add3A_134] : memref<3211264xi32, #tpu.memory_space<hbm>> -> memref<3136xi32, #tpu.memory_space<hbm>>
    %dma_start3A_136 = tpu.memref_slice %arg2[%add3A_134] : memref<3211264xi32, #tpu.memory_space<hbm>> -> memref<3136xi32, #tpu.memory_space<hbm>>
    tpu.enqueue_dma source(%dma_start3A_136 : memref<3136xi32, #tpu.memory_space<hbm>>) target(%arg16 : memref<3136xi32, #tpu.memory_space<vmem>>) target_semaphore(%arg37 : memref<!tpu.dma_semaphore, #tpu.memory_space<semaphore_mem>>)
    %add3A_137 = arith.constant 1404928 : i32
    %add3A_138 = arith.addi %add3A_137, %mul3A_2 : i32
    %dma_start3A_139 = tpu.memref_slice %arg2[%add3A_138] : memref<3211264xi32, #tpu.memory_space<hbm>> -> memref<3136xi32, #tpu.memory_space<hbm>>
    %dma_start3A_140 = tpu.memref_slice %arg2[%add3A_138] : memref<3211264xi32, #tpu.memory_space<hbm>> -> memref<3136xi32, #tpu.memory_space<hbm>>
    tpu.enqueue_dma source(%dma_start3A_140 : memref<3136xi32, #tpu.memory_space<hbm>>) target(%arg17 : memref<3136xi32, #tpu.memory_space<vmem>>) target_semaphore(%arg37 : memref<!tpu.dma_semaphore, #tpu.memory_space<semaphore_mem>>)
    %add3A_141 = arith.constant 1505280 : i32
    %add3A_142 = arith.addi %add3A_141, %mul3A_2 : i32
    %dma_start3A_143 = tpu.memref_slice %arg2[%add3A_142] : memref<3211264xi32, #tpu.memory_space<hbm>> -> memref<3136xi32, #tpu.memory_space<hbm>>
    %dma_start3A_144 = tpu.memref_slice %arg2[%add3A_142] : memref<3211264xi32, #tpu.memory_space<hbm>> -> memref<3136xi32, #tpu.memory_space<hbm>>
    tpu.enqueue_dma source(%dma_start3A_144 : memref<3136xi32, #tpu.memory_space<hbm>>) target(%arg18 : memref<3136xi32, #tpu.memory_space<vmem>>) target_semaphore(%arg37 : memref<!tpu.dma_semaphore, #tpu.memory_space<semaphore_mem>>)
    %scan3A_145 = arith.constant 0 : i32
    %scan3A_146 = arith.constant 0 : i32
    %scan3A_147 = arith.constant 196 : i32
    %scan3A_148 = arith.addi %scan3A_146, %scan3A_147 : i32
    %scan3A_149 = arith.constant 1 : i32
    %scan3A_150 = scf.for %scan3A_570 = %scan3A_146 to %scan3A_148 step %scan3A_149 iter_args(%scan3A_571 = %scan3A_145) -> (i32)  : i32 {
      %mul3A_572 = arith.constant 16 : i32
      %mul3A_573 = arith.muli %scan3A_570, %mul3A_572 : i32
      %get3A_574 = arith.index_cast %mul3A_573 : i32 to index
      %get3A_575 = tpu.vector_load %arg10[%get3A_574] {strides = array<i32>} : memref<3136xi32, #tpu.memory_space<vmem>>, vector<16xi32>,
      %mul3A_576 = arith.constant 16 : i32
      %mul3A_577 = arith.muli %scan3A_570, %mul3A_576 : i32
      %get3A_578 = arith.index_cast %mul3A_577 : i32 to index
      %get3A_579 = tpu.vector_load %arg11[%get3A_578] {strides = array<i32>} : memref<3136xi32, #tpu.memory_space<vmem>>, vector<16xi32>,
      %max3A_580 = arith.maxsi %get3A_575, %get3A_579 : vector<16xi32>
      %mul3A_581 = arith.constant 16 : i32
      %mul3A_582 = arith.muli %scan3A_570, %mul3A_581 : i32
      %get3A_583 = arith.index_cast %mul3A_582 : i32 to index
      %get3A_584 = tpu.vector_load %arg12[%get3A_583] {strides = array<i32>} : memref<3136xi32, #tpu.memory_space<vmem>>, vector<16xi32>,
      %max3A_585 = arith.maxsi %max3A_580, %get3A_584 : vector<16xi32>
      %mul3A_586 = arith.constant 16 : i32
      %mul3A_587 = arith.muli %scan3A_570, %mul3A_586 : i32
      %get3A_588 = arith.index_cast %mul3A_587 : i32 to index
      %get3A_589 = tpu.vector_load %arg13[%get3A_588] {strides = array<i32>} : memref<3136xi32, #tpu.memory_space<vmem>>, vector<16xi32>,
      %max3A_590 = arith.maxsi %max3A_585, %get3A_589 : vector<16xi32>
      %mul3A_591 = arith.constant 16 : i32
      %mul3A_592 = arith.muli %scan3A_570, %mul3A_591 : i32
      %get3A_593 = arith.index_cast %mul3A_592 : i32 to index
      %get3A_594 = tpu.vector_load %arg14[%get3A_593] {strides = array<i32>} : memref<3136xi32, #tpu.memory_space<vmem>>, vector<16xi32>,
      %max3A_595 = arith.maxsi %max3A_590, %get3A_594 : vector<16xi32>
      %mul3A_596 = arith.constant 16 : i32
      %mul3A_597 = arith.muli %scan3A_570, %mul3A_596 : i32
      %swap3A_598 = arith.index_cast %mul3A_597 : i32 to index
      %swap3A_599 = tpu.vector_load %arg10[%swap3A_598] {strides = array<i32>} : memref<3136xi32, #tpu.memory_space<vmem>>, vector<16xi32>,
      tpu.vector_store %arg10[%swap3A_598], %max3A_595 {strides = array<i32>} : memref<3136xi32, #tpu.memory_space<vmem>>, vector<16xi32>,
      %scan3A_600 = arith.constant 0 : i32
      scf.yield %scan3A_600 : i32
    }
    %scan3A_151 = arith.constant 196 : i32
    %add3A_152 = arith.constant 1204224 : i32
    %add3A_153 = arith.addi %add3A_152, %mul3A_2 : i32
    %dma_wait3A_154 = tpu.memref_slice %arg2[%add3A_153] : memref<3211264xi32, #tpu.memory_space<hbm>> -> memref<3136xi32, #tpu.memory_space<hbm>>
    %dma_wait3A_155 = tpu.memref_slice %arg2[%add3A_153] : memref<3211264xi32, #tpu.memory_space<hbm>> -> memref<3136xi32, #tpu.memory_space<hbm>>
    tpu.wait_dma2 semaphore(%arg37 : memref<!tpu.dma_semaphore, #tpu.memory_space<semaphore_mem>>) src(%dma_wait3A_155 : memref<3136xi32, #tpu.memory_space<hbm>>) dst(%arg15 : memref<3136xi32, #tpu.memory_space<vmem>>)
    %add3A_156 = arith.constant 1304576 : i32
    %add3A_157 = arith.addi %add3A_156, %mul3A_2 : i32
    %dma_wait3A_158 = tpu.memref_slice %arg2[%add3A_157] : memref<3211264xi32, #tpu.memory_space<hbm>> -> memref<3136xi32, #tpu.memory_space<hbm>>
    %dma_wait3A_159 = tpu.memref_slice %arg2[%add3A_157] : memref<3211264xi32, #tpu.memory_space<hbm>> -> memref<3136xi32, #tpu.memory_space<hbm>>
    tpu.wait_dma2 semaphore(%arg37 : memref<!tpu.dma_semaphore, #tpu.memory_space<semaphore_mem>>) src(%dma_wait3A_159 : memref<3136xi32, #tpu.memory_space<hbm>>) dst(%arg16 : memref<3136xi32, #tpu.memory_space<vmem>>)
    %add3A_160 = arith.constant 1404928 : i32
    %add3A_161 = arith.addi %add3A_160, %mul3A_2 : i32
    %dma_wait3A_162 = tpu.memref_slice %arg2[%add3A_161] : memref<3211264xi32, #tpu.memory_space<hbm>> -> memref<3136xi32, #tpu.memory_space<hbm>>
    %dma_wait3A_163 = tpu.memref_slice %arg2[%add3A_161] : memref<3211264xi32, #tpu.memory_space<hbm>> -> memref<3136xi32, #tpu.memory_space<hbm>>
    tpu.wait_dma2 semaphore(%arg37 : memref<!tpu.dma_semaphore, #tpu.memory_space<semaphore_mem>>) src(%dma_wait3A_163 : memref<3136xi32, #tpu.memory_space<hbm>>) dst(%arg17 : memref<3136xi32, #tpu.memory_space<vmem>>)
    %add3A_164 = arith.constant 1505280 : i32
    %add3A_165 = arith.addi %add3A_164, %mul3A_2 : i32
    %dma_wait3A_166 = tpu.memref_slice %arg2[%add3A_165] : memref<3211264xi32, #tpu.memory_space<hbm>> -> memref<3136xi32, #tpu.memory_space<hbm>>
    %dma_wait3A_167 = tpu.memref_slice %arg2[%add3A_165] : memref<3211264xi32, #tpu.memory_space<hbm>> -> memref<3136xi32, #tpu.memory_space<hbm>>
    tpu.wait_dma2 semaphore(%arg37 : memref<!tpu.dma_semaphore, #tpu.memory_space<semaphore_mem>>) src(%dma_wait3A_167 : memref<3136xi32, #tpu.memory_space<hbm>>) dst(%arg18 : memref<3136xi32, #tpu.memory_space<vmem>>)
    %add3A_168 = arith.constant 1605632 : i32
    %add3A_169 = arith.addi %add3A_168, %mul3A_2 : i32
    %dma_start3A_170 = tpu.memref_slice %arg2[%add3A_169] : memref<3211264xi32, #tpu.memory_space<hbm>> -> memref<3136xi32, #tpu.memory_space<hbm>>
    %dma_start3A_171 = tpu.memref_slice %arg2[%add3A_169] : memref<3211264xi32, #tpu.memory_space<hbm>> -> memref<3136xi32, #tpu.memory_space<hbm>>
    tpu.enqueue_dma source(%dma_start3A_171 : memref<3136xi32, #tpu.memory_space<hbm>>) target(%arg11 : memref<3136xi32, #tpu.memory_space<vmem>>) target_semaphore(%arg32 : memref<!tpu.dma_semaphore, #tpu.memory_space<semaphore_mem>>)
    %add3A_172 = arith.constant 1705984 : i32
    %add3A_173 = arith.addi %add3A_172, %mul3A_2 : i32
    %dma_start3A_174 = tpu.memref_slice %arg2[%add3A_173] : memref<3211264xi32, #tpu.memory_space<hbm>> -> memref<3136xi32, #tpu.memory_space<hbm>>
    %dma_start3A_175 = tpu.memref_slice %arg2[%add3A_173] : memref<3211264xi32, #tpu.memory_space<hbm>> -> memref<3136xi32, #tpu.memory_space<hbm>>
    tpu.enqueue_dma source(%dma_start3A_175 : memref<3136xi32, #tpu.memory_space<hbm>>) target(%arg12 : memref<3136xi32, #tpu.memory_space<vmem>>) target_semaphore(%arg32 : memref<!tpu.dma_semaphore, #tpu.memory_space<semaphore_mem>>)
    %add3A_176 = arith.constant 1806336 : i32
    %add3A_177 = arith.addi %add3A_176, %mul3A_2 : i32
    %dma_start3A_178 = tpu.memref_slice %arg2[%add3A_177] : memref<3211264xi32, #tpu.memory_space<hbm>> -> memref<3136xi32, #tpu.memory_space<hbm>>
    %dma_start3A_179 = tpu.memref_slice %arg2[%add3A_177] : memref<3211264xi32, #tpu.memory_space<hbm>> -> memref<3136xi32, #tpu.memory_space<hbm>>
    tpu.enqueue_dma source(%dma_start3A_179 : memref<3136xi32, #tpu.memory_space<hbm>>) target(%arg13 : memref<3136xi32, #tpu.memory_space<vmem>>) target_semaphore(%arg32 : memref<!tpu.dma_semaphore, #tpu.memory_space<semaphore_mem>>)
    %add3A_180 = arith.constant 1906688 : i32
    %add3A_181 = arith.addi %add3A_180, %mul3A_2 : i32
    %dma_start3A_182 = tpu.memref_slice %arg2[%add3A_181] : memref<3211264xi32, #tpu.memory_space<hbm>> -> memref<3136xi32, #tpu.memory_space<hbm>>
    %dma_start3A_183 = tpu.memref_slice %arg2[%add3A_181] : memref<3211264xi32, #tpu.memory_space<hbm>> -> memref<3136xi32, #tpu.memory_space<hbm>>
    tpu.enqueue_dma source(%dma_start3A_183 : memref<3136xi32, #tpu.memory_space<hbm>>) target(%arg14 : memref<3136xi32, #tpu.memory_space<vmem>>) target_semaphore(%arg32 : memref<!tpu.dma_semaphore, #tpu.memory_space<semaphore_mem>>)
    %scan3A_184 = arith.constant 0 : i32
    %scan3A_185 = arith.constant 0 : i32
    %scan3A_186 = arith.constant 196 : i32
    %scan3A_187 = arith.addi %scan3A_185, %scan3A_186 : i32
    %scan3A_188 = arith.constant 1 : i32
    %scan3A_189 = scf.for %scan3A_570 = %scan3A_185 to %scan3A_187 step %scan3A_188 iter_args(%scan3A_571 = %scan3A_184) -> (i32)  : i32 {
      %mul3A_572 = arith.constant 16 : i32
      %mul3A_573 = arith.muli %scan3A_570, %mul3A_572 : i32
      %get3A_574 = arith.index_cast %mul3A_573 : i32 to index
      %get3A_575 = tpu.vector_load %arg10[%get3A_574] {strides = array<i32>} : memref<3136xi32, #tpu.memory_space<vmem>>, vector<16xi32>,
      %mul3A_576 = arith.constant 16 : i32
      %mul3A_577 = arith.muli %scan3A_570, %mul3A_576 : i32
      %get3A_578 = arith.index_cast %mul3A_577 : i32 to index
      %get3A_579 = tpu.vector_load %arg15[%get3A_578] {strides = array<i32>} : memref<3136xi32, #tpu.memory_space<vmem>>, vector<16xi32>,
      %max3A_580 = arith.maxsi %get3A_575, %get3A_579 : vector<16xi32>
      %mul3A_581 = arith.constant 16 : i32
      %mul3A_582 = arith.muli %scan3A_570, %mul3A_581 : i32
      %get3A_583 = arith.index_cast %mul3A_582 : i32 to index
      %get3A_584 = tpu.vector_load %arg16[%get3A_583] {strides = array<i32>} : memref<3136xi32, #tpu.memory_space<vmem>>, vector<16xi32>,
      %max3A_585 = arith.maxsi %max3A_580, %get3A_584 : vector<16xi32>
      %mul3A_586 = arith.constant 16 : i32
      %mul3A_587 = arith.muli %scan3A_570, %mul3A_586 : i32
      %get3A_588 = arith.index_cast %mul3A_587 : i32 to index
      %get3A_589 = tpu.vector_load %arg17[%get3A_588] {strides = array<i32>} : memref<3136xi32, #tpu.memory_space<vmem>>, vector<16xi32>,
      %max3A_590 = arith.maxsi %max3A_585, %get3A_589 : vector<16xi32>
      %mul3A_591 = arith.constant 16 : i32
      %mul3A_592 = arith.muli %scan3A_570, %mul3A_591 : i32
      %get3A_593 = arith.index_cast %mul3A_592 : i32 to index
      %get3A_594 = tpu.vector_load %arg18[%get3A_593] {strides = array<i32>} : memref<3136xi32, #tpu.memory_space<vmem>>, vector<16xi32>,
      %max3A_595 = arith.maxsi %max3A_590, %get3A_594 : vector<16xi32>
      %mul3A_596 = arith.constant 16 : i32
      %mul3A_597 = arith.muli %scan3A_570, %mul3A_596 : i32
      %swap3A_598 = arith.index_cast %mul3A_597 : i32 to index
      %swap3A_599 = tpu.vector_load %arg10[%swap3A_598] {strides = array<i32>} : memref<3136xi32, #tpu.memory_space<vmem>>, vector<16xi32>,
      tpu.vector_store %arg10[%swap3A_598], %max3A_595 {strides = array<i32>} : memref<3136xi32, #tpu.memory_space<vmem>>, vector<16xi32>,
      %scan3A_600 = arith.constant 0 : i32
      scf.yield %scan3A_600 : i32
    }
    %scan3A_190 = arith.constant 196 : i32
    %add3A_191 = arith.constant 1605632 : i32
    %add3A_192 = arith.addi %add3A_191, %mul3A_2 : i32
    %dma_wait3A_193 = tpu.memref_slice %arg2[%add3A_192] : memref<3211264xi32, #tpu.memory_space<hbm>> -> memref<3136xi32, #tpu.memory_space<hbm>>
    %dma_wait3A_194 = tpu.memref_slice %arg2[%add3A_192] : memref<3211264xi32, #tpu.memory_space<hbm>> -> memref<3136xi32, #tpu.memory_space<hbm>>
    tpu.wait_dma2 semaphore(%arg32 : memref<!tpu.dma_semaphore, #tpu.memory_space<semaphore_mem>>) src(%dma_wait3A_194 : memref<3136xi32, #tpu.memory_space<hbm>>) dst(%arg11 : memref<3136xi32, #tpu.memory_space<vmem>>)
    %add3A_195 = arith.constant 1705984 : i32
    %add3A_196 = arith.addi %add3A_195, %mul3A_2 : i32
    %dma_wait3A_197 = tpu.memref_slice %arg2[%add3A_196] : memref<3211264xi32, #tpu.memory_space<hbm>> -> memref<3136xi32, #tpu.memory_space<hbm>>
    %dma_wait3A_198 = tpu.memref_slice %arg2[%add3A_196] : memref<3211264xi32, #tpu.memory_space<hbm>> -> memref<3136xi32, #tpu.memory_space<hbm>>
    tpu.wait_dma2 semaphore(%arg32 : memref<!tpu.dma_semaphore, #tpu.memory_space<semaphore_mem>>) src(%dma_wait3A_198 : memref<3136xi32, #tpu.memory_space<hbm>>) dst(%arg12 : memref<3136xi32, #tpu.memory_space<vmem>>)
    %add3A_199 = arith.constant 1806336 : i32
    %add3A_200 = arith.addi %add3A_199, %mul3A_2 : i32
    %dma_wait3A_201 = tpu.memref_slice %arg2[%add3A_200] : memref<3211264xi32, #tpu.memory_space<hbm>> -> memref<3136xi32, #tpu.memory_space<hbm>>
    %dma_wait3A_202 = tpu.memref_slice %arg2[%add3A_200] : memref<3211264xi32, #tpu.memory_space<hbm>> -> memref<3136xi32, #tpu.memory_space<hbm>>
    tpu.wait_dma2 semaphore(%arg32 : memref<!tpu.dma_semaphore, #tpu.memory_space<semaphore_mem>>) src(%dma_wait3A_202 : memref<3136xi32, #tpu.memory_space<hbm>>) dst(%arg13 : memref<3136xi32, #tpu.memory_space<vmem>>)
    %add3A_203 = arith.constant 1906688 : i32
    %add3A_204 = arith.addi %add3A_203, %mul3A_2 : i32
    %dma_wait3A_205 = tpu.memref_slice %arg2[%add3A_204] : memref<3211264xi32, #tpu.memory_space<hbm>> -> memref<3136xi32, #tpu.memory_space<hbm>>
    %dma_wait3A_206 = tpu.memref_slice %arg2[%add3A_204] : memref<3211264xi32, #tpu.memory_space<hbm>> -> memref<3136xi32, #tpu.memory_space<hbm>>
    tpu.wait_dma2 semaphore(%arg32 : memref<!tpu.dma_semaphore, #tpu.memory_space<semaphore_mem>>) src(%dma_wait3A_206 : memref<3136xi32, #tpu.memory_space<hbm>>) dst(%arg14 : memref<3136xi32, #tpu.memory_space<vmem>>)
    %add3A_207 = arith.constant 2007040 : i32
    %add3A_208 = arith.addi %add3A_207, %mul3A_2 : i32
    %dma_start3A_209 = tpu.memref_slice %arg2[%add3A_208] : memref<3211264xi32, #tpu.memory_space<hbm>> -> memref<3136xi32, #tpu.memory_space<hbm>>
    %dma_start3A_210 = tpu.memref_slice %arg2[%add3A_208] : memref<3211264xi32, #tpu.memory_space<hbm>> -> memref<3136xi32, #tpu.memory_space<hbm>>
    tpu.enqueue_dma source(%dma_start3A_210 : memref<3136xi32, #tpu.memory_space<hbm>>) target(%arg15 : memref<3136xi32, #tpu.memory_space<vmem>>) target_semaphore(%arg37 : memref<!tpu.dma_semaphore, #tpu.memory_space<semaphore_mem>>)
    %add3A_211 = arith.constant 2107392 : i32
    %add3A_212 = arith.addi %add3A_211, %mul3A_2 : i32
    %dma_start3A_213 = tpu.memref_slice %arg2[%add3A_212] : memref<3211264xi32, #tpu.memory_space<hbm>> -> memref<3136xi32, #tpu.memory_space<hbm>>
    %dma_start3A_214 = tpu.memref_slice %arg2[%add3A_212] : memref<3211264xi32, #tpu.memory_space<hbm>> -> memref<3136xi32, #tpu.memory_space<hbm>>
    tpu.enqueue_dma source(%dma_start3A_214 : memref<3136xi32, #tpu.memory_space<hbm>>) target(%arg16 : memref<3136xi32, #tpu.memory_space<vmem>>) target_semaphore(%arg37 : memref<!tpu.dma_semaphore, #tpu.memory_space<semaphore_mem>>)
    %add3A_215 = arith.constant 2207744 : i32
    %add3A_216 = arith.addi %add3A_215, %mul3A_2 : i32
    %dma_start3A_217 = tpu.memref_slice %arg2[%add3A_216] : memref<3211264xi32, #tpu.memory_space<hbm>> -> memref<3136xi32, #tpu.memory_space<hbm>>
    %dma_start3A_218 = tpu.memref_slice %arg2[%add3A_216] : memref<3211264xi32, #tpu.memory_space<hbm>> -> memref<3136xi32, #tpu.memory_space<hbm>>
    tpu.enqueue_dma source(%dma_start3A_218 : memref<3136xi32, #tpu.memory_space<hbm>>) target(%arg17 : memref<3136xi32, #tpu.memory_space<vmem>>) target_semaphore(%arg37 : memref<!tpu.dma_semaphore, #tpu.memory_space<semaphore_mem>>)
    %add3A_219 = arith.constant 2308096 : i32
    %add3A_220 = arith.addi %add3A_219, %mul3A_2 : i32
    %dma_start3A_221 = tpu.memref_slice %arg2[%add3A_220] : memref<3211264xi32, #tpu.memory_space<hbm>> -> memref<3136xi32, #tpu.memory_space<hbm>>
    %dma_start3A_222 = tpu.memref_slice %arg2[%add3A_220] : memref<3211264xi32, #tpu.memory_space<hbm>> -> memref<3136xi32, #tpu.memory_space<hbm>>
    tpu.enqueue_dma source(%dma_start3A_222 : memref<3136xi32, #tpu.memory_space<hbm>>) target(%arg18 : memref<3136xi32, #tpu.memory_space<vmem>>) target_semaphore(%arg37 : memref<!tpu.dma_semaphore, #tpu.memory_space<semaphore_mem>>)
    %scan3A_223 = arith.constant 0 : i32
    %scan3A_224 = arith.constant 0 : i32
    %scan3A_225 = arith.constant 196 : i32
    %scan3A_226 = arith.addi %scan3A_224, %scan3A_225 : i32
    %scan3A_227 = arith.constant 1 : i32
    %scan3A_228 = scf.for %scan3A_570 = %scan3A_224 to %scan3A_226 step %scan3A_227 iter_args(%scan3A_571 = %scan3A_223) -> (i32)  : i32 {
      %mul3A_572 = arith.constant 16 : i32
      %mul3A_573 = arith.muli %scan3A_570, %mul3A_572 : i32
      %get3A_574 = arith.index_cast %mul3A_573 : i32 to index
      %get3A_575 = tpu.vector_load %arg10[%get3A_574] {strides = array<i32>} : memref<3136xi32, #tpu.memory_space<vmem>>, vector<16xi32>,
      %mul3A_576 = arith.constant 16 : i32
      %mul3A_577 = arith.muli %scan3A_570, %mul3A_576 : i32
      %get3A_578 = arith.index_cast %mul3A_577 : i32 to index
      %get3A_579 = tpu.vector_load %arg11[%get3A_578] {strides = array<i32>} : memref<3136xi32, #tpu.memory_space<vmem>>, vector<16xi32>,
      %max3A_580 = arith.maxsi %get3A_575, %get3A_579 : vector<16xi32>
      %mul3A_581 = arith.constant 16 : i32
      %mul3A_582 = arith.muli %scan3A_570, %mul3A_581 : i32
      %get3A_583 = arith.index_cast %mul3A_582 : i32 to index
      %get3A_584 = tpu.vector_load %arg12[%get3A_583] {strides = array<i32>} : memref<3136xi32, #tpu.memory_space<vmem>>, vector<16xi32>,
      %max3A_585 = arith.maxsi %max3A_580, %get3A_584 : vector<16xi32>
      %mul3A_586 = arith.constant 16 : i32
      %mul3A_587 = arith.muli %scan3A_570, %mul3A_586 : i32
      %get3A_588 = arith.index_cast %mul3A_587 : i32 to index
      %get3A_589 = tpu.vector_load %arg13[%get3A_588] {strides = array<i32>} : memref<3136xi32, #tpu.memory_space<vmem>>, vector<16xi32>,
      %max3A_590 = arith.maxsi %max3A_585, %get3A_589 : vector<16xi32>
      %mul3A_591 = arith.constant 16 : i32
      %mul3A_592 = arith.muli %scan3A_570, %mul3A_591 : i32
      %get3A_593 = arith.index_cast %mul3A_592 : i32 to index
      %get3A_594 = tpu.vector_load %arg14[%get3A_593] {strides = array<i32>} : memref<3136xi32, #tpu.memory_space<vmem>>, vector<16xi32>,
      %max3A_595 = arith.maxsi %max3A_590, %get3A_594 : vector<16xi32>
      %mul3A_596 = arith.constant 16 : i32
      %mul3A_597 = arith.muli %scan3A_570, %mul3A_596 : i32
      %swap3A_598 = arith.index_cast %mul3A_597 : i32 to index
      %swap3A_599 = tpu.vector_load %arg10[%swap3A_598] {strides = array<i32>} : memref<3136xi32, #tpu.memory_space<vmem>>, vector<16xi32>,
      tpu.vector_store %arg10[%swap3A_598], %max3A_595 {strides = array<i32>} : memref<3136xi32, #tpu.memory_space<vmem>>, vector<16xi32>,
      %scan3A_600 = arith.constant 0 : i32
      scf.yield %scan3A_600 : i32
    }
    %scan3A_229 = arith.constant 196 : i32
    %add3A_230 = arith.constant 2007040 : i32
    %add3A_231 = arith.addi %add3A_230, %mul3A_2 : i32
    %dma_wait3A_232 = tpu.memref_slice %arg2[%add3A_231] : memref<3211264xi32, #tpu.memory_space<hbm>> -> memref<3136xi32, #tpu.memory_space<hbm>>
    %dma_wait3A_233 = tpu.memref_slice %arg2[%add3A_231] : memref<3211264xi32, #tpu.memory_space<hbm>> -> memref<3136xi32, #tpu.memory_space<hbm>>
    tpu.wait_dma2 semaphore(%arg37 : memref<!tpu.dma_semaphore, #tpu.memory_space<semaphore_mem>>) src(%dma_wait3A_233 : memref<3136xi32, #tpu.memory_space<hbm>>) dst(%arg15 : memref<3136xi32, #tpu.memory_space<vmem>>)
    %add3A_234 = arith.constant 2107392 : i32
    %add3A_235 = arith.addi %add3A_234, %mul3A_2 : i32
    %dma_wait3A_236 = tpu.memref_slice %arg2[%add3A_235] : memref<3211264xi32, #tpu.memory_space<hbm>> -> memref<3136xi32, #tpu.memory_space<hbm>>
    %dma_wait3A_237 = tpu.memref_slice %arg2[%add3A_235] : memref<3211264xi32, #tpu.memory_space<hbm>> -> memref<3136xi32, #tpu.memory_space<hbm>>
    tpu.wait_dma2 semaphore(%arg37 : memref<!tpu.dma_semaphore, #tpu.memory_space<semaphore_mem>>) src(%dma_wait3A_237 : memref<3136xi32, #tpu.memory_space<hbm>>) dst(%arg16 : memref<3136xi32, #tpu.memory_space<vmem>>)
    %add3A_238 = arith.constant 2207744 : i32
    %add3A_239 = arith.addi %add3A_238, %mul3A_2 : i32
    %dma_wait3A_240 = tpu.memref_slice %arg2[%add3A_239] : memref<3211264xi32, #tpu.memory_space<hbm>> -> memref<3136xi32, #tpu.memory_space<hbm>>
    %dma_wait3A_241 = tpu.memref_slice %arg2[%add3A_239] : memref<3211264xi32, #tpu.memory_space<hbm>> -> memref<3136xi32, #tpu.memory_space<hbm>>
    tpu.wait_dma2 semaphore(%arg37 : memref<!tpu.dma_semaphore, #tpu.memory_space<semaphore_mem>>) src(%dma_wait3A_241 : memref<3136xi32, #tpu.memory_space<hbm>>) dst(%arg17 : memref<3136xi32, #tpu.memory_space<vmem>>)
    %add3A_242 = arith.constant 2308096 : i32
    %add3A_243 = arith.addi %add3A_242, %mul3A_2 : i32
    %dma_wait3A_244 = tpu.memref_slice %arg2[%add3A_243] : memref<3211264xi32, #tpu.memory_space<hbm>> -> memref<3136xi32, #tpu.memory_space<hbm>>
    %dma_wait3A_245 = tpu.memref_slice %arg2[%add3A_243] : memref<3211264xi32, #tpu.memory_space<hbm>> -> memref<3136xi32, #tpu.memory_space<hbm>>
    tpu.wait_dma2 semaphore(%arg37 : memref<!tpu.dma_semaphore, #tpu.memory_space<semaphore_mem>>) src(%dma_wait3A_245 : memref<3136xi32, #tpu.memory_space<hbm>>) dst(%arg18 : memref<3136xi32, #tpu.memory_space<vmem>>)
    %add3A_246 = arith.constant 2408448 : i32
    %add3A_247 = arith.addi %add3A_246, %mul3A_2 : i32
    %dma_start3A_248 = tpu.memref_slice %arg2[%add3A_247] : memref<3211264xi32, #tpu.memory_space<hbm>> -> memref<3136xi32, #tpu.memory_space<hbm>>
    %dma_start3A_249 = tpu.memref_slice %arg2[%add3A_247] : memref<3211264xi32, #tpu.memory_space<hbm>> -> memref<3136xi32, #tpu.memory_space<hbm>>
    tpu.enqueue_dma source(%dma_start3A_249 : memref<3136xi32, #tpu.memory_space<hbm>>) target(%arg11 : memref<3136xi32, #tpu.memory_space<vmem>>) target_semaphore(%arg32 : memref<!tpu.dma_semaphore, #tpu.memory_space<semaphore_mem>>)
    %add3A_250 = arith.constant 2508800 : i32
    %add3A_251 = arith.addi %add3A_250, %mul3A_2 : i32
    %dma_start3A_252 = tpu.memref_slice %arg2[%add3A_251] : memref<3211264xi32, #tpu.memory_space<hbm>> -> memref<3136xi32, #tpu.memory_space<hbm>>
    %dma_start3A_253 = tpu.memref_slice %arg2[%add3A_251] : memref<3211264xi32, #tpu.memory_space<hbm>> -> memref<3136xi32, #tpu.memory_space<hbm>>
    tpu.enqueue_dma source(%dma_start3A_253 : memref<3136xi32, #tpu.memory_space<hbm>>) target(%arg12 : memref<3136xi32, #tpu.memory_space<vmem>>) target_semaphore(%arg32 : memref<!tpu.dma_semaphore, #tpu.memory_space<semaphore_mem>>)
    %add3A_254 = arith.constant 2609152 : i32
    %add3A_255 = arith.addi %add3A_254, %mul3A_2 : i32
    %dma_start3A_256 = tpu.memref_slice %arg2[%add3A_255] : memref<3211264xi32, #tpu.memory_space<hbm>> -> memref<3136xi32, #tpu.memory_space<hbm>>
    %dma_start3A_257 = tpu.memref_slice %arg2[%add3A_255] : memref<3211264xi32, #tpu.memory_space<hbm>> -> memref<3136xi32, #tpu.memory_space<hbm>>
    tpu.enqueue_dma source(%dma_start3A_257 : memref<3136xi32, #tpu.memory_space<hbm>>) target(%arg13 : memref<3136xi32, #tpu.memory_space<vmem>>) target_semaphore(%arg32 : memref<!tpu.dma_semaphore, #tpu.memory_space<semaphore_mem>>)
    %add3A_258 = arith.constant 2709504 : i32
    %add3A_259 = arith.addi %add3A_258, %mul3A_2 : i32
    %dma_start3A_260 = tpu.memref_slice %arg2[%add3A_259] : memref<3211264xi32, #tpu.memory_space<hbm>> -> memref<3136xi32, #tpu.memory_space<hbm>>
    %dma_start3A_261 = tpu.memref_slice %arg2[%add3A_259] : memref<3211264xi32, #tpu.memory_space<hbm>> -> memref<3136xi32, #tpu.memory_space<hbm>>
    tpu.enqueue_dma source(%dma_start3A_261 : memref<3136xi32, #tpu.memory_space<hbm>>) target(%arg14 : memref<3136xi32, #tpu.memory_space<vmem>>) target_semaphore(%arg32 : memref<!tpu.dma_semaphore, #tpu.memory_space<semaphore_mem>>)
    %scan3A_262 = arith.constant 0 : i32
    %scan3A_263 = arith.constant 0 : i32
    %scan3A_264 = arith.constant 196 : i32
    %scan3A_265 = arith.addi %scan3A_263, %scan3A_264 : i32
    %scan3A_266 = arith.constant 1 : i32
    %scan3A_267 = scf.for %scan3A_570 = %scan3A_263 to %scan3A_265 step %scan3A_266 iter_args(%scan3A_571 = %scan3A_262) -> (i32)  : i32 {
      %mul3A_572 = arith.constant 16 : i32
      %mul3A_573 = arith.muli %scan3A_570, %mul3A_572 : i32
      %get3A_574 = arith.index_cast %mul3A_573 : i32 to index
      %get3A_575 = tpu.vector_load %arg10[%get3A_574] {strides = array<i32>} : memref<3136xi32, #tpu.memory_space<vmem>>, vector<16xi32>,
      %mul3A_576 = arith.constant 16 : i32
      %mul3A_577 = arith.muli %scan3A_570, %mul3A_576 : i32
      %get3A_578 = arith.index_cast %mul3A_577 : i32 to index
      %get3A_579 = tpu.vector_load %arg15[%get3A_578] {strides = array<i32>} : memref<3136xi32, #tpu.memory_space<vmem>>, vector<16xi32>,
      %max3A_580 = arith.maxsi %get3A_575, %get3A_579 : vector<16xi32>
      %mul3A_581 = arith.constant 16 : i32
      %mul3A_582 = arith.muli %scan3A_570, %mul3A_581 : i32
      %get3A_583 = arith.index_cast %mul3A_582 : i32 to index
      %get3A_584 = tpu.vector_load %arg16[%get3A_583] {strides = array<i32>} : memref<3136xi32, #tpu.memory_space<vmem>>, vector<16xi32>,
      %max3A_585 = arith.maxsi %max3A_580, %get3A_584 : vector<16xi32>
      %mul3A_586 = arith.constant 16 : i32
      %mul3A_587 = arith.muli %scan3A_570, %mul3A_586 : i32
      %get3A_588 = arith.index_cast %mul3A_587 : i32 to index
      %get3A_589 = tpu.vector_load %arg17[%get3A_588] {strides = array<i32>} : memref<3136xi32, #tpu.memory_space<vmem>>, vector<16xi32>,
      %max3A_590 = arith.maxsi %max3A_585, %get3A_589 : vector<16xi32>
      %mul3A_591 = arith.constant 16 : i32
      %mul3A_592 = arith.muli %scan3A_570, %mul3A_591 : i32
      %get3A_593 = arith.index_cast %mul3A_592 : i32 to index
      %get3A_594 = tpu.vector_load %arg18[%get3A_593] {strides = array<i32>} : memref<3136xi32, #tpu.memory_space<vmem>>, vector<16xi32>,
      %max3A_595 = arith.maxsi %max3A_590, %get3A_594 : vector<16xi32>
      %mul3A_596 = arith.constant 16 : i32
      %mul3A_597 = arith.muli %scan3A_570, %mul3A_596 : i32
      %swap3A_598 = arith.index_cast %mul3A_597 : i32 to index
      %swap3A_599 = tpu.vector_load %arg10[%swap3A_598] {strides = array<i32>} : memref<3136xi32, #tpu.memory_space<vmem>>, vector<16xi32>,
      tpu.vector_store %arg10[%swap3A_598], %max3A_595 {strides = array<i32>} : memref<3136xi32, #tpu.memory_space<vmem>>, vector<16xi32>,
      %scan3A_600 = arith.constant 0 : i32
      scf.yield %scan3A_600 : i32
    }
    %scan3A_268 = arith.constant 196 : i32
    %add3A_269 = arith.constant 2408448 : i32
    %add3A_270 = arith.addi %add3A_269, %mul3A_2 : i32
    %dma_wait3A_271 = tpu.memref_slice %arg2[%add3A_270] : memref<3211264xi32, #tpu.memory_space<hbm>> -> memref<3136xi32, #tpu.memory_space<hbm>>
    %dma_wait3A_272 = tpu.memref_slice %arg2[%add3A_270] : memref<3211264xi32, #tpu.memory_space<hbm>> -> memref<3136xi32, #tpu.memory_space<hbm>>
    tpu.wait_dma2 semaphore(%arg32 : memref<!tpu.dma_semaphore, #tpu.memory_space<semaphore_mem>>) src(%dma_wait3A_272 : memref<3136xi32, #tpu.memory_space<hbm>>) dst(%arg11 : memref<3136xi32, #tpu.memory_space<vmem>>)
    %add3A_273 = arith.constant 2508800 : i32
    %add3A_274 = arith.addi %add3A_273, %mul3A_2 : i32
    %dma_wait3A_275 = tpu.memref_slice %arg2[%add3A_274] : memref<3211264xi32, #tpu.memory_space<hbm>> -> memref<3136xi32, #tpu.memory_space<hbm>>
    %dma_wait3A_276 = tpu.memref_slice %arg2[%add3A_274] : memref<3211264xi32, #tpu.memory_space<hbm>> -> memref<3136xi32, #tpu.memory_space<hbm>>
    tpu.wait_dma2 semaphore(%arg32 : memref<!tpu.dma_semaphore, #tpu.memory_space<semaphore_mem>>) src(%dma_wait3A_276 : memref<3136xi32, #tpu.memory_space<hbm>>) dst(%arg12 : memref<3136xi32, #tpu.memory_space<vmem>>)
    %add3A_277 = arith.constant 2609152 : i32
    %add3A_278 = arith.addi %add3A_277, %mul3A_2 : i32
    %dma_wait3A_279 = tpu.memref_slice %arg2[%add3A_278] : memref<3211264xi32, #tpu.memory_space<hbm>> -> memref<3136xi32, #tpu.memory_space<hbm>>
    %dma_wait3A_280 = tpu.memref_slice %arg2[%add3A_278] : memref<3211264xi32, #tpu.memory_space<hbm>> -> memref<3136xi32, #tpu.memory_space<hbm>>
    tpu.wait_dma2 semaphore(%arg32 : memref<!tpu.dma_semaphore, #tpu.memory_space<semaphore_mem>>) src(%dma_wait3A_280 : memref<3136xi32, #tpu.memory_space<hbm>>) dst(%arg13 : memref<3136xi32, #tpu.memory_space<vmem>>)
    %add3A_281 = arith.constant 2709504 : i32
    %add3A_282 = arith.addi %add3A_281, %mul3A_2 : i32
    %dma_wait3A_283 = tpu.memref_slice %arg2[%add3A_282] : memref<3211264xi32, #tpu.memory_space<hbm>> -> memref<3136xi32, #tpu.memory_space<hbm>>
    %dma_wait3A_284 = tpu.memref_slice %arg2[%add3A_282] : memref<3211264xi32, #tpu.memory_space<hbm>> -> memref<3136xi32, #tpu.memory_space<hbm>>
    tpu.wait_dma2 semaphore(%arg32 : memref<!tpu.dma_semaphore, #tpu.memory_space<semaphore_mem>>) src(%dma_wait3A_284 : memref<3136xi32, #tpu.memory_space<hbm>>) dst(%arg14 : memref<3136xi32, #tpu.memory_space<vmem>>)
    %add3A_285 = arith.constant 2809856 : i32
    %add3A_286 = arith.addi %add3A_285, %mul3A_2 : i32
    %dma_start3A_287 = tpu.memref_slice %arg2[%add3A_286] : memref<3211264xi32, #tpu.memory_space<hbm>> -> memref<3136xi32, #tpu.memory_space<hbm>>
    %dma_start3A_288 = tpu.memref_slice %arg2[%add3A_286] : memref<3211264xi32, #tpu.memory_space<hbm>> -> memref<3136xi32, #tpu.memory_space<hbm>>
    tpu.enqueue_dma source(%dma_start3A_288 : memref<3136xi32, #tpu.memory_space<hbm>>) target(%arg15 : memref<3136xi32, #tpu.memory_space<vmem>>) target_semaphore(%arg37 : memref<!tpu.dma_semaphore, #tpu.memory_space<semaphore_mem>>)
    %add3A_289 = arith.constant 2910208 : i32
    %add3A_290 = arith.addi %add3A_289, %mul3A_2 : i32
    %dma_start3A_291 = tpu.memref_slice %arg2[%add3A_290] : memref<3211264xi32, #tpu.memory_space<hbm>> -> memref<3136xi32, #tpu.memory_space<hbm>>
    %dma_start3A_292 = tpu.memref_slice %arg2[%add3A_290] : memref<3211264xi32, #tpu.memory_space<hbm>> -> memref<3136xi32, #tpu.memory_space<hbm>>
    tpu.enqueue_dma source(%dma_start3A_292 : memref<3136xi32, #tpu.memory_space<hbm>>) target(%arg16 : memref<3136xi32, #tpu.memory_space<vmem>>) target_semaphore(%arg37 : memref<!tpu.dma_semaphore, #tpu.memory_space<semaphore_mem>>)
    %add3A_293 = arith.constant 3010560 : i32
    %add3A_294 = arith.addi %add3A_293, %mul3A_2 : i32
    %dma_start3A_295 = tpu.memref_slice %arg2[%add3A_294] : memref<3211264xi32, #tpu.memory_space<hbm>> -> memref<3136xi32, #tpu.memory_space<hbm>>
    %dma_start3A_296 = tpu.memref_slice %arg2[%add3A_294] : memref<3211264xi32, #tpu.memory_space<hbm>> -> memref<3136xi32, #tpu.memory_space<hbm>>
    tpu.enqueue_dma source(%dma_start3A_296 : memref<3136xi32, #tpu.memory_space<hbm>>) target(%arg17 : memref<3136xi32, #tpu.memory_space<vmem>>) target_semaphore(%arg37 : memref<!tpu.dma_semaphore, #tpu.memory_space<semaphore_mem>>)
    %add3A_297 = arith.constant 3110912 : i32
    %add3A_298 = arith.addi %add3A_297, %mul3A_2 : i32
    %dma_start3A_299 = tpu.memref_slice %arg2[%add3A_298] : memref<3211264xi32, #tpu.memory_space<hbm>> -> memref<3136xi32, #tpu.memory_space<hbm>>
    %dma_start3A_300 = tpu.memref_slice %arg2[%add3A_298] : memref<3211264xi32, #tpu.memory_space<hbm>> -> memref<3136xi32, #tpu.memory_space<hbm>>
    tpu.enqueue_dma source(%dma_start3A_300 : memref<3136xi32, #tpu.memory_space<hbm>>) target(%arg18 : memref<3136xi32, #tpu.memory_space<vmem>>) target_semaphore(%arg37 : memref<!tpu.dma_semaphore, #tpu.memory_space<semaphore_mem>>)
    %scan3A_301 = arith.constant 0 : i32
    %scan3A_302 = arith.constant 0 : i32
    %scan3A_303 = arith.constant 196 : i32
    %scan3A_304 = arith.addi %scan3A_302, %scan3A_303 : i32
    %scan3A_305 = arith.constant 1 : i32
    %scan3A_306 = scf.for %scan3A_570 = %scan3A_302 to %scan3A_304 step %scan3A_305 iter_args(%scan3A_571 = %scan3A_301) -> (i32)  : i32 {
      %mul3A_572 = arith.constant 16 : i32
      %mul3A_573 = arith.muli %scan3A_570, %mul3A_572 : i32
      %get3A_574 = arith.index_cast %mul3A_573 : i32 to index
      %get3A_575 = tpu.vector_load %arg10[%get3A_574] {strides = array<i32>} : memref<3136xi32, #tpu.memory_space<vmem>>, vector<16xi32>,
      %mul3A_576 = arith.constant 16 : i32
      %mul3A_577 = arith.muli %scan3A_570, %mul3A_576 : i32
      %get3A_578 = arith.index_cast %mul3A_577 : i32 to index
      %get3A_579 = tpu.vector_load %arg11[%get3A_578] {strides = array<i32>} : memref<3136xi32, #tpu.memory_space<vmem>>, vector<16xi32>,
      %max3A_580 = arith.maxsi %get3A_575, %get3A_579 : vector<16xi32>
      %mul3A_581 = arith.constant 16 : i32
      %mul3A_582 = arith.muli %scan3A_570, %mul3A_581 : i32
      %get3A_583 = arith.index_cast %mul3A_582 : i32 to index
      %get3A_584 = tpu.vector_load %arg12[%get3A_583] {strides = array<i32>} : memref<3136xi32, #tpu.memory_space<vmem>>, vector<16xi32>,
      %max3A_585 = arith.maxsi %max3A_580, %get3A_584 : vector<16xi32>
      %mul3A_586 = arith.constant 16 : i32
      %mul3A_587 = arith.muli %scan3A_570, %mul3A_586 : i32
      %get3A_588 = arith.index_cast %mul3A_587 : i32 to index
      %get3A_589 = tpu.vector_load %arg13[%get3A_588] {strides = array<i32>} : memref<3136xi32, #tpu.memory_space<vmem>>, vector<16xi32>,
      %max3A_590 = arith.maxsi %max3A_585, %get3A_589 : vector<16xi32>
      %mul3A_591 = arith.constant 16 : i32
      %mul3A_592 = arith.muli %scan3A_570, %mul3A_591 : i32
      %get3A_593 = arith.index_cast %mul3A_592 : i32 to index
      %get3A_594 = tpu.vector_load %arg14[%get3A_593] {strides = array<i32>} : memref<3136xi32, #tpu.memory_space<vmem>>, vector<16xi32>,
      %max3A_595 = arith.maxsi %max3A_590, %get3A_594 : vector<16xi32>
      %mul3A_596 = arith.constant 16 : i32
      %mul3A_597 = arith.muli %scan3A_570, %mul3A_596 : i32
      %swap3A_598 = arith.index_cast %mul3A_597 : i32 to index
      %swap3A_599 = tpu.vector_load %arg10[%swap3A_598] {strides = array<i32>} : memref<3136xi32, #tpu.memory_space<vmem>>, vector<16xi32>,
      tpu.vector_store %arg10[%swap3A_598], %max3A_595 {strides = array<i32>} : memref<3136xi32, #tpu.memory_space<vmem>>, vector<16xi32>,
      %scan3A_600 = arith.constant 0 : i32
      scf.yield %scan3A_600 : i32
    }
    %scan3A_307 = arith.constant 196 : i32
    %add3A_308 = arith.constant 2809856 : i32
    %add3A_309 = arith.addi %add3A_308, %mul3A_2 : i32
    %dma_wait3A_310 = tpu.memref_slice %arg2[%add3A_309] : memref<3211264xi32, #tpu.memory_space<hbm>> -> memref<3136xi32, #tpu.memory_space<hbm>>
    %dma_wait3A_311 = tpu.memref_slice %arg2[%add3A_309] : memref<3211264xi32, #tpu.memory_space<hbm>> -> memref<3136xi32, #tpu.memory_space<hbm>>
    tpu.wait_dma2 semaphore(%arg37 : memref<!tpu.dma_semaphore, #tpu.memory_space<semaphore_mem>>) src(%dma_wait3A_311 : memref<3136xi32, #tpu.memory_space<hbm>>) dst(%arg15 : memref<3136xi32, #tpu.memory_space<vmem>>)
    %add3A_312 = arith.constant 2910208 : i32
    %add3A_313 = arith.addi %add3A_312, %mul3A_2 : i32
    %dma_wait3A_314 = tpu.memref_slice %arg2[%add3A_313] : memref<3211264xi32, #tpu.memory_space<hbm>> -> memref<3136xi32, #tpu.memory_space<hbm>>
    %dma_wait3A_315 = tpu.memref_slice %arg2[%add3A_313] : memref<3211264xi32, #tpu.memory_space<hbm>> -> memref<3136xi32, #tpu.memory_space<hbm>>
    tpu.wait_dma2 semaphore(%arg37 : memref<!tpu.dma_semaphore, #tpu.memory_space<semaphore_mem>>) src(%dma_wait3A_315 : memref<3136xi32, #tpu.memory_space<hbm>>) dst(%arg16 : memref<3136xi32, #tpu.memory_space<vmem>>)
    %add3A_316 = arith.constant 3010560 : i32
    %add3A_317 = arith.addi %add3A_316, %mul3A_2 : i32
    %dma_wait3A_318 = tpu.memref_slice %arg2[%add3A_317] : memref<3211264xi32, #tpu.memory_space<hbm>> -> memref<3136xi32, #tpu.memory_space<hbm>>
    %dma_wait3A_319 = tpu.memref_slice %arg2[%add3A_317] : memref<3211264xi32, #tpu.memory_space<hbm>> -> memref<3136xi32, #tpu.memory_space<hbm>>
    tpu.wait_dma2 semaphore(%arg37 : memref<!tpu.dma_semaphore, #tpu.memory_space<semaphore_mem>>) src(%dma_wait3A_319 : memref<3136xi32, #tpu.memory_space<hbm>>) dst(%arg17 : memref<3136xi32, #tpu.memory_space<vmem>>)
    %add3A_320 = arith.constant 3110912 : i32
    %add3A_321 = arith.addi %add3A_320, %mul3A_2 : i32
    %dma_wait3A_322 = tpu.memref_slice %arg2[%add3A_321] : memref<3211264xi32, #tpu.memory_space<hbm>> -> memref<3136xi32, #tpu.memory_space<hbm>>
    %dma_wait3A_323 = tpu.memref_slice %arg2[%add3A_321] : memref<3211264xi32, #tpu.memory_space<hbm>> -> memref<3136xi32, #tpu.memory_space<hbm>>
    tpu.wait_dma2 semaphore(%arg37 : memref<!tpu.dma_semaphore, #tpu.memory_space<semaphore_mem>>) src(%dma_wait3A_323 : memref<3136xi32, #tpu.memory_space<hbm>>) dst(%arg18 : memref<3136xi32, #tpu.memory_space<vmem>>)
    %scan3A_324 = arith.constant 0 : i32
    %scan3A_325 = arith.constant 0 : i32
    %scan3A_326 = arith.constant 196 : i32
    %scan3A_327 = arith.addi %scan3A_325, %scan3A_326 : i32
    %scan3A_328 = arith.constant 1 : i32
    %scan3A_329 = scf.for %scan3A_570 = %scan3A_325 to %scan3A_327 step %scan3A_328 iter_args(%scan3A_571 = %scan3A_324) -> (i32)  : i32 {
      %mul3A_572 = arith.constant 16 : i32
      %mul3A_573 = arith.muli %scan3A_570, %mul3A_572 : i32
      %get3A_574 = arith.index_cast %mul3A_573 : i32 to index
      %get3A_575 = tpu.vector_load %arg10[%get3A_574] {strides = array<i32>} : memref<3136xi32, #tpu.memory_space<vmem>>, vector<16xi32>,
      %mul3A_576 = arith.constant 16 : i32
      %mul3A_577 = arith.muli %scan3A_570, %mul3A_576 : i32
      %get3A_578 = arith.index_cast %mul3A_577 : i32 to index
      %get3A_579 = tpu.vector_load %arg15[%get3A_578] {strides = array<i32>} : memref<3136xi32, #tpu.memory_space<vmem>>, vector<16xi32>,
      %max3A_580 = arith.maxsi %get3A_575, %get3A_579 : vector<16xi32>
      %mul3A_581 = arith.constant 16 : i32
      %mul3A_582 = arith.muli %scan3A_570, %mul3A_581 : i32
      %get3A_583 = arith.index_cast %mul3A_582 : i32 to index
      %get3A_584 = tpu.vector_load %arg16[%get3A_583] {strides = array<i32>} : memref<3136xi32, #tpu.memory_space<vmem>>, vector<16xi32>,
      %max3A_585 = arith.maxsi %max3A_580, %get3A_584 : vector<16xi32>
      %mul3A_586 = arith.constant 16 : i32
      %mul3A_587 = arith.muli %scan3A_570, %mul3A_586 : i32
      %get3A_588 = arith.index_cast %mul3A_587 : i32 to index
      %get3A_589 = tpu.vector_load %arg17[%get3A_588] {strides = array<i32>} : memref<3136xi32, #tpu.memory_space<vmem>>, vector<16xi32>,
      %max3A_590 = arith.maxsi %max3A_585, %get3A_589 : vector<16xi32>
      %mul3A_591 = arith.constant 16 : i32
      %mul3A_592 = arith.muli %scan3A_570, %mul3A_591 : i32
      %get3A_593 = arith.index_cast %mul3A_592 : i32 to index
      %get3A_594 = tpu.vector_load %arg18[%get3A_593] {strides = array<i32>} : memref<3136xi32, #tpu.memory_space<vmem>>, vector<16xi32>,
      %max3A_595 = arith.maxsi %max3A_590, %get3A_594 : vector<16xi32>
      %mul3A_596 = arith.constant 16 : i32
      %mul3A_597 = arith.muli %scan3A_570, %mul3A_596 : i32
      %swap3A_598 = arith.index_cast %mul3A_597 : i32 to index
      %swap3A_599 = tpu.vector_load %arg10[%swap3A_598] {strides = array<i32>} : memref<3136xi32, #tpu.memory_space<vmem>>, vector<16xi32>,
      tpu.vector_store %arg10[%swap3A_598], %max3A_595 {strides = array<i32>} : memref<3136xi32, #tpu.memory_space<vmem>>, vector<16xi32>,
      %scan3A_600 = arith.constant 0 : i32
      scf.yield %scan3A_600 : i32
    }
    %scan3A_330 = arith.constant 196 : i32
    %get3A = arith.constant 0 : index
    %get3A_331 = tpu.vector_load %arg19[%get3A] {strides = array<i32>} : memref<16xi32, #tpu.memory_space<vmem>>, vector<16xi32>,
    %scan3A_332 = arith.constant 0 : i32
    %scan3A_333 = arith.constant 0 : i32
    %scan3A_334 = arith.constant 32 : i32
    %scan3A_335 = arith.addi %scan3A_333, %scan3A_334 : i32
    %scan3A_336 = arith.constant 1 : i32
    %scan3A_337 = scf.for %scan3A_570 = %scan3A_333 to %scan3A_335 step %scan3A_336 iter_args(%scan3A_571 = %scan3A_332) -> (i32)  : i32 {
      %mul3A_572 = arith.constant 16 : i32
      %mul3A_573 = arith.muli %scan3A_570, %mul3A_572 : i32
      %get3A_574 = arith.index_cast %mul3A_573 : i32 to index
      %get3A_575 = tpu.vector_load %arg10[%get3A_574] {strides = array<i32>} : memref<3136xi32, #tpu.memory_space<vmem>>, vector<16xi32>,
      %mul3A_576 = arith.constant 16 : i32
      %mul3A_577 = arith.muli %scan3A_570, %mul3A_576 : i32
      %add3A_578 = arith.addi %mul3A_2, %mul3A_577 : i32
      %add3A_579 = vector.broadcast %add3A_578 : i32 to vector<16xi32>
      %add3A_580 = arith.addi %add3A_579, %iota3A : vector<16xi32>
      %ge3A = arith.constant 0 : i32
      %ge3A_581 = vector.broadcast %ge3A : i32 to vector<16xi32>
      %ge3A_582 = arith.cmpi sge, %get3A_575, %ge3A_581 : vector<16xi32>
      %lt3A_583 = arith.cmpi slt, %add3A_580, %get3A_331 : vector<16xi32>
      %and3A_584 = arith.andi %ge3A_582, %lt3A_583 : vector<16xi1>
      %select_n3A_585 = arith.select %and3A_584, %get3A_575, %add3A_580 : vector<16xi1>, vector<16xi32>
      %mul3A_586 = arith.constant 16 : i32
      %mul3A_587 = arith.muli %scan3A_570, %mul3A_586 : i32
      %swap3A_588 = arith.index_cast %mul3A_587 : i32 to index
      %swap3A_589 = tpu.vector_load %arg20[%swap3A_588] {strides = array<i32>} : memref<3328xi32, #tpu.memory_space<vmem>>, vector<16xi32>,
      tpu.vector_store %arg20[%swap3A_588], %select_n3A_585 {strides = array<i32>} : memref<3328xi32, #tpu.memory_space<vmem>>, vector<16xi32>,
      %jit3A_590 = arith.constant 1 : i32
      %jit3A_591 = arith.constant 0 : i32
      %broadcast_in_dim3A_592 = vector.broadcast %jit3A_590 : i32 to vector<16xi32>
      %broadcast_in_dim3A_593 = vector.broadcast %jit3A_591 : i32 to vector<16xi32>
      %select_n3A_594 = arith.select %and3A_584, %broadcast_in_dim3A_592, %broadcast_in_dim3A_593 : vector<16xi1>, vector<16xi32>
      %mul3A_595 = arith.constant 16 : i32
      %mul3A_596 = arith.muli %scan3A_570, %mul3A_595 : i32
      %swap3A_597 = arith.index_cast %mul3A_596 : i32 to index
      %swap3A_598 = tpu.vector_load %arg21[%swap3A_597] {strides = array<i32>} : memref<3328xi32, #tpu.memory_space<vmem>>, vector<16xi32>,
      tpu.vector_store %arg21[%swap3A_597], %select_n3A_594 {strides = array<i32>} : memref<3328xi32, #tpu.memory_space<vmem>>, vector<16xi32>,
      %not3A = arith.constant dense<true> : vector<16xi1>
      %not3A_599 = arith.xori %and3A_584, %not3A : vector<16xi1>
      %lt3A_600 = arith.constant 100000 : i32
      %lt3A_601 = vector.broadcast %lt3A_600 : i32 to vector<16xi32>
      %lt3A_602 = arith.cmpi slt, %add3A_580, %lt3A_601 : vector<16xi32>
      %and3A_603 = arith.andi %not3A_599, %lt3A_602 : vector<16xi1>
      %swap3A_604 = arith.index_cast %scan3A_571 : i32 to index
      %swap3A_605 = tpu.vector_load %arg22[%swap3A_604] masked %and3A_603 {strides = array<i32>} : memref<3328xi32, #tpu.memory_space<vmem>>, vector<16xi32>, vector<16xi1>
      tpu.vector_store %arg22[%swap3A_604], %add3A_580 masked %and3A_603 {strides = array<i32>} : memref<3328xi32, #tpu.memory_space<vmem>>, vector<16xi32>, vector<16xi1>
      %all_reduce_population_count3A = tpu.all_reduce %and3A_603 {dim = 0 : i64, kind = #tpu.reduction_kind<sum>} : vector<16xi1> -> vector<16xi32>
      %reduce_max3A = arith.constant true
      %reduce_max3A_606 = vector.broadcast %reduce_max3A : i1 to vector<16xi1>
      %reduce_max3A_607 = arith.constant -2147483648 : i32
      %reduce_max3A_608 = vector.broadcast %reduce_max3A_607 : i32 to vector<16xi32>
      %reduce_max3A_609 = arith.xori %all_reduce_population_count3A, %reduce_max3A_608 : vector<16xi32>
      %reduce_max3A_610 = tpu.scan <max>, %reduce_max3A_609 masked %reduce_max3A_606 : vector<16xi32>, vector<16xi1> -> vector<16xi32>
      %reduce_max3A_611 = arith.xori %reduce_max3A_610, %reduce_max3A_608 : vector<16xi32>
      %reduce_max3A_612 = vector.extract %reduce_max3A_611[15] : i32 from vector<16xi32>
      %add3A_613 = arith.addi %scan3A_571, %reduce_max3A_612 : i32
      scf.yield %add3A_613 : i32
    }
    %scan3A_338 = arith.constant 32 : i32
    %dma_start3A_339 = arith.constant 0 : i32
    %dma_start3A_340 = tpu.memref_slice %arg20[%dma_start3A_339] : memref<3328xi32, #tpu.memory_space<vmem>> -> memref<128xi32, #tpu.memory_space<vmem>>
    %dma_start3A_341 = arith.constant 0 : i32
    %dma_start3A_342 = arith.constant 0 : i32
    %dma_start3A_343 = tpu.memref_slice %arg3[%dma_start3A_341, %dma_start3A_342] : memref<200000x128xf32, #tpu.memory_space<hbm>> -> memref<200000x128xf32, #tpu.memory_space<hbm>>
    tpu.enqueue_indirect_dma source(%dma_start3A_343 : memref<200000x128xf32, #tpu.memory_space<hbm>>) target(%arg25 : memref<128x128xf32, #tpu.memory_space<vmem>>) offsets(%dma_start3A_340 : memref<128xi32, #tpu.memory_space<vmem>>) semaphore(%arg30 : memref<!tpu.dma_semaphore, #tpu.memory_space<semaphore_mem>>)
    %dma_start3A_344 = arith.constant 128 : i32
    %dma_start3A_345 = tpu.memref_slice %arg20[%dma_start3A_344] : memref<3328xi32, #tpu.memory_space<vmem>> -> memref<128xi32, #tpu.memory_space<vmem>>
    %dma_start3A_346 = arith.constant 0 : i32
    %dma_start3A_347 = arith.constant 0 : i32
    %dma_start3A_348 = tpu.memref_slice %arg3[%dma_start3A_346, %dma_start3A_347] : memref<200000x128xf32, #tpu.memory_space<hbm>> -> memref<200000x128xf32, #tpu.memory_space<hbm>>
    tpu.enqueue_indirect_dma source(%dma_start3A_348 : memref<200000x128xf32, #tpu.memory_space<hbm>>) target(%arg26 : memref<128x128xf32, #tpu.memory_space<vmem>>) offsets(%dma_start3A_345 : memref<128xi32, #tpu.memory_space<vmem>>) semaphore(%arg30 : memref<!tpu.dma_semaphore, #tpu.memory_space<semaphore_mem>>)
    %dma_start3A_349 = arith.constant 256 : i32
    %dma_start3A_350 = tpu.memref_slice %arg20[%dma_start3A_349] : memref<3328xi32, #tpu.memory_space<vmem>> -> memref<128xi32, #tpu.memory_space<vmem>>
    %dma_start3A_351 = arith.constant 0 : i32
    %dma_start3A_352 = arith.constant 0 : i32
    %dma_start3A_353 = tpu.memref_slice %arg3[%dma_start3A_351, %dma_start3A_352] : memref<200000x128xf32, #tpu.memory_space<hbm>> -> memref<200000x128xf32, #tpu.memory_space<hbm>>
    tpu.enqueue_indirect_dma source(%dma_start3A_353 : memref<200000x128xf32, #tpu.memory_space<hbm>>) target(%arg27 : memref<128x128xf32, #tpu.memory_space<vmem>>) offsets(%dma_start3A_350 : memref<128xi32, #tpu.memory_space<vmem>>) semaphore(%arg30 : memref<!tpu.dma_semaphore, #tpu.memory_space<semaphore_mem>>)
    %dma_start3A_354 = arith.constant 384 : i32
    %dma_start3A_355 = tpu.memref_slice %arg20[%dma_start3A_354] : memref<3328xi32, #tpu.memory_space<vmem>> -> memref<128xi32, #tpu.memory_space<vmem>>
    %dma_start3A_356 = arith.constant 0 : i32
    %dma_start3A_357 = arith.constant 0 : i32
    %dma_start3A_358 = tpu.memref_slice %arg3[%dma_start3A_356, %dma_start3A_357] : memref<200000x128xf32, #tpu.memory_space<hbm>> -> memref<200000x128xf32, #tpu.memory_space<hbm>>
    tpu.enqueue_indirect_dma source(%dma_start3A_358 : memref<200000x128xf32, #tpu.memory_space<hbm>>) target(%arg28 : memref<128x128xf32, #tpu.memory_space<vmem>>) offsets(%dma_start3A_355 : memref<128xi32, #tpu.memory_space<vmem>>) semaphore(%arg30 : memref<!tpu.dma_semaphore, #tpu.memory_space<semaphore_mem>>)
    %scan3A_359 = arith.constant 32 : i32
    %scan3A_360 = arith.constant 164 : i32
    %scan3A_361 = arith.addi %scan3A_359, %scan3A_360 : i32
    %scan3A_362 = arith.constant 1 : i32
    %scan3A_363 = scf.for %scan3A_570 = %scan3A_359 to %scan3A_361 step %scan3A_362 iter_args(%scan3A_571 = %scan3A_337) -> (i32)  : i32 {
      %mul3A_572 = arith.constant 16 : i32
      %mul3A_573 = arith.muli %scan3A_570, %mul3A_572 : i32
      %get3A_574 = arith.index_cast %mul3A_573 : i32 to index
      %get3A_575 = tpu.vector_load %arg10[%get3A_574] {strides = array<i32>} : memref<3136xi32, #tpu.memory_space<vmem>>, vector<16xi32>,
      %mul3A_576 = arith.constant 16 : i32
      %mul3A_577 = arith.muli %scan3A_570, %mul3A_576 : i32
      %add3A_578 = arith.addi %mul3A_2, %mul3A_577 : i32
      %add3A_579 = vector.broadcast %add3A_578 : i32 to vector<16xi32>
      %add3A_580 = arith.addi %add3A_579, %iota3A : vector<16xi32>
      %ge3A = arith.constant 0 : i32
      %ge3A_581 = vector.broadcast %ge3A : i32 to vector<16xi32>
      %ge3A_582 = arith.cmpi sge, %get3A_575, %ge3A_581 : vector<16xi32>
      %lt3A_583 = arith.cmpi slt, %add3A_580, %get3A_331 : vector<16xi32>
      %and3A_584 = arith.andi %ge3A_582, %lt3A_583 : vector<16xi1>
      %select_n3A_585 = arith.select %and3A_584, %get3A_575, %add3A_580 : vector<16xi1>, vector<16xi32>
      %mul3A_586 = arith.constant 16 : i32
      %mul3A_587 = arith.muli %scan3A_570, %mul3A_586 : i32
      %swap3A_588 = arith.index_cast %mul3A_587 : i32 to index
      %swap3A_589 = tpu.vector_load %arg20[%swap3A_588] {strides = array<i32>} : memref<3328xi32, #tpu.memory_space<vmem>>, vector<16xi32>,
      tpu.vector_store %arg20[%swap3A_588], %select_n3A_585 {strides = array<i32>} : memref<3328xi32, #tpu.memory_space<vmem>>, vector<16xi32>,
      %jit3A_590 = arith.constant 1 : i32
      %jit3A_591 = arith.constant 0 : i32
      %broadcast_in_dim3A_592 = vector.broadcast %jit3A_590 : i32 to vector<16xi32>
      %broadcast_in_dim3A_593 = vector.broadcast %jit3A_591 : i32 to vector<16xi32>
      %select_n3A_594 = arith.select %and3A_584, %broadcast_in_dim3A_592, %broadcast_in_dim3A_593 : vector<16xi1>, vector<16xi32>
      %mul3A_595 = arith.constant 16 : i32
      %mul3A_596 = arith.muli %scan3A_570, %mul3A_595 : i32
      %swap3A_597 = arith.index_cast %mul3A_596 : i32 to index
      %swap3A_598 = tpu.vector_load %arg21[%swap3A_597] {strides = array<i32>} : memref<3328xi32, #tpu.memory_space<vmem>>, vector<16xi32>,
      tpu.vector_store %arg21[%swap3A_597], %select_n3A_594 {strides = array<i32>} : memref<3328xi32, #tpu.memory_space<vmem>>, vector<16xi32>,
      %not3A = arith.constant dense<true> : vector<16xi1>
      %not3A_599 = arith.xori %and3A_584, %not3A : vector<16xi1>
      %lt3A_600 = arith.constant 100000 : i32
      %lt3A_601 = vector.broadcast %lt3A_600 : i32 to vector<16xi32>
      %lt3A_602 = arith.cmpi slt, %add3A_580, %lt3A_601 : vector<16xi32>
      %and3A_603 = arith.andi %not3A_599, %lt3A_602 : vector<16xi1>
      %swap3A_604 = arith.index_cast %scan3A_571 : i32 to index
      %swap3A_605 = tpu.vector_load %arg22[%swap3A_604] masked %and3A_603 {strides = array<i32>} : memref<3328xi32, #tpu.memory_space<vmem>>, vector<16xi32>, vector<16xi1>
      tpu.vector_store %arg22[%swap3A_604], %add3A_580 masked %and3A_603 {strides = array<i32>} : memref<3328xi32, #tpu.memory_space<vmem>>, vector<16xi32>, vector<16xi1>
      %all_reduce_population_count3A = tpu.all_reduce %and3A_603 {dim = 0 : i64, kind = #tpu.reduction_kind<sum>} : vector<16xi1> -> vector<16xi32>
      %reduce_max3A = arith.constant true
      %reduce_max3A_606 = vector.broadcast %reduce_max3A : i1 to vector<16xi1>
      %reduce_max3A_607 = arith.constant -2147483648 : i32
      %reduce_max3A_608 = vector.broadcast %reduce_max3A_607 : i32 to vector<16xi32>
      %reduce_max3A_609 = arith.xori %all_reduce_population_count3A, %reduce_max3A_608 : vector<16xi32>
      %reduce_max3A_610 = tpu.scan <max>, %reduce_max3A_609 masked %reduce_max3A_606 : vector<16xi32>, vector<16xi1> -> vector<16xi32>
      %reduce_max3A_611 = arith.xori %reduce_max3A_610, %reduce_max3A_608 : vector<16xi32>
      %reduce_max3A_612 = vector.extract %reduce_max3A_611[15] : i32 from vector<16xi32>
      %add3A_613 = arith.addi %scan3A_571, %reduce_max3A_612 : i32
      scf.yield %add3A_613 : i32
    }
    %scan3A_364 = arith.constant 164 : i32
    %sub3A = arith.constant 1 : i32
    %sub3A_365 = arith.subi %scan3A_363, %sub3A : i32
    %max3A = arith.constant 0 : i32
    %max3A_366 = arith.maxsi %sub3A_365, %max3A : i32
    %broadcast_in_dim3A_367 = vector.broadcast %max3A_366 : i32 to vector<16xi32>
    %gather3A = tpu.vector_load_idx %arg22[%broadcast_in_dim3A_367] : memref<3328xi32, #tpu.memory_space<vmem>>[vector<16xi32>], vector<16xi32>,
    %add3A_368 = arith.constant 0 : i32
    %add3A_369 = arith.addi %scan3A_363, %add3A_368 : i32
    %swap3A = arith.index_cast %add3A_369 : i32 to index
    %swap3A_370 = tpu.vector_load %arg22[%swap3A] {strides = array<i32>} : memref<3328xi32, #tpu.memory_space<vmem>>, vector<16xi32>,
    tpu.vector_store %arg22[%swap3A], %gather3A {strides = array<i32>} : memref<3328xi32, #tpu.memory_space<vmem>>, vector<16xi32>,
    %add3A_371 = arith.constant 16 : i32
    %add3A_372 = arith.addi %scan3A_363, %add3A_371 : i32
    %swap3A_373 = arith.index_cast %add3A_372 : i32 to index
    %swap3A_374 = tpu.vector_load %arg22[%swap3A_373] {strides = array<i32>} : memref<3328xi32, #tpu.memory_space<vmem>>, vector<16xi32>,
    tpu.vector_store %arg22[%swap3A_373], %gather3A {strides = array<i32>} : memref<3328xi32, #tpu.memory_space<vmem>>, vector<16xi32>,
    %add3A_375 = arith.constant 32 : i32
    %add3A_376 = arith.addi %scan3A_363, %add3A_375 : i32
    %swap3A_377 = arith.index_cast %add3A_376 : i32 to index
    %swap3A_378 = tpu.vector_load %arg22[%swap3A_377] {strides = array<i32>} : memref<3328xi32, #tpu.memory_space<vmem>>, vector<16xi32>,
    tpu.vector_store %arg22[%swap3A_377], %gather3A {strides = array<i32>} : memref<3328xi32, #tpu.memory_space<vmem>>, vector<16xi32>,
    %add3A_379 = arith.constant 48 : i32
    %add3A_380 = arith.addi %scan3A_363, %add3A_379 : i32
    %swap3A_381 = arith.index_cast %add3A_380 : i32 to index
    %swap3A_382 = tpu.vector_load %arg22[%swap3A_381] {strides = array<i32>} : memref<3328xi32, #tpu.memory_space<vmem>>, vector<16xi32>,
    tpu.vector_store %arg22[%swap3A_381], %gather3A {strides = array<i32>} : memref<3328xi32, #tpu.memory_space<vmem>>, vector<16xi32>,
    %add3A_383 = arith.constant 64 : i32
    %add3A_384 = arith.addi %scan3A_363, %add3A_383 : i32
    %swap3A_385 = arith.index_cast %add3A_384 : i32 to index
    %swap3A_386 = tpu.vector_load %arg22[%swap3A_385] {strides = array<i32>} : memref<3328xi32, #tpu.memory_space<vmem>>, vector<16xi32>,
    tpu.vector_store %arg22[%swap3A_385], %gather3A {strides = array<i32>} : memref<3328xi32, #tpu.memory_space<vmem>>, vector<16xi32>,
    %add3A_387 = arith.constant 80 : i32
    %add3A_388 = arith.addi %scan3A_363, %add3A_387 : i32
    %swap3A_389 = arith.index_cast %add3A_388 : i32 to index
    %swap3A_390 = tpu.vector_load %arg22[%swap3A_389] {strides = array<i32>} : memref<3328xi32, #tpu.memory_space<vmem>>, vector<16xi32>,
    tpu.vector_store %arg22[%swap3A_389], %gather3A {strides = array<i32>} : memref<3328xi32, #tpu.memory_space<vmem>>, vector<16xi32>,
    %add3A_391 = arith.constant 96 : i32
    %add3A_392 = arith.addi %scan3A_363, %add3A_391 : i32
    %swap3A_393 = arith.index_cast %add3A_392 : i32 to index
    %swap3A_394 = tpu.vector_load %arg22[%swap3A_393] {strides = array<i32>} : memref<3328xi32, #tpu.memory_space<vmem>>, vector<16xi32>,
    tpu.vector_store %arg22[%swap3A_393], %gather3A {strides = array<i32>} : memref<3328xi32, #tpu.memory_space<vmem>>, vector<16xi32>,
    %add3A_395 = arith.constant 112 : i32
    %add3A_396 = arith.addi %scan3A_363, %add3A_395 : i32
    %swap3A_397 = arith.index_cast %add3A_396 : i32 to index
    %swap3A_398 = tpu.vector_load %arg22[%swap3A_397] {strides = array<i32>} : memref<3328xi32, #tpu.memory_space<vmem>>, vector<16xi32>,
    tpu.vector_store %arg22[%swap3A_397], %gather3A {strides = array<i32>} : memref<3328xi32, #tpu.memory_space<vmem>>, vector<16xi32>,
    %scan3A_399 = arith.constant 0 : i32
    %scan3A_400 = arith.constant 0 : i32
    %scan3A_401 = arith.constant 26 : i32
    %scan3A_402 = arith.addi %scan3A_400, %scan3A_401 : i32
    %scan3A_403 = arith.constant 1 : i32
    %scan3A_404 = scf.for %scan3A_570 = %scan3A_400 to %scan3A_402 step %scan3A_403 iter_args(%scan3A_571 = %scan3A_399) -> (i32)  : i32 {
      %mul3A_572 = arith.constant 128 : i32
      %mul3A_573 = arith.muli %scan3A_570, %mul3A_572 : i32
      %add3A_574 = arith.constant 0 : i32
      %add3A_575 = arith.addi %mul3A_573, %add3A_574 : i32
      %get3A_576 = arith.index_cast %add3A_575 : i32 to index
      %get3A_577 = tpu.vector_load %arg22[%get3A_576] {strides = array<i32>} : memref<3328xi32, #tpu.memory_space<vmem>>, vector<16xi32>,
      %swap3A_578 = arith.index_cast %scan3A_570 : i32 to index
      %swap3A_579 = arith.constant 0 : index
      %swap3A_580 = tpu.vector_load %arg23[%swap3A_578, %swap3A_579] {strides = array<i32>} : memref<26x128xi32, #tpu.memory_space<vmem>>, vector<16xi32>,
      tpu.vector_store %arg23[%swap3A_578, %swap3A_579], %get3A_577 {strides = array<i32>} : memref<26x128xi32, #tpu.memory_space<vmem>>, vector<16xi32>,
      %mul3A_581 = arith.constant 128 : i32
      %mul3A_582 = arith.muli %scan3A_570, %mul3A_581 : i32
      %add3A_583 = arith.constant 16 : i32
      %add3A_584 = arith.addi %mul3A_582, %add3A_583 : i32
      %get3A_585 = arith.index_cast %add3A_584 : i32 to index
      %get3A_586 = tpu.vector_load %arg22[%get3A_585] {strides = array<i32>} : memref<3328xi32, #tpu.memory_space<vmem>>, vector<16xi32>,
      %swap3A_587 = arith.index_cast %scan3A_570 : i32 to index
      %swap3A_588 = arith.constant 16 : index
      %swap3A_589 = tpu.vector_load %arg23[%swap3A_587, %swap3A_588] {strides = array<i32>} : memref<26x128xi32, #tpu.memory_space<vmem>>, vector<16xi32>,
      tpu.vector_store %arg23[%swap3A_587, %swap3A_588], %get3A_586 {strides = array<i32>} : memref<26x128xi32, #tpu.memory_space<vmem>>, vector<16xi32>,
      %mul3A_590 = arith.constant 128 : i32
      %mul3A_591 = arith.muli %scan3A_570, %mul3A_590 : i32
      %add3A_592 = arith.constant 32 : i32
      %add3A_593 = arith.addi %mul3A_591, %add3A_592 : i32
      %get3A_594 = arith.index_cast %add3A_593 : i32 to index
      %get3A_595 = tpu.vector_load %arg22[%get3A_594] {strides = array<i32>} : memref<3328xi32, #tpu.memory_space<vmem>>, vector<16xi32>,
      %swap3A_596 = arith.index_cast %scan3A_570 : i32 to index
      %swap3A_597 = arith.constant 32 : index
      %swap3A_598 = tpu.vector_load %arg23[%swap3A_596, %swap3A_597] {strides = array<i32>} : memref<26x128xi32, #tpu.memory_space<vmem>>, vector<16xi32>,
      tpu.vector_store %arg23[%swap3A_596, %swap3A_597], %get3A_595 {strides = array<i32>} : memref<26x128xi32, #tpu.memory_space<vmem>>, vector<16xi32>,
      %mul3A_599 = arith.constant 128 : i32
      %mul3A_600 = arith.muli %scan3A_570, %mul3A_599 : i32
      %add3A_601 = arith.constant 48 : i32
      %add3A_602 = arith.addi %mul3A_600, %add3A_601 : i32
      %get3A_603 = arith.index_cast %add3A_602 : i32 to index
      %get3A_604 = tpu.vector_load %arg22[%get3A_603] {strides = array<i32>} : memref<3328xi32, #tpu.memory_space<vmem>>, vector<16xi32>,
      %swap3A_605 = arith.index_cast %scan3A_570 : i32 to index
      %swap3A_606 = arith.constant 48 : index
      %swap3A_607 = tpu.vector_load %arg23[%swap3A_605, %swap3A_606] {strides = array<i32>} : memref<26x128xi32, #tpu.memory_space<vmem>>, vector<16xi32>,
      tpu.vector_store %arg23[%swap3A_605, %swap3A_606], %get3A_604 {strides = array<i32>} : memref<26x128xi32, #tpu.memory_space<vmem>>, vector<16xi32>,
      %mul3A_608 = arith.constant 128 : i32
      %mul3A_609 = arith.muli %scan3A_570, %mul3A_608 : i32
      %add3A_610 = arith.constant 64 : i32
      %add3A_611 = arith.addi %mul3A_609, %add3A_610 : i32
      %get3A_612 = arith.index_cast %add3A_611 : i32 to index
      %get3A_613 = tpu.vector_load %arg22[%get3A_612] {strides = array<i32>} : memref<3328xi32, #tpu.memory_space<vmem>>, vector<16xi32>,
      %swap3A_614 = arith.index_cast %scan3A_570 : i32 to index
      %swap3A_615 = arith.constant 64 : index
      %swap3A_616 = tpu.vector_load %arg23[%swap3A_614, %swap3A_615] {strides = array<i32>} : memref<26x128xi32, #tpu.memory_space<vmem>>, vector<16xi32>,
      tpu.vector_store %arg23[%swap3A_614, %swap3A_615], %get3A_613 {strides = array<i32>} : memref<26x128xi32, #tpu.memory_space<vmem>>, vector<16xi32>,
      %mul3A_617 = arith.constant 128 : i32
      %mul3A_618 = arith.muli %scan3A_570, %mul3A_617 : i32
      %add3A_619 = arith.constant 80 : i32
      %add3A_620 = arith.addi %mul3A_618, %add3A_619 : i32
      %get3A_621 = arith.index_cast %add3A_620 : i32 to index
      %get3A_622 = tpu.vector_load %arg22[%get3A_621] {strides = array<i32>} : memref<3328xi32, #tpu.memory_space<vmem>>, vector<16xi32>,
      %swap3A_623 = arith.index_cast %scan3A_570 : i32 to index
      %swap3A_624 = arith.constant 80 : index
      %swap3A_625 = tpu.vector_load %arg23[%swap3A_623, %swap3A_624] {strides = array<i32>} : memref<26x128xi32, #tpu.memory_space<vmem>>, vector<16xi32>,
      tpu.vector_store %arg23[%swap3A_623, %swap3A_624], %get3A_622 {strides = array<i32>} : memref<26x128xi32, #tpu.memory_space<vmem>>, vector<16xi32>,
      %mul3A_626 = arith.constant 128 : i32
      %mul3A_627 = arith.muli %scan3A_570, %mul3A_626 : i32
      %add3A_628 = arith.constant 96 : i32
      %add3A_629 = arith.addi %mul3A_627, %add3A_628 : i32
      %get3A_630 = arith.index_cast %add3A_629 : i32 to index
      %get3A_631 = tpu.vector_load %arg22[%get3A_630] {strides = array<i32>} : memref<3328xi32, #tpu.memory_space<vmem>>, vector<16xi32>,
      %swap3A_632 = arith.index_cast %scan3A_570 : i32 to index
      %swap3A_633 = arith.constant 96 : index
      %swap3A_634 = tpu.vector_load %arg23[%swap3A_632, %swap3A_633] {strides = array<i32>} : memref<26x128xi32, #tpu.memory_space<vmem>>, vector<16xi32>,
      tpu.vector_store %arg23[%swap3A_632, %swap3A_633], %get3A_631 {strides = array<i32>} : memref<26x128xi32, #tpu.memory_space<vmem>>, vector<16xi32>,
      %mul3A_635 = arith.constant 128 : i32
      %mul3A_636 = arith.muli %scan3A_570, %mul3A_635 : i32
      %add3A_637 = arith.constant 112 : i32
      %add3A_638 = arith.addi %mul3A_636, %add3A_637 : i32
      %get3A_639 = arith.index_cast %add3A_638 : i32 to index
      %get3A_640 = tpu.vector_load %arg22[%get3A_639] {strides = array<i32>} : memref<3328xi32, #tpu.memory_space<vmem>>, vector<16xi32>,
      %swap3A_641 = arith.index_cast %scan3A_570 : i32 to index
      %swap3A_642 = arith.constant 112 : index
      %swap3A_643 = tpu.vector_load %arg23[%swap3A_641, %swap3A_642] {strides = array<i32>} : memref<26x128xi32, #tpu.memory_space<vmem>>, vector<16xi32>,
      tpu.vector_store %arg23[%swap3A_641, %swap3A_642], %get3A_640 {strides = array<i32>} : memref<26x128xi32, #tpu.memory_space<vmem>>, vector<16xi32>,
      %scan3A_644 = arith.constant 0 : i32
      scf.yield %scan3A_644 : i32
    }
    %scan3A_405 = arith.constant 26 : i32
    %scan3A_406 = arith.constant 0 : i32
    %scan3A_407 = arith.constant 0 : i32
    %scan3A_408 = arith.constant 25 : i32
    %scan3A_409 = arith.addi %scan3A_407, %scan3A_408 : i32
    %scan3A_410 = arith.constant 1 : i32
    %scan3A_411 = scf.for %scan3A_570 = %scan3A_407 to %scan3A_409 step %scan3A_410 iter_args(%scan3A_571 = %scan3A_406) -> (i32)  : i32 {
      %mul3A_572 = arith.constant 128 : i32
      %mul3A_573 = arith.muli %scan3A_570, %mul3A_572 : i32
      %mul3A_574 = arith.constant 128 : i32
      %mul3A_575 = arith.muli %scan3A_570, %mul3A_574 : i32
      %dma_start3A_576 = tpu.memref_slice %arg24[%mul3A_575] : memref<3328xf32, #tpu.memory_space<vmem>> -> memref<128xf32, #tpu.memory_space<vmem>>
      %dma_start3A_577 = tpu.memref_slice %arg20[%mul3A_573] : memref<3328xi32, #tpu.memory_space<vmem>> -> memref<128xi32, #tpu.memory_space<vmem>>
      %dma_start3A_578 = arith.constant 0 : i32
      %dma_start3A_579 = tpu.memref_slice %arg4[%dma_start3A_578] : memref<200000xf32, #tpu.memory_space<hbm>> -> memref<200000xf32, #tpu.memory_space<hbm>>
      tpu.enqueue_indirect_dma source(%dma_start3A_579 : memref<200000xf32, #tpu.memory_space<hbm>>) target(%dma_start3A_576 : memref<128xf32, #tpu.memory_space<vmem>>) offsets(%dma_start3A_577 : memref<128xi32, #tpu.memory_space<vmem>>) semaphore(%arg32 : memref<!tpu.dma_semaphore, #tpu.memory_space<semaphore_mem>>)
      %scan3A_580 = arith.constant 0 : i32
      scf.yield %scan3A_580 : i32
    }
    %scan3A_412 = arith.constant 25 : i32
    %scan3A_413 = arith.constant 0 : i32
    %scan3A_414 = arith.constant 0 : i32
    %scan3A_415 = arith.constant 6 : i32
    %scan3A_416 = arith.addi %scan3A_414, %scan3A_415 : i32
    %scan3A_417 = arith.constant 1 : i32
    %scan3A_418 = scf.for %scan3A_570 = %scan3A_414 to %scan3A_416 step %scan3A_417 iter_args(%scan3A_571 = %scan3A_413) -> (i32)  : i32 {
      %gt3A_572 = arith.constant 0 : i32
      %gt3A_573 = arith.cmpi sgt, %scan3A_570, %gt3A_572 : i32
      %convert_element_type3A_574 = arith.extui %gt3A_573 : i1 to i32
      %cond3A_575 = arith.constant 0 : i32
      %cond3A_576 = arith.cmpi ne, %convert_element_type3A_574, %cond3A_575 : i32
      scf.if %cond3A_576 {
        %mul3A_713 = arith.constant 4 : i32
        %mul3A_714 = arith.muli %scan3A_570, %mul3A_713 : i32
        %add3A_715 = arith.constant 0 : i32
        %add3A_716 = arith.addi %mul3A_714, %add3A_715 : i32
        %sub3A_717 = arith.constant 4 : i32
        %sub3A_718 = arith.subi %add3A_716, %sub3A_717 : i32
        %mul3A_719 = arith.constant 128 : i32
        %mul3A_720 = arith.muli %sub3A_718, %mul3A_719 : i32
        %add3A_721 = arith.addi %mul3A_2, %mul3A_720 : i32
        %add3A_722 = arith.constant 128 : i32
        %add3A_723 = arith.addi %add3A_721, %add3A_722 : i32
        %le3A_724 = arith.constant 100000 : i32
        %le3A_725 = arith.cmpi sle, %add3A_723, %le3A_724 : i32
        %convert_element_type3A_726 = arith.extui %le3A_725 : i1 to i32
        %cond3A_727 = arith.constant 0 : i32
        %cond3A_728 = arith.cmpi ne, %convert_element_type3A_726, %cond3A_727 : i32
        scf.if %cond3A_728 {
          %dma_wait3A_749 = arith.constant 0 : i32
          %dma_wait3A_750 = tpu.memref_slice %arg7[%add3A_721, %dma_wait3A_749] : memref<100000x128xf32, #tpu.memory_space<hbm>> -> memref<128x128xf32, #tpu.memory_space<hbm>>
          %dma_wait3A_751 = arith.constant 0 : i32
          %dma_wait3A_752 = tpu.memref_slice %arg7[%add3A_721, %dma_wait3A_751] : memref<100000x128xf32, #tpu.memory_space<hbm>> -> memref<128x128xf32, #tpu.memory_space<hbm>>
          tpu.wait_dma2 semaphore(%arg33 : memref<!tpu.dma_semaphore, #tpu.memory_space<semaphore_mem>>) src(%arg25 : memref<128x128xf32, #tpu.memory_space<vmem>>) dst(%dma_wait3A_752 : memref<128x128xf32, #tpu.memory_space<hbm>>)
        } else {
        }
        %lt3A_729 = arith.constant 100000 : i32
        %lt3A_730 = arith.cmpi slt, %add3A_721, %lt3A_729 : i32
        %add3A_731 = arith.constant 128 : i32
        %add3A_732 = arith.addi %add3A_721, %add3A_731 : i32
        %gt3A_733 = arith.constant 100000 : i32
        %gt3A_734 = arith.cmpi sgt, %add3A_732, %gt3A_733 : i32
        %and3A_735 = arith.andi %lt3A_730, %gt3A_734 : i1
        %convert_element_type3A_736 = arith.extui %and3A_735 : i1 to i32
        %cond3A_737 = arith.constant 0 : i32
        %cond3A_738 = arith.cmpi ne, %convert_element_type3A_736, %cond3A_737 : i32
        scf.if %cond3A_738 {
          %dma_wait3A_749 = arith.constant 0 : i32
          %dma_wait3A_750 = arith.constant 0 : i32
          %dma_wait3A_751 = tpu.memref_slice %arg25[%dma_wait3A_749, %dma_wait3A_750] : memref<128x128xf32, #tpu.memory_space<vmem>> -> memref<96x128xf32, #tpu.memory_space<vmem>>
          %dma_wait3A_752 = arith.constant 0 : i32
          %dma_wait3A_753 = tpu.memref_slice %arg7[%add3A_721, %dma_wait3A_752] : memref<100000x128xf32, #tpu.memory_space<hbm>> -> memref<96x128xf32, #tpu.memory_space<hbm>>
          %dma_wait3A_754 = arith.constant 0 : i32
          %dma_wait3A_755 = tpu.memref_slice %arg7[%add3A_721, %dma_wait3A_754] : memref<100000x128xf32, #tpu.memory_space<hbm>> -> memref<96x128xf32, #tpu.memory_space<hbm>>
          %dma_wait3A_756 = arith.constant 0 : i32
          %dma_wait3A_757 = arith.constant 0 : i32
          %dma_wait3A_758 = tpu.memref_slice %arg25[%dma_wait3A_756, %dma_wait3A_757] : memref<128x128xf32, #tpu.memory_space<vmem>> -> memref<96x128xf32, #tpu.memory_space<vmem>>
          tpu.wait_dma2 semaphore(%arg33 : memref<!tpu.dma_semaphore, #tpu.memory_space<semaphore_mem>>) src(%dma_wait3A_758 : memref<96x128xf32, #tpu.memory_space<vmem>>) dst(%dma_wait3A_755 : memref<96x128xf32, #tpu.memory_space<hbm>>)
        } else {
        }
        %mul3A_739 = arith.constant 4 : i32
        %mul3A_740 = arith.muli %scan3A_570, %mul3A_739 : i32
        %add3A_741 = arith.constant 0 : i32
        %add3A_742 = arith.addi %mul3A_740, %add3A_741 : i32
        %mul3A_743 = arith.constant 128 : i32
        %mul3A_744 = arith.muli %add3A_742, %mul3A_743 : i32
        %dma_start3A_745 = tpu.memref_slice %arg20[%mul3A_744] : memref<3328xi32, #tpu.memory_space<vmem>> -> memref<128xi32, #tpu.memory_space<vmem>>
        %dma_start3A_746 = arith.constant 0 : i32
        %dma_start3A_747 = arith.constant 0 : i32
        %dma_start3A_748 = tpu.memref_slice %arg3[%dma_start3A_746, %dma_start3A_747] : memref<200000x128xf32, #tpu.memory_space<hbm>> -> memref<200000x128xf32, #tpu.memory_space<hbm>>
        tpu.enqueue_indirect_dma source(%dma_start3A_748 : memref<200000x128xf32, #tpu.memory_space<hbm>>) target(%arg25 : memref<128x128xf32, #tpu.memory_space<vmem>>) offsets(%dma_start3A_745 : memref<128xi32, #tpu.memory_space<vmem>>) semaphore(%arg30 : memref<!tpu.dma_semaphore, #tpu.memory_space<semaphore_mem>>)
      } else {
      }
      %gt3A_577 = arith.constant 0 : i32
      %gt3A_578 = arith.cmpi sgt, %scan3A_570, %gt3A_577 : i32
      %convert_element_type3A_579 = arith.extui %gt3A_578 : i1 to i32
      %cond3A_580 = arith.constant 0 : i32
      %cond3A_581 = arith.cmpi ne, %convert_element_type3A_579, %cond3A_580 : i32
      scf.if %cond3A_581 {
        %mul3A_713 = arith.constant 4 : i32
        %mul3A_714 = arith.muli %scan3A_570, %mul3A_713 : i32
        %add3A_715 = arith.constant 1 : i32
        %add3A_716 = arith.addi %mul3A_714, %add3A_715 : i32
        %sub3A_717 = arith.constant 4 : i32
        %sub3A_718 = arith.subi %add3A_716, %sub3A_717 : i32
        %mul3A_719 = arith.constant 128 : i32
        %mul3A_720 = arith.muli %sub3A_718, %mul3A_719 : i32
        %add3A_721 = arith.addi %mul3A_2, %mul3A_720 : i32
        %add3A_722 = arith.constant 128 : i32
        %add3A_723 = arith.addi %add3A_721, %add3A_722 : i32
        %le3A_724 = arith.constant 100000 : i32
        %le3A_725 = arith.cmpi sle, %add3A_723, %le3A_724 : i32
        %convert_element_type3A_726 = arith.extui %le3A_725 : i1 to i32
        %cond3A_727 = arith.constant 0 : i32
        %cond3A_728 = arith.cmpi ne, %convert_element_type3A_726, %cond3A_727 : i32
        scf.if %cond3A_728 {
          %dma_wait3A_749 = arith.constant 0 : i32
          %dma_wait3A_750 = tpu.memref_slice %arg7[%add3A_721, %dma_wait3A_749] : memref<100000x128xf32, #tpu.memory_space<hbm>> -> memref<128x128xf32, #tpu.memory_space<hbm>>
          %dma_wait3A_751 = arith.constant 0 : i32
          %dma_wait3A_752 = tpu.memref_slice %arg7[%add3A_721, %dma_wait3A_751] : memref<100000x128xf32, #tpu.memory_space<hbm>> -> memref<128x128xf32, #tpu.memory_space<hbm>>
          tpu.wait_dma2 semaphore(%arg34 : memref<!tpu.dma_semaphore, #tpu.memory_space<semaphore_mem>>) src(%arg26 : memref<128x128xf32, #tpu.memory_space<vmem>>) dst(%dma_wait3A_752 : memref<128x128xf32, #tpu.memory_space<hbm>>)
        } else {
        }
        %lt3A_729 = arith.constant 100000 : i32
        %lt3A_730 = arith.cmpi slt, %add3A_721, %lt3A_729 : i32
        %add3A_731 = arith.constant 128 : i32
        %add3A_732 = arith.addi %add3A_721, %add3A_731 : i32
        %gt3A_733 = arith.constant 100000 : i32
        %gt3A_734 = arith.cmpi sgt, %add3A_732, %gt3A_733 : i32
        %and3A_735 = arith.andi %lt3A_730, %gt3A_734 : i1
        %convert_element_type3A_736 = arith.extui %and3A_735 : i1 to i32
        %cond3A_737 = arith.constant 0 : i32
        %cond3A_738 = arith.cmpi ne, %convert_element_type3A_736, %cond3A_737 : i32
        scf.if %cond3A_738 {
          %dma_wait3A_749 = arith.constant 0 : i32
          %dma_wait3A_750 = arith.constant 0 : i32
          %dma_wait3A_751 = tpu.memref_slice %arg26[%dma_wait3A_749, %dma_wait3A_750] : memref<128x128xf32, #tpu.memory_space<vmem>> -> memref<96x128xf32, #tpu.memory_space<vmem>>
          %dma_wait3A_752 = arith.constant 0 : i32
          %dma_wait3A_753 = tpu.memref_slice %arg7[%add3A_721, %dma_wait3A_752] : memref<100000x128xf32, #tpu.memory_space<hbm>> -> memref<96x128xf32, #tpu.memory_space<hbm>>
          %dma_wait3A_754 = arith.constant 0 : i32
          %dma_wait3A_755 = tpu.memref_slice %arg7[%add3A_721, %dma_wait3A_754] : memref<100000x128xf32, #tpu.memory_space<hbm>> -> memref<96x128xf32, #tpu.memory_space<hbm>>
          %dma_wait3A_756 = arith.constant 0 : i32
          %dma_wait3A_757 = arith.constant 0 : i32
          %dma_wait3A_758 = tpu.memref_slice %arg26[%dma_wait3A_756, %dma_wait3A_757] : memref<128x128xf32, #tpu.memory_space<vmem>> -> memref<96x128xf32, #tpu.memory_space<vmem>>
          tpu.wait_dma2 semaphore(%arg34 : memref<!tpu.dma_semaphore, #tpu.memory_space<semaphore_mem>>) src(%dma_wait3A_758 : memref<96x128xf32, #tpu.memory_space<vmem>>) dst(%dma_wait3A_755 : memref<96x128xf32, #tpu.memory_space<hbm>>)
        } else {
        }
        %mul3A_739 = arith.constant 4 : i32
        %mul3A_740 = arith.muli %scan3A_570, %mul3A_739 : i32
        %add3A_741 = arith.constant 1 : i32
        %add3A_742 = arith.addi %mul3A_740, %add3A_741 : i32
        %mul3A_743 = arith.constant 128 : i32
        %mul3A_744 = arith.muli %add3A_742, %mul3A_743 : i32
        %dma_start3A_745 = tpu.memref_slice %arg20[%mul3A_744] : memref<3328xi32, #tpu.memory_space<vmem>> -> memref<128xi32, #tpu.memory_space<vmem>>
        %dma_start3A_746 = arith.constant 0 : i32
        %dma_start3A_747 = arith.constant 0 : i32
        %dma_start3A_748 = tpu.memref_slice %arg3[%dma_start3A_746, %dma_start3A_747] : memref<200000x128xf32, #tpu.memory_space<hbm>> -> memref<200000x128xf32, #tpu.memory_space<hbm>>
        tpu.enqueue_indirect_dma source(%dma_start3A_748 : memref<200000x128xf32, #tpu.memory_space<hbm>>) target(%arg26 : memref<128x128xf32, #tpu.memory_space<vmem>>) offsets(%dma_start3A_745 : memref<128xi32, #tpu.memory_space<vmem>>) semaphore(%arg30 : memref<!tpu.dma_semaphore, #tpu.memory_space<semaphore_mem>>)
      } else {
      }
      %gt3A_582 = arith.constant 0 : i32
      %gt3A_583 = arith.cmpi sgt, %scan3A_570, %gt3A_582 : i32
      %convert_element_type3A_584 = arith.extui %gt3A_583 : i1 to i32
      %cond3A_585 = arith.constant 0 : i32
      %cond3A_586 = arith.cmpi ne, %convert_element_type3A_584, %cond3A_585 : i32
      scf.if %cond3A_586 {
        %mul3A_713 = arith.constant 4 : i32
        %mul3A_714 = arith.muli %scan3A_570, %mul3A_713 : i32
        %add3A_715 = arith.constant 2 : i32
        %add3A_716 = arith.addi %mul3A_714, %add3A_715 : i32
        %sub3A_717 = arith.constant 4 : i32
        %sub3A_718 = arith.subi %add3A_716, %sub3A_717 : i32
        %mul3A_719 = arith.constant 128 : i32
        %mul3A_720 = arith.muli %sub3A_718, %mul3A_719 : i32
        %add3A_721 = arith.addi %mul3A_2, %mul3A_720 : i32
        %add3A_722 = arith.constant 128 : i32
        %add3A_723 = arith.addi %add3A_721, %add3A_722 : i32
        %le3A_724 = arith.constant 100000 : i32
        %le3A_725 = arith.cmpi sle, %add3A_723, %le3A_724 : i32
        %convert_element_type3A_726 = arith.extui %le3A_725 : i1 to i32
        %cond3A_727 = arith.constant 0 : i32
        %cond3A_728 = arith.cmpi ne, %convert_element_type3A_726, %cond3A_727 : i32
        scf.if %cond3A_728 {
          %dma_wait3A_749 = arith.constant 0 : i32
          %dma_wait3A_750 = tpu.memref_slice %arg7[%add3A_721, %dma_wait3A_749] : memref<100000x128xf32, #tpu.memory_space<hbm>> -> memref<128x128xf32, #tpu.memory_space<hbm>>
          %dma_wait3A_751 = arith.constant 0 : i32
          %dma_wait3A_752 = tpu.memref_slice %arg7[%add3A_721, %dma_wait3A_751] : memref<100000x128xf32, #tpu.memory_space<hbm>> -> memref<128x128xf32, #tpu.memory_space<hbm>>
          tpu.wait_dma2 semaphore(%arg35 : memref<!tpu.dma_semaphore, #tpu.memory_space<semaphore_mem>>) src(%arg27 : memref<128x128xf32, #tpu.memory_space<vmem>>) dst(%dma_wait3A_752 : memref<128x128xf32, #tpu.memory_space<hbm>>)
        } else {
        }
        %lt3A_729 = arith.constant 100000 : i32
        %lt3A_730 = arith.cmpi slt, %add3A_721, %lt3A_729 : i32
        %add3A_731 = arith.constant 128 : i32
        %add3A_732 = arith.addi %add3A_721, %add3A_731 : i32
        %gt3A_733 = arith.constant 100000 : i32
        %gt3A_734 = arith.cmpi sgt, %add3A_732, %gt3A_733 : i32
        %and3A_735 = arith.andi %lt3A_730, %gt3A_734 : i1
        %convert_element_type3A_736 = arith.extui %and3A_735 : i1 to i32
        %cond3A_737 = arith.constant 0 : i32
        %cond3A_738 = arith.cmpi ne, %convert_element_type3A_736, %cond3A_737 : i32
        scf.if %cond3A_738 {
          %dma_wait3A_749 = arith.constant 0 : i32
          %dma_wait3A_750 = arith.constant 0 : i32
          %dma_wait3A_751 = tpu.memref_slice %arg27[%dma_wait3A_749, %dma_wait3A_750] : memref<128x128xf32, #tpu.memory_space<vmem>> -> memref<96x128xf32, #tpu.memory_space<vmem>>
          %dma_wait3A_752 = arith.constant 0 : i32
          %dma_wait3A_753 = tpu.memref_slice %arg7[%add3A_721, %dma_wait3A_752] : memref<100000x128xf32, #tpu.memory_space<hbm>> -> memref<96x128xf32, #tpu.memory_space<hbm>>
          %dma_wait3A_754 = arith.constant 0 : i32
          %dma_wait3A_755 = tpu.memref_slice %arg7[%add3A_721, %dma_wait3A_754] : memref<100000x128xf32, #tpu.memory_space<hbm>> -> memref<96x128xf32, #tpu.memory_space<hbm>>
          %dma_wait3A_756 = arith.constant 0 : i32
          %dma_wait3A_757 = arith.constant 0 : i32
          %dma_wait3A_758 = tpu.memref_slice %arg27[%dma_wait3A_756, %dma_wait3A_757] : memref<128x128xf32, #tpu.memory_space<vmem>> -> memref<96x128xf32, #tpu.memory_space<vmem>>
          tpu.wait_dma2 semaphore(%arg35 : memref<!tpu.dma_semaphore, #tpu.memory_space<semaphore_mem>>) src(%dma_wait3A_758 : memref<96x128xf32, #tpu.memory_space<vmem>>) dst(%dma_wait3A_755 : memref<96x128xf32, #tpu.memory_space<hbm>>)
        } else {
        }
        %mul3A_739 = arith.constant 4 : i32
        %mul3A_740 = arith.muli %scan3A_570, %mul3A_739 : i32
        %add3A_741 = arith.constant 2 : i32
        %add3A_742 = arith.addi %mul3A_740, %add3A_741 : i32
        %mul3A_743 = arith.constant 128 : i32
        %mul3A_744 = arith.muli %add3A_742, %mul3A_743 : i32
        %dma_start3A_745 = tpu.memref_slice %arg20[%mul3A_744] : memref<3328xi32, #tpu.memory_space<vmem>> -> memref<128xi32, #tpu.memory_space<vmem>>
        %dma_start3A_746 = arith.constant 0 : i32
        %dma_start3A_747 = arith.constant 0 : i32
        %dma_start3A_748 = tpu.memref_slice %arg3[%dma_start3A_746, %dma_start3A_747] : memref<200000x128xf32, #tpu.memory_space<hbm>> -> memref<200000x128xf32, #tpu.memory_space<hbm>>
        tpu.enqueue_indirect_dma source(%dma_start3A_748 : memref<200000x128xf32, #tpu.memory_space<hbm>>) target(%arg27 : memref<128x128xf32, #tpu.memory_space<vmem>>) offsets(%dma_start3A_745 : memref<128xi32, #tpu.memory_space<vmem>>) semaphore(%arg30 : memref<!tpu.dma_semaphore, #tpu.memory_space<semaphore_mem>>)
      } else {
      }
      %gt3A_587 = arith.constant 0 : i32
      %gt3A_588 = arith.cmpi sgt, %scan3A_570, %gt3A_587 : i32
      %convert_element_type3A_589 = arith.extui %gt3A_588 : i1 to i32
      %cond3A_590 = arith.constant 0 : i32
      %cond3A_591 = arith.cmpi ne, %convert_element_type3A_589, %cond3A_590 : i32
      scf.if %cond3A_591 {
        %mul3A_713 = arith.constant 4 : i32
        %mul3A_714 = arith.muli %scan3A_570, %mul3A_713 : i32
        %add3A_715 = arith.constant 3 : i32
        %add3A_716 = arith.addi %mul3A_714, %add3A_715 : i32
        %sub3A_717 = arith.constant 4 : i32
        %sub3A_718 = arith.subi %add3A_716, %sub3A_717 : i32
        %mul3A_719 = arith.constant 128 : i32
        %mul3A_720 = arith.muli %sub3A_718, %mul3A_719 : i32
        %add3A_721 = arith.addi %mul3A_2, %mul3A_720 : i32
        %add3A_722 = arith.constant 128 : i32
        %add3A_723 = arith.addi %add3A_721, %add3A_722 : i32
        %le3A_724 = arith.constant 100000 : i32
        %le3A_725 = arith.cmpi sle, %add3A_723, %le3A_724 : i32
        %convert_element_type3A_726 = arith.extui %le3A_725 : i1 to i32
        %cond3A_727 = arith.constant 0 : i32
        %cond3A_728 = arith.cmpi ne, %convert_element_type3A_726, %cond3A_727 : i32
        scf.if %cond3A_728 {
          %dma_wait3A_749 = arith.constant 0 : i32
          %dma_wait3A_750 = tpu.memref_slice %arg7[%add3A_721, %dma_wait3A_749] : memref<100000x128xf32, #tpu.memory_space<hbm>> -> memref<128x128xf32, #tpu.memory_space<hbm>>
          %dma_wait3A_751 = arith.constant 0 : i32
          %dma_wait3A_752 = tpu.memref_slice %arg7[%add3A_721, %dma_wait3A_751] : memref<100000x128xf32, #tpu.memory_space<hbm>> -> memref<128x128xf32, #tpu.memory_space<hbm>>
          tpu.wait_dma2 semaphore(%arg36 : memref<!tpu.dma_semaphore, #tpu.memory_space<semaphore_mem>>) src(%arg28 : memref<128x128xf32, #tpu.memory_space<vmem>>) dst(%dma_wait3A_752 : memref<128x128xf32, #tpu.memory_space<hbm>>)
        } else {
        }
        %lt3A_729 = arith.constant 100000 : i32
        %lt3A_730 = arith.cmpi slt, %add3A_721, %lt3A_729 : i32
        %add3A_731 = arith.constant 128 : i32
        %add3A_732 = arith.addi %add3A_721, %add3A_731 : i32
        %gt3A_733 = arith.constant 100000 : i32
        %gt3A_734 = arith.cmpi sgt, %add3A_732, %gt3A_733 : i32
        %and3A_735 = arith.andi %lt3A_730, %gt3A_734 : i1
        %convert_element_type3A_736 = arith.extui %and3A_735 : i1 to i32
        %cond3A_737 = arith.constant 0 : i32
        %cond3A_738 = arith.cmpi ne, %convert_element_type3A_736, %cond3A_737 : i32
        scf.if %cond3A_738 {
          %dma_wait3A_749 = arith.constant 0 : i32
          %dma_wait3A_750 = arith.constant 0 : i32
          %dma_wait3A_751 = tpu.memref_slice %arg28[%dma_wait3A_749, %dma_wait3A_750] : memref<128x128xf32, #tpu.memory_space<vmem>> -> memref<96x128xf32, #tpu.memory_space<vmem>>
          %dma_wait3A_752 = arith.constant 0 : i32
          %dma_wait3A_753 = tpu.memref_slice %arg7[%add3A_721, %dma_wait3A_752] : memref<100000x128xf32, #tpu.memory_space<hbm>> -> memref<96x128xf32, #tpu.memory_space<hbm>>
          %dma_wait3A_754 = arith.constant 0 : i32
          %dma_wait3A_755 = tpu.memref_slice %arg7[%add3A_721, %dma_wait3A_754] : memref<100000x128xf32, #tpu.memory_space<hbm>> -> memref<96x128xf32, #tpu.memory_space<hbm>>
          %dma_wait3A_756 = arith.constant 0 : i32
          %dma_wait3A_757 = arith.constant 0 : i32
          %dma_wait3A_758 = tpu.memref_slice %arg28[%dma_wait3A_756, %dma_wait3A_757] : memref<128x128xf32, #tpu.memory_space<vmem>> -> memref<96x128xf32, #tpu.memory_space<vmem>>
          tpu.wait_dma2 semaphore(%arg36 : memref<!tpu.dma_semaphore, #tpu.memory_space<semaphore_mem>>) src(%dma_wait3A_758 : memref<96x128xf32, #tpu.memory_space<vmem>>) dst(%dma_wait3A_755 : memref<96x128xf32, #tpu.memory_space<hbm>>)
        } else {
        }
        %mul3A_739 = arith.constant 4 : i32
        %mul3A_740 = arith.muli %scan3A_570, %mul3A_739 : i32
        %add3A_741 = arith.constant 3 : i32
        %add3A_742 = arith.addi %mul3A_740, %add3A_741 : i32
        %mul3A_743 = arith.constant 128 : i32
        %mul3A_744 = arith.muli %add3A_742, %mul3A_743 : i32
        %dma_start3A_745 = tpu.memref_slice %arg20[%mul3A_744] : memref<3328xi32, #tpu.memory_space<vmem>> -> memref<128xi32, #tpu.memory_space<vmem>>
        %dma_start3A_746 = arith.constant 0 : i32
        %dma_start3A_747 = arith.constant 0 : i32
        %dma_start3A_748 = tpu.memref_slice %arg3[%dma_start3A_746, %dma_start3A_747] : memref<200000x128xf32, #tpu.memory_space<hbm>> -> memref<200000x128xf32, #tpu.memory_space<hbm>>
        tpu.enqueue_indirect_dma source(%dma_start3A_748 : memref<200000x128xf32, #tpu.memory_space<hbm>>) target(%arg28 : memref<128x128xf32, #tpu.memory_space<vmem>>) offsets(%dma_start3A_745 : memref<128xi32, #tpu.memory_space<vmem>>) semaphore(%arg30 : memref<!tpu.dma_semaphore, #tpu.memory_space<semaphore_mem>>)
      } else {
      }
      %dma_wait3A_592 = arith.constant 0 : i32
      %dma_wait3A_593 = arith.constant 0 : i32
      %dma_wait3A_594 = tpu.memref_slice %arg3[%dma_wait3A_592, %dma_wait3A_593] : memref<200000x128xf32, #tpu.memory_space<hbm>> -> memref<128x128xf32, #tpu.memory_space<hbm>>
      %dma_wait3A_595 = arith.constant 0 : i32
      %dma_wait3A_596 = arith.constant 0 : i32
      %dma_wait3A_597 = tpu.memref_slice %arg3[%dma_wait3A_595, %dma_wait3A_596] : memref<200000x128xf32, #tpu.memory_space<hbm>> -> memref<128x128xf32, #tpu.memory_space<hbm>>
      tpu.wait_dma2 semaphore(%arg30 : memref<!tpu.dma_semaphore, #tpu.memory_space<semaphore_mem>>) src(%dma_wait3A_597 : memref<128x128xf32, #tpu.memory_space<hbm>>) dst(%arg25 : memref<128x128xf32, #tpu.memory_space<vmem>>)
      %mul3A_598 = arith.constant 4 : i32
      %mul3A_599 = arith.muli %scan3A_570, %mul3A_598 : i32
      %add3A_600 = arith.constant 0 : i32
      %add3A_601 = arith.addi %mul3A_599, %add3A_600 : i32
      %mul3A_602 = arith.constant 128 : i32
      %mul3A_603 = arith.muli %add3A_601, %mul3A_602 : i32
      %add3A_604 = arith.addi %mul3A_2, %mul3A_603 : i32
      %add3A_605 = arith.constant 128 : i32
      %add3A_606 = arith.addi %add3A_604, %add3A_605 : i32
      %le3A_607 = arith.constant 100000 : i32
      %le3A_608 = arith.cmpi sle, %add3A_606, %le3A_607 : i32
      %convert_element_type3A_609 = arith.extui %le3A_608 : i1 to i32
      %cond3A_610 = arith.constant 0 : i32
      %cond3A_611 = arith.cmpi ne, %convert_element_type3A_609, %cond3A_610 : i32
      scf.if %cond3A_611 {
        %dma_start3A_713 = arith.constant 0 : i32
        %dma_start3A_714 = tpu.memref_slice %arg7[%add3A_604, %dma_start3A_713] : memref<100000x128xf32, #tpu.memory_space<hbm>> -> memref<128x128xf32, #tpu.memory_space<hbm>>
        %dma_start3A_715 = arith.constant 0 : i32
        %dma_start3A_716 = tpu.memref_slice %arg7[%add3A_604, %dma_start3A_715] : memref<100000x128xf32, #tpu.memory_space<hbm>> -> memref<128x128xf32, #tpu.memory_space<hbm>>
        tpu.enqueue_dma source(%arg25 : memref<128x128xf32, #tpu.memory_space<vmem>>) target(%dma_start3A_716 : memref<128x128xf32, #tpu.memory_space<hbm>>) target_semaphore(%arg33 : memref<!tpu.dma_semaphore, #tpu.memory_space<semaphore_mem>>)
      } else {
      }
      %lt3A_612 = arith.constant 100000 : i32
      %lt3A_613 = arith.cmpi slt, %add3A_604, %lt3A_612 : i32
      %add3A_614 = arith.constant 128 : i32
      %add3A_615 = arith.addi %add3A_604, %add3A_614 : i32
      %gt3A_616 = arith.constant 100000 : i32
      %gt3A_617 = arith.cmpi sgt, %add3A_615, %gt3A_616 : i32
      %and3A_618 = arith.andi %lt3A_613, %gt3A_617 : i1
      %convert_element_type3A_619 = arith.extui %and3A_618 : i1 to i32
      %cond3A_620 = arith.constant 0 : i32
      %cond3A_621 = arith.cmpi ne, %convert_element_type3A_619, %cond3A_620 : i32
      scf.if %cond3A_621 {
        %dma_start3A_713 = arith.constant 0 : i32
        %dma_start3A_714 = arith.constant 0 : i32
        %dma_start3A_715 = tpu.memref_slice %arg25[%dma_start3A_713, %dma_start3A_714] : memref<128x128xf32, #tpu.memory_space<vmem>> -> memref<96x128xf32, #tpu.memory_space<vmem>>
        %dma_start3A_716 = arith.constant 0 : i32
        %dma_start3A_717 = tpu.memref_slice %arg7[%add3A_604, %dma_start3A_716] : memref<100000x128xf32, #tpu.memory_space<hbm>> -> memref<96x128xf32, #tpu.memory_space<hbm>>
        %dma_start3A_718 = arith.constant 0 : i32
        %dma_start3A_719 = tpu.memref_slice %arg7[%add3A_604, %dma_start3A_718] : memref<100000x128xf32, #tpu.memory_space<hbm>> -> memref<96x128xf32, #tpu.memory_space<hbm>>
        %dma_start3A_720 = arith.constant 0 : i32
        %dma_start3A_721 = arith.constant 0 : i32
        %dma_start3A_722 = tpu.memref_slice %arg25[%dma_start3A_720, %dma_start3A_721] : memref<128x128xf32, #tpu.memory_space<vmem>> -> memref<96x128xf32, #tpu.memory_space<vmem>>
        tpu.enqueue_dma source(%dma_start3A_722 : memref<96x128xf32, #tpu.memory_space<vmem>>) target(%dma_start3A_719 : memref<96x128xf32, #tpu.memory_space<hbm>>) target_semaphore(%arg33 : memref<!tpu.dma_semaphore, #tpu.memory_space<semaphore_mem>>)
      } else {
      }
      %dma_wait3A_622 = arith.constant 0 : i32
      %dma_wait3A_623 = arith.constant 0 : i32
      %dma_wait3A_624 = tpu.memref_slice %arg3[%dma_wait3A_622, %dma_wait3A_623] : memref<200000x128xf32, #tpu.memory_space<hbm>> -> memref<128x128xf32, #tpu.memory_space<hbm>>
      %dma_wait3A_625 = arith.constant 0 : i32
      %dma_wait3A_626 = arith.constant 0 : i32
      %dma_wait3A_627 = tpu.memref_slice %arg3[%dma_wait3A_625, %dma_wait3A_626] : memref<200000x128xf32, #tpu.memory_space<hbm>> -> memref<128x128xf32, #tpu.memory_space<hbm>>
      tpu.wait_dma2 semaphore(%arg30 : memref<!tpu.dma_semaphore, #tpu.memory_space<semaphore_mem>>) src(%dma_wait3A_627 : memref<128x128xf32, #tpu.memory_space<hbm>>) dst(%arg26 : memref<128x128xf32, #tpu.memory_space<vmem>>)
      %mul3A_628 = arith.constant 4 : i32
      %mul3A_629 = arith.muli %scan3A_570, %mul3A_628 : i32
      %add3A_630 = arith.constant 1 : i32
      %add3A_631 = arith.addi %mul3A_629, %add3A_630 : i32
      %mul3A_632 = arith.constant 128 : i32
      %mul3A_633 = arith.muli %add3A_631, %mul3A_632 : i32
      %add3A_634 = arith.addi %mul3A_2, %mul3A_633 : i32
      %add3A_635 = arith.constant 128 : i32
      %add3A_636 = arith.addi %add3A_634, %add3A_635 : i32
      %le3A_637 = arith.constant 100000 : i32
      %le3A_638 = arith.cmpi sle, %add3A_636, %le3A_637 : i32
      %convert_element_type3A_639 = arith.extui %le3A_638 : i1 to i32
      %cond3A_640 = arith.constant 0 : i32
      %cond3A_641 = arith.cmpi ne, %convert_element_type3A_639, %cond3A_640 : i32
      scf.if %cond3A_641 {
        %dma_start3A_713 = arith.constant 0 : i32
        %dma_start3A_714 = tpu.memref_slice %arg7[%add3A_634, %dma_start3A_713] : memref<100000x128xf32, #tpu.memory_space<hbm>> -> memref<128x128xf32, #tpu.memory_space<hbm>>
        %dma_start3A_715 = arith.constant 0 : i32
        %dma_start3A_716 = tpu.memref_slice %arg7[%add3A_634, %dma_start3A_715] : memref<100000x128xf32, #tpu.memory_space<hbm>> -> memref<128x128xf32, #tpu.memory_space<hbm>>
        tpu.enqueue_dma source(%arg26 : memref<128x128xf32, #tpu.memory_space<vmem>>) target(%dma_start3A_716 : memref<128x128xf32, #tpu.memory_space<hbm>>) target_semaphore(%arg34 : memref<!tpu.dma_semaphore, #tpu.memory_space<semaphore_mem>>)
      } else {
      }
      %lt3A_642 = arith.constant 100000 : i32
      %lt3A_643 = arith.cmpi slt, %add3A_634, %lt3A_642 : i32
      %add3A_644 = arith.constant 128 : i32
      %add3A_645 = arith.addi %add3A_634, %add3A_644 : i32
      %gt3A_646 = arith.constant 100000 : i32
      %gt3A_647 = arith.cmpi sgt, %add3A_645, %gt3A_646 : i32
      %and3A_648 = arith.andi %lt3A_643, %gt3A_647 : i1
      %convert_element_type3A_649 = arith.extui %and3A_648 : i1 to i32
      %cond3A_650 = arith.constant 0 : i32
      %cond3A_651 = arith.cmpi ne, %convert_element_type3A_649, %cond3A_650 : i32
      scf.if %cond3A_651 {
        %dma_start3A_713 = arith.constant 0 : i32
        %dma_start3A_714 = arith.constant 0 : i32
        %dma_start3A_715 = tpu.memref_slice %arg26[%dma_start3A_713, %dma_start3A_714] : memref<128x128xf32, #tpu.memory_space<vmem>> -> memref<96x128xf32, #tpu.memory_space<vmem>>
        %dma_start3A_716 = arith.constant 0 : i32
        %dma_start3A_717 = tpu.memref_slice %arg7[%add3A_634, %dma_start3A_716] : memref<100000x128xf32, #tpu.memory_space<hbm>> -> memref<96x128xf32, #tpu.memory_space<hbm>>
        %dma_start3A_718 = arith.constant 0 : i32
        %dma_start3A_719 = tpu.memref_slice %arg7[%add3A_634, %dma_start3A_718] : memref<100000x128xf32, #tpu.memory_space<hbm>> -> memref<96x128xf32, #tpu.memory_space<hbm>>
        %dma_start3A_720 = arith.constant 0 : i32
        %dma_start3A_721 = arith.constant 0 : i32
        %dma_start3A_722 = tpu.memref_slice %arg26[%dma_start3A_720, %dma_start3A_721] : memref<128x128xf32, #tpu.memory_space<vmem>> -> memref<96x128xf32, #tpu.memory_space<vmem>>
        tpu.enqueue_dma source(%dma_start3A_722 : memref<96x128xf32, #tpu.memory_space<vmem>>) target(%dma_start3A_719 : memref<96x128xf32, #tpu.memory_space<hbm>>) target_semaphore(%arg34 : memref<!tpu.dma_semaphore, #tpu.memory_space<semaphore_mem>>)
      } else {
      }
      %dma_wait3A_652 = arith.constant 0 : i32
      %dma_wait3A_653 = arith.constant 0 : i32
      %dma_wait3A_654 = tpu.memref_slice %arg3[%dma_wait3A_652, %dma_wait3A_653] : memref<200000x128xf32, #tpu.memory_space<hbm>> -> memref<128x128xf32, #tpu.memory_space<hbm>>
      %dma_wait3A_655 = arith.constant 0 : i32
      %dma_wait3A_656 = arith.constant 0 : i32
      %dma_wait3A_657 = tpu.memref_slice %arg3[%dma_wait3A_655, %dma_wait3A_656] : memref<200000x128xf32, #tpu.memory_space<hbm>> -> memref<128x128xf32, #tpu.memory_space<hbm>>
      tpu.wait_dma2 semaphore(%arg30 : memref<!tpu.dma_semaphore, #tpu.memory_space<semaphore_mem>>) src(%dma_wait3A_657 : memref<128x128xf32, #tpu.memory_space<hbm>>) dst(%arg27 : memref<128x128xf32, #tpu.memory_space<vmem>>)
      %mul3A_658 = arith.constant 4 : i32
      %mul3A_659 = arith.muli %scan3A_570, %mul3A_658 : i32
      %add3A_660 = arith.constant 2 : i32
      %add3A_661 = arith.addi %mul3A_659, %add3A_660 : i32
      %mul3A_662 = arith.constant 128 : i32
      %mul3A_663 = arith.muli %add3A_661, %mul3A_662 : i32
      %add3A_664 = arith.addi %mul3A_2, %mul3A_663 : i32
      %add3A_665 = arith.constant 128 : i32
      %add3A_666 = arith.addi %add3A_664, %add3A_665 : i32
      %le3A_667 = arith.constant 100000 : i32
      %le3A_668 = arith.cmpi sle, %add3A_666, %le3A_667 : i32
      %convert_element_type3A_669 = arith.extui %le3A_668 : i1 to i32
      %cond3A_670 = arith.constant 0 : i32
      %cond3A_671 = arith.cmpi ne, %convert_element_type3A_669, %cond3A_670 : i32
      scf.if %cond3A_671 {
        %dma_start3A_713 = arith.constant 0 : i32
        %dma_start3A_714 = tpu.memref_slice %arg7[%add3A_664, %dma_start3A_713] : memref<100000x128xf32, #tpu.memory_space<hbm>> -> memref<128x128xf32, #tpu.memory_space<hbm>>
        %dma_start3A_715 = arith.constant 0 : i32
        %dma_start3A_716 = tpu.memref_slice %arg7[%add3A_664, %dma_start3A_715] : memref<100000x128xf32, #tpu.memory_space<hbm>> -> memref<128x128xf32, #tpu.memory_space<hbm>>
        tpu.enqueue_dma source(%arg27 : memref<128x128xf32, #tpu.memory_space<vmem>>) target(%dma_start3A_716 : memref<128x128xf32, #tpu.memory_space<hbm>>) target_semaphore(%arg35 : memref<!tpu.dma_semaphore, #tpu.memory_space<semaphore_mem>>)
      } else {
      }
      %lt3A_672 = arith.constant 100000 : i32
      %lt3A_673 = arith.cmpi slt, %add3A_664, %lt3A_672 : i32
      %add3A_674 = arith.constant 128 : i32
      %add3A_675 = arith.addi %add3A_664, %add3A_674 : i32
      %gt3A_676 = arith.constant 100000 : i32
      %gt3A_677 = arith.cmpi sgt, %add3A_675, %gt3A_676 : i32
      %and3A_678 = arith.andi %lt3A_673, %gt3A_677 : i1
      %convert_element_type3A_679 = arith.extui %and3A_678 : i1 to i32
      %cond3A_680 = arith.constant 0 : i32
      %cond3A_681 = arith.cmpi ne, %convert_element_type3A_679, %cond3A_680 : i32
      scf.if %cond3A_681 {
        %dma_start3A_713 = arith.constant 0 : i32
        %dma_start3A_714 = arith.constant 0 : i32
        %dma_start3A_715 = tpu.memref_slice %arg27[%dma_start3A_713, %dma_start3A_714] : memref<128x128xf32, #tpu.memory_space<vmem>> -> memref<96x128xf32, #tpu.memory_space<vmem>>
        %dma_start3A_716 = arith.constant 0 : i32
        %dma_start3A_717 = tpu.memref_slice %arg7[%add3A_664, %dma_start3A_716] : memref<100000x128xf32, #tpu.memory_space<hbm>> -> memref<96x128xf32, #tpu.memory_space<hbm>>
        %dma_start3A_718 = arith.constant 0 : i32
        %dma_start3A_719 = tpu.memref_slice %arg7[%add3A_664, %dma_start3A_718] : memref<100000x128xf32, #tpu.memory_space<hbm>> -> memref<96x128xf32, #tpu.memory_space<hbm>>
        %dma_start3A_720 = arith.constant 0 : i32
        %dma_start3A_721 = arith.constant 0 : i32
        %dma_start3A_722 = tpu.memref_slice %arg27[%dma_start3A_720, %dma_start3A_721] : memref<128x128xf32, #tpu.memory_space<vmem>> -> memref<96x128xf32, #tpu.memory_space<vmem>>
        tpu.enqueue_dma source(%dma_start3A_722 : memref<96x128xf32, #tpu.memory_space<vmem>>) target(%dma_start3A_719 : memref<96x128xf32, #tpu.memory_space<hbm>>) target_semaphore(%arg35 : memref<!tpu.dma_semaphore, #tpu.memory_space<semaphore_mem>>)
      } else {
      }
      %dma_wait3A_682 = arith.constant 0 : i32
      %dma_wait3A_683 = arith.constant 0 : i32
      %dma_wait3A_684 = tpu.memref_slice %arg3[%dma_wait3A_682, %dma_wait3A_683] : memref<200000x128xf32, #tpu.memory_space<hbm>> -> memref<128x128xf32, #tpu.memory_space<hbm>>
      %dma_wait3A_685 = arith.constant 0 : i32
      %dma_wait3A_686 = arith.constant 0 : i32
      %dma_wait3A_687 = tpu.memref_slice %arg3[%dma_wait3A_685, %dma_wait3A_686] : memref<200000x128xf32, #tpu.memory_space<hbm>> -> memref<128x128xf32, #tpu.memory_space<hbm>>
      tpu.wait_dma2 semaphore(%arg30 : memref<!tpu.dma_semaphore, #tpu.memory_space<semaphore_mem>>) src(%dma_wait3A_687 : memref<128x128xf32, #tpu.memory_space<hbm>>) dst(%arg28 : memref<128x128xf32, #tpu.memory_space<vmem>>)
      %mul3A_688 = arith.constant 4 : i32
      %mul3A_689 = arith.muli %scan3A_570, %mul3A_688 : i32
      %add3A_690 = arith.constant 3 : i32
      %add3A_691 = arith.addi %mul3A_689, %add3A_690 : i32
      %mul3A_692 = arith.constant 128 : i32
      %mul3A_693 = arith.muli %add3A_691, %mul3A_692 : i32
      %add3A_694 = arith.addi %mul3A_2, %mul3A_693 : i32
      %add3A_695 = arith.constant 128 : i32
      %add3A_696 = arith.addi %add3A_694, %add3A_695 : i32
      %le3A_697 = arith.constant 100000 : i32
      %le3A_698 = arith.cmpi sle, %add3A_696, %le3A_697 : i32
      %convert_element_type3A_699 = arith.extui %le3A_698 : i1 to i32
      %cond3A_700 = arith.constant 0 : i32
      %cond3A_701 = arith.cmpi ne, %convert_element_type3A_699, %cond3A_700 : i32
      scf.if %cond3A_701 {
        %dma_start3A_713 = arith.constant 0 : i32
        %dma_start3A_714 = tpu.memref_slice %arg7[%add3A_694, %dma_start3A_713] : memref<100000x128xf32, #tpu.memory_space<hbm>> -> memref<128x128xf32, #tpu.memory_space<hbm>>
        %dma_start3A_715 = arith.constant 0 : i32
        %dma_start3A_716 = tpu.memref_slice %arg7[%add3A_694, %dma_start3A_715] : memref<100000x128xf32, #tpu.memory_space<hbm>> -> memref<128x128xf32, #tpu.memory_space<hbm>>
        tpu.enqueue_dma source(%arg28 : memref<128x128xf32, #tpu.memory_space<vmem>>) target(%dma_start3A_716 : memref<128x128xf32, #tpu.memory_space<hbm>>) target_semaphore(%arg36 : memref<!tpu.dma_semaphore, #tpu.memory_space<semaphore_mem>>)
      } else {
      }
      %lt3A_702 = arith.constant 100000 : i32
      %lt3A_703 = arith.cmpi slt, %add3A_694, %lt3A_702 : i32
      %add3A_704 = arith.constant 128 : i32
      %add3A_705 = arith.addi %add3A_694, %add3A_704 : i32
      %gt3A_706 = arith.constant 100000 : i32
      %gt3A_707 = arith.cmpi sgt, %add3A_705, %gt3A_706 : i32
      %and3A_708 = arith.andi %lt3A_703, %gt3A_707 : i1
      %convert_element_type3A_709 = arith.extui %and3A_708 : i1 to i32
      %cond3A_710 = arith.constant 0 : i32
      %cond3A_711 = arith.cmpi ne, %convert_element_type3A_709, %cond3A_710 : i32
      scf.if %cond3A_711 {
        %dma_start3A_713 = arith.constant 0 : i32
        %dma_start3A_714 = arith.constant 0 : i32
        %dma_start3A_715 = tpu.memref_slice %arg28[%dma_start3A_713, %dma_start3A_714] : memref<128x128xf32, #tpu.memory_space<vmem>> -> memref<96x128xf32, #tpu.memory_space<vmem>>
        %dma_start3A_716 = arith.constant 0 : i32
        %dma_start3A_717 = tpu.memref_slice %arg7[%add3A_694, %dma_start3A_716] : memref<100000x128xf32, #tpu.memory_space<hbm>> -> memref<96x128xf32, #tpu.memory_space<hbm>>
        %dma_start3A_718 = arith.constant 0 : i32
        %dma_start3A_719 = tpu.memref_slice %arg7[%add3A_694, %dma_start3A_718] : memref<100000x128xf32, #tpu.memory_space<hbm>> -> memref<96x128xf32, #tpu.memory_space<hbm>>
        %dma_start3A_720 = arith.constant 0 : i32
        %dma_start3A_721 = arith.constant 0 : i32
        %dma_start3A_722 = tpu.memref_slice %arg28[%dma_start3A_720, %dma_start3A_721] : memref<128x128xf32, #tpu.memory_space<vmem>> -> memref<96x128xf32, #tpu.memory_space<vmem>>
        tpu.enqueue_dma source(%dma_start3A_722 : memref<96x128xf32, #tpu.memory_space<vmem>>) target(%dma_start3A_719 : memref<96x128xf32, #tpu.memory_space<hbm>>) target_semaphore(%arg36 : memref<!tpu.dma_semaphore, #tpu.memory_space<semaphore_mem>>)
      } else {
      }
      %scan3A_712 = arith.constant 0 : i32
      scf.yield %scan3A_712 : i32
    }
    %scan3A_419 = arith.constant 6 : i32
    %add3A_420 = arith.constant 2560 : i32
    %add3A_421 = arith.addi %mul3A_2, %add3A_420 : i32
    %add3A_422 = arith.constant 128 : i32
    %add3A_423 = arith.addi %add3A_421, %add3A_422 : i32
    %le3A = arith.constant 100000 : i32
    %le3A_424 = arith.cmpi sle, %add3A_423, %le3A : i32
    %convert_element_type3A = arith.extui %le3A_424 : i1 to i32
    %cond3A = arith.constant 0 : i32
    %cond3A_425 = arith.cmpi ne, %convert_element_type3A, %cond3A : i32
    scf.if %cond3A_425 {
      %dma_wait3A_570 = arith.constant 0 : i32
      %dma_wait3A_571 = tpu.memref_slice %arg7[%add3A_421, %dma_wait3A_570] : memref<100000x128xf32, #tpu.memory_space<hbm>> -> memref<128x128xf32, #tpu.memory_space<hbm>>
      %dma_wait3A_572 = arith.constant 0 : i32
      %dma_wait3A_573 = tpu.memref_slice %arg7[%add3A_421, %dma_wait3A_572] : memref<100000x128xf32, #tpu.memory_space<hbm>> -> memref<128x128xf32, #tpu.memory_space<hbm>>
      tpu.wait_dma2 semaphore(%arg33 : memref<!tpu.dma_semaphore, #tpu.memory_space<semaphore_mem>>) src(%arg25 : memref<128x128xf32, #tpu.memory_space<vmem>>) dst(%dma_wait3A_573 : memref<128x128xf32, #tpu.memory_space<hbm>>)
    } else {
    }
    %lt3A = arith.constant 100000 : i32
    %lt3A_426 = arith.cmpi slt, %add3A_421, %lt3A : i32
    %add3A_427 = arith.constant 128 : i32
    %add3A_428 = arith.addi %add3A_421, %add3A_427 : i32
    %gt3A = arith.constant 100000 : i32
    %gt3A_429 = arith.cmpi sgt, %add3A_428, %gt3A : i32
    %and3A = arith.andi %lt3A_426, %gt3A_429 : i1
    %convert_element_type3A_430 = arith.extui %and3A : i1 to i32
    %cond3A_431 = arith.constant 0 : i32
    %cond3A_432 = arith.cmpi ne, %convert_element_type3A_430, %cond3A_431 : i32
    scf.if %cond3A_432 {
      %dma_wait3A_570 = arith.constant 0 : i32
      %dma_wait3A_571 = arith.constant 0 : i32
      %dma_wait3A_572 = tpu.memref_slice %arg25[%dma_wait3A_570, %dma_wait3A_571] : memref<128x128xf32, #tpu.memory_space<vmem>> -> memref<96x128xf32, #tpu.memory_space<vmem>>
      %dma_wait3A_573 = arith.constant 0 : i32
      %dma_wait3A_574 = tpu.memref_slice %arg7[%add3A_421, %dma_wait3A_573] : memref<100000x128xf32, #tpu.memory_space<hbm>> -> memref<96x128xf32, #tpu.memory_space<hbm>>
      %dma_wait3A_575 = arith.constant 0 : i32
      %dma_wait3A_576 = tpu.memref_slice %arg7[%add3A_421, %dma_wait3A_575] : memref<100000x128xf32, #tpu.memory_space<hbm>> -> memref<96x128xf32, #tpu.memory_space<hbm>>
      %dma_wait3A_577 = arith.constant 0 : i32
      %dma_wait3A_578 = arith.constant 0 : i32
      %dma_wait3A_579 = tpu.memref_slice %arg25[%dma_wait3A_577, %dma_wait3A_578] : memref<128x128xf32, #tpu.memory_space<vmem>> -> memref<96x128xf32, #tpu.memory_space<vmem>>
      tpu.wait_dma2 semaphore(%arg33 : memref<!tpu.dma_semaphore, #tpu.memory_space<semaphore_mem>>) src(%dma_wait3A_579 : memref<96x128xf32, #tpu.memory_space<vmem>>) dst(%dma_wait3A_576 : memref<96x128xf32, #tpu.memory_space<hbm>>)
    } else {
    }
    %add3A_433 = arith.constant 2688 : i32
    %add3A_434 = arith.addi %mul3A_2, %add3A_433 : i32
    %add3A_435 = arith.constant 128 : i32
    %add3A_436 = arith.addi %add3A_434, %add3A_435 : i32
    %le3A_437 = arith.constant 100000 : i32
    %le3A_438 = arith.cmpi sle, %add3A_436, %le3A_437 : i32
    %convert_element_type3A_439 = arith.extui %le3A_438 : i1 to i32
    %cond3A_440 = arith.constant 0 : i32
    %cond3A_441 = arith.cmpi ne, %convert_element_type3A_439, %cond3A_440 : i32
    scf.if %cond3A_441 {
      %dma_wait3A_570 = arith.constant 0 : i32
      %dma_wait3A_571 = tpu.memref_slice %arg7[%add3A_434, %dma_wait3A_570] : memref<100000x128xf32, #tpu.memory_space<hbm>> -> memref<128x128xf32, #tpu.memory_space<hbm>>
      %dma_wait3A_572 = arith.constant 0 : i32
      %dma_wait3A_573 = tpu.memref_slice %arg7[%add3A_434, %dma_wait3A_572] : memref<100000x128xf32, #tpu.memory_space<hbm>> -> memref<128x128xf32, #tpu.memory_space<hbm>>
      tpu.wait_dma2 semaphore(%arg34 : memref<!tpu.dma_semaphore, #tpu.memory_space<semaphore_mem>>) src(%arg26 : memref<128x128xf32, #tpu.memory_space<vmem>>) dst(%dma_wait3A_573 : memref<128x128xf32, #tpu.memory_space<hbm>>)
    } else {
    }
    %lt3A_442 = arith.constant 100000 : i32
    %lt3A_443 = arith.cmpi slt, %add3A_434, %lt3A_442 : i32
    %add3A_444 = arith.constant 128 : i32
    %add3A_445 = arith.addi %add3A_434, %add3A_444 : i32
    %gt3A_446 = arith.constant 100000 : i32
    %gt3A_447 = arith.cmpi sgt, %add3A_445, %gt3A_446 : i32
    %and3A_448 = arith.andi %lt3A_443, %gt3A_447 : i1
    %convert_element_type3A_449 = arith.extui %and3A_448 : i1 to i32
    %cond3A_450 = arith.constant 0 : i32
    %cond3A_451 = arith.cmpi ne, %convert_element_type3A_449, %cond3A_450 : i32
    scf.if %cond3A_451 {
      %dma_wait3A_570 = arith.constant 0 : i32
      %dma_wait3A_571 = arith.constant 0 : i32
      %dma_wait3A_572 = tpu.memref_slice %arg26[%dma_wait3A_570, %dma_wait3A_571] : memref<128x128xf32, #tpu.memory_space<vmem>> -> memref<96x128xf32, #tpu.memory_space<vmem>>
      %dma_wait3A_573 = arith.constant 0 : i32
      %dma_wait3A_574 = tpu.memref_slice %arg7[%add3A_434, %dma_wait3A_573] : memref<100000x128xf32, #tpu.memory_space<hbm>> -> memref<96x128xf32, #tpu.memory_space<hbm>>
      %dma_wait3A_575 = arith.constant 0 : i32
      %dma_wait3A_576 = tpu.memref_slice %arg7[%add3A_434, %dma_wait3A_575] : memref<100000x128xf32, #tpu.memory_space<hbm>> -> memref<96x128xf32, #tpu.memory_space<hbm>>
      %dma_wait3A_577 = arith.constant 0 : i32
      %dma_wait3A_578 = arith.constant 0 : i32
      %dma_wait3A_579 = tpu.memref_slice %arg26[%dma_wait3A_577, %dma_wait3A_578] : memref<128x128xf32, #tpu.memory_space<vmem>> -> memref<96x128xf32, #tpu.memory_space<vmem>>
      tpu.wait_dma2 semaphore(%arg34 : memref<!tpu.dma_semaphore, #tpu.memory_space<semaphore_mem>>) src(%dma_wait3A_579 : memref<96x128xf32, #tpu.memory_space<vmem>>) dst(%dma_wait3A_576 : memref<96x128xf32, #tpu.memory_space<hbm>>)
    } else {
    }
    %add3A_452 = arith.constant 2816 : i32
    %add3A_453 = arith.addi %mul3A_2, %add3A_452 : i32
    %add3A_454 = arith.constant 128 : i32
    %add3A_455 = arith.addi %add3A_453, %add3A_454 : i32
    %le3A_456 = arith.constant 100000 : i32
    %le3A_457 = arith.cmpi sle, %add3A_455, %le3A_456 : i32
    %convert_element_type3A_458 = arith.extui %le3A_457 : i1 to i32
    %cond3A_459 = arith.constant 0 : i32
    %cond3A_460 = arith.cmpi ne, %convert_element_type3A_458, %cond3A_459 : i32
    scf.if %cond3A_460 {
      %dma_wait3A_570 = arith.constant 0 : i32
      %dma_wait3A_571 = tpu.memref_slice %arg7[%add3A_453, %dma_wait3A_570] : memref<100000x128xf32, #tpu.memory_space<hbm>> -> memref<128x128xf32, #tpu.memory_space<hbm>>
      %dma_wait3A_572 = arith.constant 0 : i32
      %dma_wait3A_573 = tpu.memref_slice %arg7[%add3A_453, %dma_wait3A_572] : memref<100000x128xf32, #tpu.memory_space<hbm>> -> memref<128x128xf32, #tpu.memory_space<hbm>>
      tpu.wait_dma2 semaphore(%arg35 : memref<!tpu.dma_semaphore, #tpu.memory_space<semaphore_mem>>) src(%arg27 : memref<128x128xf32, #tpu.memory_space<vmem>>) dst(%dma_wait3A_573 : memref<128x128xf32, #tpu.memory_space<hbm>>)
    } else {
    }
    %lt3A_461 = arith.constant 100000 : i32
    %lt3A_462 = arith.cmpi slt, %add3A_453, %lt3A_461 : i32
    %add3A_463 = arith.constant 128 : i32
    %add3A_464 = arith.addi %add3A_453, %add3A_463 : i32
    %gt3A_465 = arith.constant 100000 : i32
    %gt3A_466 = arith.cmpi sgt, %add3A_464, %gt3A_465 : i32
    %and3A_467 = arith.andi %lt3A_462, %gt3A_466 : i1
    %convert_element_type3A_468 = arith.extui %and3A_467 : i1 to i32
    %cond3A_469 = arith.constant 0 : i32
    %cond3A_470 = arith.cmpi ne, %convert_element_type3A_468, %cond3A_469 : i32
    scf.if %cond3A_470 {
      %dma_wait3A_570 = arith.constant 0 : i32
      %dma_wait3A_571 = arith.constant 0 : i32
      %dma_wait3A_572 = tpu.memref_slice %arg27[%dma_wait3A_570, %dma_wait3A_571] : memref<128x128xf32, #tpu.memory_space<vmem>> -> memref<96x128xf32, #tpu.memory_space<vmem>>
      %dma_wait3A_573 = arith.constant 0 : i32
      %dma_wait3A_574 = tpu.memref_slice %arg7[%add3A_453, %dma_wait3A_573] : memref<100000x128xf32, #tpu.memory_space<hbm>> -> memref<96x128xf32, #tpu.memory_space<hbm>>
      %dma_wait3A_575 = arith.constant 0 : i32
      %dma_wait3A_576 = tpu.memref_slice %arg7[%add3A_453, %dma_wait3A_575] : memref<100000x128xf32, #tpu.memory_space<hbm>> -> memref<96x128xf32, #tpu.memory_space<hbm>>
      %dma_wait3A_577 = arith.constant 0 : i32
      %dma_wait3A_578 = arith.constant 0 : i32
      %dma_wait3A_579 = tpu.memref_slice %arg27[%dma_wait3A_577, %dma_wait3A_578] : memref<128x128xf32, #tpu.memory_space<vmem>> -> memref<96x128xf32, #tpu.memory_space<vmem>>
      tpu.wait_dma2 semaphore(%arg35 : memref<!tpu.dma_semaphore, #tpu.memory_space<semaphore_mem>>) src(%dma_wait3A_579 : memref<96x128xf32, #tpu.memory_space<vmem>>) dst(%dma_wait3A_576 : memref<96x128xf32, #tpu.memory_space<hbm>>)
    } else {
    }
    %add3A_471 = arith.constant 2944 : i32
    %add3A_472 = arith.addi %mul3A_2, %add3A_471 : i32
    %add3A_473 = arith.constant 128 : i32
    %add3A_474 = arith.addi %add3A_472, %add3A_473 : i32
    %le3A_475 = arith.constant 100000 : i32
    %le3A_476 = arith.cmpi sle, %add3A_474, %le3A_475 : i32
    %convert_element_type3A_477 = arith.extui %le3A_476 : i1 to i32
    %cond3A_478 = arith.constant 0 : i32
    %cond3A_479 = arith.cmpi ne, %convert_element_type3A_477, %cond3A_478 : i32
    scf.if %cond3A_479 {
      %dma_wait3A_570 = arith.constant 0 : i32
      %dma_wait3A_571 = tpu.memref_slice %arg7[%add3A_472, %dma_wait3A_570] : memref<100000x128xf32, #tpu.memory_space<hbm>> -> memref<128x128xf32, #tpu.memory_space<hbm>>
      %dma_wait3A_572 = arith.constant 0 : i32
      %dma_wait3A_573 = tpu.memref_slice %arg7[%add3A_472, %dma_wait3A_572] : memref<100000x128xf32, #tpu.memory_space<hbm>> -> memref<128x128xf32, #tpu.memory_space<hbm>>
      tpu.wait_dma2 semaphore(%arg36 : memref<!tpu.dma_semaphore, #tpu.memory_space<semaphore_mem>>) src(%arg28 : memref<128x128xf32, #tpu.memory_space<vmem>>) dst(%dma_wait3A_573 : memref<128x128xf32, #tpu.memory_space<hbm>>)
    } else {
    }
    %lt3A_480 = arith.constant 100000 : i32
    %lt3A_481 = arith.cmpi slt, %add3A_472, %lt3A_480 : i32
    %add3A_482 = arith.constant 128 : i32
    %add3A_483 = arith.addi %add3A_472, %add3A_482 : i32
    %gt3A_484 = arith.constant 100000 : i32
    %gt3A_485 = arith.cmpi sgt, %add3A_483, %gt3A_484 : i32
    %and3A_486 = arith.andi %lt3A_481, %gt3A_485 : i1
    %convert_element_type3A_487 = arith.extui %and3A_486 : i1 to i32
    %cond3A_488 = arith.constant 0 : i32
    %cond3A_489 = arith.cmpi ne, %convert_element_type3A_487, %cond3A_488 : i32
    scf.if %cond3A_489 {
      %dma_wait3A_570 = arith.constant 0 : i32
      %dma_wait3A_571 = arith.constant 0 : i32
      %dma_wait3A_572 = tpu.memref_slice %arg28[%dma_wait3A_570, %dma_wait3A_571] : memref<128x128xf32, #tpu.memory_space<vmem>> -> memref<96x128xf32, #tpu.memory_space<vmem>>
      %dma_wait3A_573 = arith.constant 0 : i32
      %dma_wait3A_574 = tpu.memref_slice %arg7[%add3A_472, %dma_wait3A_573] : memref<100000x128xf32, #tpu.memory_space<hbm>> -> memref<96x128xf32, #tpu.memory_space<hbm>>
      %dma_wait3A_575 = arith.constant 0 : i32
      %dma_wait3A_576 = tpu.memref_slice %arg7[%add3A_472, %dma_wait3A_575] : memref<100000x128xf32, #tpu.memory_space<hbm>> -> memref<96x128xf32, #tpu.memory_space<hbm>>
      %dma_wait3A_577 = arith.constant 0 : i32
      %dma_wait3A_578 = arith.constant 0 : i32
      %dma_wait3A_579 = tpu.memref_slice %arg28[%dma_wait3A_577, %dma_wait3A_578] : memref<128x128xf32, #tpu.memory_space<vmem>> -> memref<96x128xf32, #tpu.memory_space<vmem>>
      tpu.wait_dma2 semaphore(%arg36 : memref<!tpu.dma_semaphore, #tpu.memory_space<semaphore_mem>>) src(%dma_wait3A_579 : memref<96x128xf32, #tpu.memory_space<vmem>>) dst(%dma_wait3A_576 : memref<96x128xf32, #tpu.memory_space<hbm>>)
    } else {
    }
    %add3A_490 = arith.constant 3072 : i32
    %add3A_491 = arith.addi %mul3A_2, %add3A_490 : i32
    %add3A_492 = arith.constant 64 : i32
    %add3A_493 = arith.addi %add3A_491, %add3A_492 : i32
    %le3A_494 = arith.constant 100000 : i32
    %le3A_495 = arith.cmpi sle, %add3A_493, %le3A_494 : i32
    %convert_element_type3A_496 = arith.extui %le3A_495 : i1 to i32
    %cond3A_497 = arith.constant 0 : i32
    %cond3A_498 = arith.cmpi ne, %convert_element_type3A_496, %cond3A_497 : i32
    scf.if %cond3A_498 {
      %dma_start3A_570 = arith.constant 0 : i32
      %dma_start3A_571 = arith.constant 0 : i32
      %dma_start3A_572 = tpu.memref_slice %arg25[%dma_start3A_570, %dma_start3A_571] : memref<128x128xf32, #tpu.memory_space<vmem>> -> memref<64x128xf32, #tpu.memory_space<vmem>>
      %dma_start3A_573 = arith.constant 3072 : i32
      %dma_start3A_574 = tpu.memref_slice %arg20[%dma_start3A_573] : memref<3328xi32, #tpu.memory_space<vmem>> -> memref<64xi32, #tpu.memory_space<vmem>>
      %dma_start3A_575 = arith.constant 0 : i32
      %dma_start3A_576 = arith.constant 0 : i32
      %dma_start3A_577 = tpu.memref_slice %arg3[%dma_start3A_575, %dma_start3A_576] : memref<200000x128xf32, #tpu.memory_space<hbm>> -> memref<200000x128xf32, #tpu.memory_space<hbm>>
      tpu.enqueue_indirect_dma source(%dma_start3A_577 : memref<200000x128xf32, #tpu.memory_space<hbm>>) target(%dma_start3A_572 : memref<64x128xf32, #tpu.memory_space<vmem>>) offsets(%dma_start3A_574 : memref<64xi32, #tpu.memory_space<vmem>>) semaphore(%arg30 : memref<!tpu.dma_semaphore, #tpu.memory_space<semaphore_mem>>)
      %dma_wait3A_578 = arith.constant 0 : i32
      %dma_wait3A_579 = arith.constant 0 : i32
      %dma_wait3A_580 = tpu.memref_slice %arg25[%dma_wait3A_578, %dma_wait3A_579] : memref<128x128xf32, #tpu.memory_space<vmem>> -> memref<64x128xf32, #tpu.memory_space<vmem>>
      %dma_wait3A_581 = arith.constant 3072 : i32
      %dma_wait3A_582 = tpu.memref_slice %arg20[%dma_wait3A_581] : memref<3328xi32, #tpu.memory_space<vmem>> -> memref<64xi32, #tpu.memory_space<vmem>>
      %dma_wait3A_583 = arith.constant 0 : i32
      %dma_wait3A_584 = arith.constant 0 : i32
      %dma_wait3A_585 = tpu.memref_slice %arg3[%dma_wait3A_583, %dma_wait3A_584] : memref<200000x128xf32, #tpu.memory_space<hbm>> -> memref<200000x128xf32, #tpu.memory_space<hbm>>
      tpu.wait_indirect_dma semaphore(%arg30 : memref<!tpu.dma_semaphore, #tpu.memory_space<semaphore_mem>>) src(%dma_wait3A_585 : memref<200000x128xf32, #tpu.memory_space<hbm>>) dst(%dma_wait3A_580 : memref<64x128xf32, #tpu.memory_space<vmem>>)
      %add3A_586 = arith.constant 3072 : i32
      %add3A_587 = arith.addi %mul3A_2, %add3A_586 : i32
      %dma_start3A_588 = arith.constant 0 : i32
      %dma_start3A_589 = arith.constant 0 : i32
      %dma_start3A_590 = tpu.memref_slice %arg25[%dma_start3A_588, %dma_start3A_589] : memref<128x128xf32, #tpu.memory_space<vmem>> -> memref<64x128xf32, #tpu.memory_space<vmem>>
      %dma_start3A_591 = arith.constant 0 : i32
      %dma_start3A_592 = tpu.memref_slice %arg7[%add3A_587, %dma_start3A_591] : memref<100000x128xf32, #tpu.memory_space<hbm>> -> memref<64x128xf32, #tpu.memory_space<hbm>>
      %dma_start3A_593 = arith.constant 0 : i32
      %dma_start3A_594 = tpu.memref_slice %arg7[%add3A_587, %dma_start3A_593] : memref<100000x128xf32, #tpu.memory_space<hbm>> -> memref<64x128xf32, #tpu.memory_space<hbm>>
      %dma_start3A_595 = arith.constant 0 : i32
      %dma_start3A_596 = arith.constant 0 : i32
      %dma_start3A_597 = tpu.memref_slice %arg25[%dma_start3A_595, %dma_start3A_596] : memref<128x128xf32, #tpu.memory_space<vmem>> -> memref<64x128xf32, #tpu.memory_space<vmem>>
      tpu.enqueue_dma source(%dma_start3A_597 : memref<64x128xf32, #tpu.memory_space<vmem>>) target(%dma_start3A_594 : memref<64x128xf32, #tpu.memory_space<hbm>>) target_semaphore(%arg31 : memref<!tpu.dma_semaphore, #tpu.memory_space<semaphore_mem>>)
      %dma_wait3A_598 = arith.constant 0 : i32
      %dma_wait3A_599 = arith.constant 0 : i32
      %dma_wait3A_600 = tpu.memref_slice %arg25[%dma_wait3A_598, %dma_wait3A_599] : memref<128x128xf32, #tpu.memory_space<vmem>> -> memref<64x128xf32, #tpu.memory_space<vmem>>
      %dma_wait3A_601 = arith.constant 0 : i32
      %dma_wait3A_602 = tpu.memref_slice %arg7[%add3A_587, %dma_wait3A_601] : memref<100000x128xf32, #tpu.memory_space<hbm>> -> memref<64x128xf32, #tpu.memory_space<hbm>>
      %dma_wait3A_603 = arith.constant 0 : i32
      %dma_wait3A_604 = tpu.memref_slice %arg7[%add3A_587, %dma_wait3A_603] : memref<100000x128xf32, #tpu.memory_space<hbm>> -> memref<64x128xf32, #tpu.memory_space<hbm>>
      %dma_wait3A_605 = arith.constant 0 : i32
      %dma_wait3A_606 = arith.constant 0 : i32
      %dma_wait3A_607 = tpu.memref_slice %arg25[%dma_wait3A_605, %dma_wait3A_606] : memref<128x128xf32, #tpu.memory_space<vmem>> -> memref<64x128xf32, #tpu.memory_space<vmem>>
      tpu.wait_dma2 semaphore(%arg31 : memref<!tpu.dma_semaphore, #tpu.memory_space<semaphore_mem>>) src(%dma_wait3A_607 : memref<64x128xf32, #tpu.memory_space<vmem>>) dst(%dma_wait3A_604 : memref<64x128xf32, #tpu.memory_space<hbm>>)
    } else {
    }
    %add3A_499 = arith.constant 127 : i32
    %add3A_500 = arith.addi %scan3A_363, %add3A_499 : i32
    %jit3A = arith.constant 128 : i32
    %div3A = arith.divsi %add3A_500, %jit3A : i32
    %sign3A = arith.constant 0 : i32
    %sign3A_501 = arith.cmpi sgt, %add3A_500, %sign3A : i32
    %sign3A_502 = arith.extui %sign3A_501 : i1 to i32
    %sign3A_503 = arith.constant 0 : i32
    %sign3A_504 = arith.cmpi slt, %add3A_500, %sign3A_503 : i32
    %sign3A_505 = arith.extui %sign3A_504 : i1 to i32
    %sign3A_506 = arith.subi %sign3A_502, %sign3A_505 : i32
    %sign3A_507 = arith.constant 0 : i32
    %sign3A_508 = arith.cmpi sgt, %jit3A, %sign3A_507 : i32
    %sign3A_509 = arith.extui %sign3A_508 : i1 to i32
    %sign3A_510 = arith.constant 0 : i32
    %sign3A_511 = arith.cmpi slt, %jit3A, %sign3A_510 : i32
    %sign3A_512 = arith.extui %sign3A_511 : i1 to i32
    %sign3A_513 = arith.subi %sign3A_509, %sign3A_512 : i32
    %ne3A = arith.cmpi ne, %sign3A_506, %sign3A_513 : i32
    %rem3A = arith.remsi %add3A_500, %jit3A : i32
    %ne3A_514 = arith.constant 0 : i32
    %ne3A_515 = arith.cmpi ne, %rem3A, %ne3A_514 : i32
    %and3A_516 = arith.andi %ne3A, %ne3A_515 : i1
    %sub3A_517 = arith.constant 1 : i32
    %sub3A_518 = arith.subi %div3A, %sub3A_517 : i32
    %select_n3A = arith.select %and3A_516, %sub3A_518, %div3A : i32
    %while3A = arith.constant 0 : i32
    %while3A_519 = arith.constant 0 : i32
    %while3A_520 = arith.subi %select_n3A, %while3A : i32
    %while3A_521 = arith.addi %while3A, %while3A_520 : i32
    %while3A_522 = arith.constant 1 : i32
    %while3A_523 = arith.divsi %while3A_520, %while3A_522 : i32
    %while3A_524 = arith.muli %while3A_523, %while3A_522 : i32
    %while3A_525 = arith.addi %while3A, %while3A_524 : i32
    %while3A_526 = arith.constant 1 : i32
    %while3A_527 = scf.for %while3A_570 = %while3A to %while3A_525 step %while3A_526 iter_args(%while3A_571 = %while3A_519) -> (i32)  : i32 {
      %dma_start3A_572 = arith.constant 0 : i32
      %dma_start3A_573 = tpu.memref_slice %arg23[%while3A_570, %dma_start3A_572] : memref<26x128xi32, #tpu.memory_space<vmem>> -> memref<1x128xi32, #tpu.memory_space<vmem>>
      %dma_start3A_574 = tpu.memref_squeeze %dma_start3A_573 : memref<1x128xi32, #tpu.memory_space<vmem>> -> memref<128xi32, #tpu.memory_space<vmem>>
      %dma_start3A_575 = arith.constant 0 : i32
      %dma_start3A_576 = arith.constant 0 : i32
      %dma_start3A_577 = tpu.memref_slice %arg7[%dma_start3A_575, %dma_start3A_576] : memref<100000x128xf32, #tpu.memory_space<hbm>> -> memref<100000x128xf32, #tpu.memory_space<hbm>>
      tpu.enqueue_indirect_dma source(%arg29 : memref<128x128xf32, #tpu.memory_space<vmem>>) target(%dma_start3A_577 : memref<100000x128xf32, #tpu.memory_space<hbm>>) offsets(%dma_start3A_574 : memref<128xi32, #tpu.memory_space<vmem>>) semaphore(%arg31 : memref<!tpu.dma_semaphore, #tpu.memory_space<semaphore_mem>>)
      %while3A_578 = arith.constant 0 : i32
      scf.yield %while3A_578 : i32
    }
    %while3A_528 = arith.constant 1 : i32
    %while3A_529 = scf.for %while3A_570 = %while3A_525 to %while3A_521 step %while3A_528 iter_args(%while3A_571 = %while3A_527) -> (i32)  : i32 {
      %dma_start3A_572 = arith.constant 0 : i32
      %dma_start3A_573 = tpu.memref_slice %arg23[%while3A_570, %dma_start3A_572] : memref<26x128xi32, #tpu.memory_space<vmem>> -> memref<1x128xi32, #tpu.memory_space<vmem>>
      %dma_start3A_574 = tpu.memref_squeeze %dma_start3A_573 : memref<1x128xi32, #tpu.memory_space<vmem>> -> memref<128xi32, #tpu.memory_space<vmem>>
      %dma_start3A_575 = arith.constant 0 : i32
      %dma_start3A_576 = arith.constant 0 : i32
      %dma_start3A_577 = tpu.memref_slice %arg7[%dma_start3A_575, %dma_start3A_576] : memref<100000x128xf32, #tpu.memory_space<hbm>> -> memref<100000x128xf32, #tpu.memory_space<hbm>>
      tpu.enqueue_indirect_dma source(%arg29 : memref<128x128xf32, #tpu.memory_space<vmem>>) target(%dma_start3A_577 : memref<100000x128xf32, #tpu.memory_space<hbm>>) offsets(%dma_start3A_574 : memref<128xi32, #tpu.memory_space<vmem>>) semaphore(%arg31 : memref<!tpu.dma_semaphore, #tpu.memory_space<semaphore_mem>>)
      %while3A_578 = arith.constant 0 : i32
      scf.yield %while3A_578 : i32
    }
    %scan3A_530 = arith.constant 0 : i32
    %scan3A_531 = arith.constant 0 : i32
    %scan3A_532 = arith.constant 25 : i32
    %scan3A_533 = arith.addi %scan3A_531, %scan3A_532 : i32
    %scan3A_534 = arith.constant 1 : i32
    %scan3A_535 = scf.for %scan3A_570 = %scan3A_531 to %scan3A_533 step %scan3A_534 iter_args(%scan3A_571 = %scan3A_530) -> (i32)  : i32 {
      %mul3A_572 = arith.constant 128 : i32
      %mul3A_573 = arith.muli %scan3A_570, %mul3A_572 : i32
      %dma_wait3A_574 = tpu.memref_slice %arg24[%mul3A_573] : memref<3328xf32, #tpu.memory_space<vmem>> -> memref<128xf32, #tpu.memory_space<vmem>>
      %dma_wait3A_575 = arith.constant 0 : i32
      %dma_wait3A_576 = tpu.memref_slice %arg4[%dma_wait3A_575] : memref<200000xf32, #tpu.memory_space<hbm>> -> memref<128xf32, #tpu.memory_space<hbm>>
      %dma_wait3A_577 = tpu.memref_slice %arg24[%mul3A_573] : memref<3328xf32, #tpu.memory_space<vmem>> -> memref<128xf32, #tpu.memory_space<vmem>>
      %dma_wait3A_578 = arith.constant 0 : i32
      %dma_wait3A_579 = tpu.memref_slice %arg4[%dma_wait3A_578] : memref<200000xf32, #tpu.memory_space<hbm>> -> memref<128xf32, #tpu.memory_space<hbm>>
      tpu.wait_dma2 semaphore(%arg32 : memref<!tpu.dma_semaphore, #tpu.memory_space<semaphore_mem>>) src(%dma_wait3A_579 : memref<128xf32, #tpu.memory_space<hbm>>) dst(%dma_wait3A_577 : memref<128xf32, #tpu.memory_space<vmem>>)
      %scan3A_580 = arith.constant 0 : i32
      scf.yield %scan3A_580 : i32
    }
    %scan3A_536 = arith.constant 25 : i32
    %scan3A_537 = arith.constant 0 : i32
    %scan3A_538 = arith.constant 0 : i32
    %scan3A_539 = arith.constant 196 : i32
    %scan3A_540 = arith.addi %scan3A_538, %scan3A_539 : i32
    %scan3A_541 = arith.constant 1 : i32
    %scan3A_542 = scf.for %scan3A_570 = %scan3A_538 to %scan3A_540 step %scan3A_541 iter_args(%scan3A_571 = %scan3A_537) -> (i32)  : i32 {
      %mul3A_572 = arith.constant 16 : i32
      %mul3A_573 = arith.muli %scan3A_570, %mul3A_572 : i32
      %get3A_574 = arith.index_cast %mul3A_573 : i32 to index
      %get3A_575 = tpu.vector_load %arg21[%get3A_574] {strides = array<i32>} : memref<3328xi32, #tpu.memory_space<vmem>>, vector<16xi32>,
      %convert_element_type3A_576 = arith.sitofp %get3A_575 : vector<16xi32> to vector<16xf32>
      %mul3A_577 = arith.constant 16 : i32
      %mul3A_578 = arith.muli %scan3A_570, %mul3A_577 : i32
      %get3A_579 = arith.index_cast %mul3A_578 : i32 to index
      %get3A_580 = tpu.vector_load %arg24[%get3A_579] {strides = array<i32>} : memref<3328xf32, #tpu.memory_space<vmem>>, vector<16xf32>,
      %mul3A_581 = arith.mulf %get3A_580, %convert_element_type3A_576 : vector<16xf32>
      %mul3A_582 = arith.constant 16 : i32
      %mul3A_583 = arith.muli %scan3A_570, %mul3A_582 : i32
      %swap3A_584 = arith.index_cast %mul3A_583 : i32 to index
      %swap3A_585 = tpu.vector_load %arg24[%swap3A_584] {strides = array<i32>} : memref<3328xf32, #tpu.memory_space<vmem>>, vector<16xf32>,
      tpu.vector_store %arg24[%swap3A_584], %mul3A_581 {strides = array<i32>} : memref<3328xf32, #tpu.memory_space<vmem>>, vector<16xf32>,
      %scan3A_586 = arith.constant 0 : i32
      scf.yield %scan3A_586 : i32
    }
    %scan3A_543 = arith.constant 196 : i32
    %add3A_544 = arith.constant 3136 : i32
    %add3A_545 = arith.addi %mul3A_2, %add3A_544 : i32
    %le3A_546 = arith.constant 100000 : i32
    %le3A_547 = arith.cmpi sle, %add3A_545, %le3A_546 : i32
    %convert_element_type3A_548 = arith.extui %le3A_547 : i1 to i32
    %cond3A_549 = arith.constant 0 : i32
    %cond3A_550 = arith.cmpi ne, %convert_element_type3A_548, %cond3A_549 : i32
    scf.if %cond3A_550 {
      "tpu.region"() ({
        %run_scoped3A = tpu.sem_alloc : memref<!tpu.dma_semaphore, #tpu.memory_space<semaphore_mem>>
        %dma_start3A_570 = arith.constant 0 : i32
        %dma_start3A_571 = tpu.memref_slice %arg24[%dma_start3A_570] : memref<3328xf32, #tpu.memory_space<vmem>> -> memref<3136xf32, #tpu.memory_space<vmem>>
        %dma_start3A_572 = tpu.memref_slice %arg8[%mul3A_2] : memref<100000xf32, #tpu.memory_space<hbm>> -> memref<3136xf32, #tpu.memory_space<hbm>>
        %dma_start3A_573 = tpu.memref_slice %arg8[%mul3A_2] : memref<100000xf32, #tpu.memory_space<hbm>> -> memref<3136xf32, #tpu.memory_space<hbm>>
        %dma_start3A_574 = arith.constant 0 : i32
        %dma_start3A_575 = tpu.memref_slice %arg24[%dma_start3A_574] : memref<3328xf32, #tpu.memory_space<vmem>> -> memref<3136xf32, #tpu.memory_space<vmem>>
        tpu.enqueue_dma source(%dma_start3A_575 : memref<3136xf32, #tpu.memory_space<vmem>>) target(%dma_start3A_573 : memref<3136xf32, #tpu.memory_space<hbm>>) target_semaphore(%run_scoped3A : memref<!tpu.dma_semaphore, #tpu.memory_space<semaphore_mem>>)
        %dma_wait3A_576 = arith.constant 0 : i32
        %dma_wait3A_577 = tpu.memref_slice %arg24[%dma_wait3A_576] : memref<3328xf32, #tpu.memory_space<vmem>> -> memref<3136xf32, #tpu.memory_space<vmem>>
        %dma_wait3A_578 = tpu.memref_slice %arg8[%mul3A_2] : memref<100000xf32, #tpu.memory_space<hbm>> -> memref<3136xf32, #tpu.memory_space<hbm>>
        %dma_wait3A_579 = tpu.memref_slice %arg8[%mul3A_2] : memref<100000xf32, #tpu.memory_space<hbm>> -> memref<3136xf32, #tpu.memory_space<hbm>>
        %dma_wait3A_580 = arith.constant 0 : i32
        %dma_wait3A_581 = tpu.memref_slice %arg24[%dma_wait3A_580] : memref<3328xf32, #tpu.memory_space<vmem>> -> memref<3136xf32, #tpu.memory_space<vmem>>
        tpu.wait_dma2 semaphore(%run_scoped3A : memref<!tpu.dma_semaphore, #tpu.memory_space<semaphore_mem>>) src(%dma_wait3A_581 : memref<3136xf32, #tpu.memory_space<vmem>>) dst(%dma_wait3A_579 : memref<3136xf32, #tpu.memory_space<hbm>>)
        tpu.yield
      }) : () -> ()
      "tpu.region"() ({
        %run_scoped3A = tpu.sem_alloc : memref<!tpu.dma_semaphore, #tpu.memory_space<semaphore_mem>>
        %dma_start3A_570 = arith.constant 0 : i32
        %dma_start3A_571 = tpu.memref_slice %arg21[%dma_start3A_570] : memref<3328xi32, #tpu.memory_space<vmem>> -> memref<3136xi32, #tpu.memory_space<vmem>>
        %dma_start3A_572 = tpu.memref_slice %arg9[%mul3A_2] : memref<100000xi32, #tpu.memory_space<hbm>> -> memref<3136xi32, #tpu.memory_space<hbm>>
        %dma_start3A_573 = tpu.memref_slice %arg9[%mul3A_2] : memref<100000xi32, #tpu.memory_space<hbm>> -> memref<3136xi32, #tpu.memory_space<hbm>>
        %dma_start3A_574 = arith.constant 0 : i32
        %dma_start3A_575 = tpu.memref_slice %arg21[%dma_start3A_574] : memref<3328xi32, #tpu.memory_space<vmem>> -> memref<3136xi32, #tpu.memory_space<vmem>>
        tpu.enqueue_dma source(%dma_start3A_575 : memref<3136xi32, #tpu.memory_space<vmem>>) target(%dma_start3A_573 : memref<3136xi32, #tpu.memory_space<hbm>>) target_semaphore(%run_scoped3A : memref<!tpu.dma_semaphore, #tpu.memory_space<semaphore_mem>>)
        %dma_wait3A_576 = arith.constant 0 : i32
        %dma_wait3A_577 = tpu.memref_slice %arg21[%dma_wait3A_576] : memref<3328xi32, #tpu.memory_space<vmem>> -> memref<3136xi32, #tpu.memory_space<vmem>>
        %dma_wait3A_578 = tpu.memref_slice %arg9[%mul3A_2] : memref<100000xi32, #tpu.memory_space<hbm>> -> memref<3136xi32, #tpu.memory_space<hbm>>
        %dma_wait3A_579 = tpu.memref_slice %arg9[%mul3A_2] : memref<100000xi32, #tpu.memory_space<hbm>> -> memref<3136xi32, #tpu.memory_space<hbm>>
        %dma_wait3A_580 = arith.constant 0 : i32
        %dma_wait3A_581 = tpu.memref_slice %arg21[%dma_wait3A_580] : memref<3328xi32, #tpu.memory_space<vmem>> -> memref<3136xi32, #tpu.memory_space<vmem>>
        tpu.wait_dma2 semaphore(%run_scoped3A : memref<!tpu.dma_semaphore, #tpu.memory_space<semaphore_mem>>) src(%dma_wait3A_581 : memref<3136xi32, #tpu.memory_space<vmem>>) dst(%dma_wait3A_579 : memref<3136xi32, #tpu.memory_space<hbm>>)
        tpu.yield
      }) : () -> ()
    } else {
    }
    %add3A_551 = arith.constant 3136 : i32
    %add3A_552 = arith.addi %mul3A_2, %add3A_551 : i32
    %gt3A_553 = arith.constant 100000 : i32
    %gt3A_554 = arith.cmpi sgt, %add3A_552, %gt3A_553 : i32
    %convert_element_type3A_555 = arith.extui %gt3A_554 : i1 to i32
    %cond3A_556 = arith.constant 0 : i32
    %cond3A_557 = arith.cmpi ne, %convert_element_type3A_555, %cond3A_556 : i32
    scf.if %cond3A_557 {
      "tpu.region"() ({
        %run_scoped3A = tpu.sem_alloc : memref<!tpu.dma_semaphore, #tpu.memory_space<semaphore_mem>>
        %dma_start3A_570 = arith.constant 0 : i32
        %dma_start3A_571 = tpu.memref_slice %arg24[%dma_start3A_570] : memref<3328xf32, #tpu.memory_space<vmem>> -> memref<2784xf32, #tpu.memory_space<vmem>>
        %dma_start3A_572 = tpu.memref_slice %arg8[%mul3A_2] : memref<100000xf32, #tpu.memory_space<hbm>> -> memref<2784xf32, #tpu.memory_space<hbm>>
        %dma_start3A_573 = tpu.memref_slice %arg8[%mul3A_2] : memref<100000xf32, #tpu.memory_space<hbm>> -> memref<2784xf32, #tpu.memory_space<hbm>>
        %dma_start3A_574 = arith.constant 0 : i32
        %dma_start3A_575 = tpu.memref_slice %arg24[%dma_start3A_574] : memref<3328xf32, #tpu.memory_space<vmem>> -> memref<2784xf32, #tpu.memory_space<vmem>>
        tpu.enqueue_dma source(%dma_start3A_575 : memref<2784xf32, #tpu.memory_space<vmem>>) target(%dma_start3A_573 : memref<2784xf32, #tpu.memory_space<hbm>>) target_semaphore(%run_scoped3A : memref<!tpu.dma_semaphore, #tpu.memory_space<semaphore_mem>>)
        %dma_wait3A_576 = arith.constant 0 : i32
        %dma_wait3A_577 = tpu.memref_slice %arg24[%dma_wait3A_576] : memref<3328xf32, #tpu.memory_space<vmem>> -> memref<2784xf32, #tpu.memory_space<vmem>>
        %dma_wait3A_578 = tpu.memref_slice %arg8[%mul3A_2] : memref<100000xf32, #tpu.memory_space<hbm>> -> memref<2784xf32, #tpu.memory_space<hbm>>
        %dma_wait3A_579 = tpu.memref_slice %arg8[%mul3A_2] : memref<100000xf32, #tpu.memory_space<hbm>> -> memref<2784xf32, #tpu.memory_space<hbm>>
        %dma_wait3A_580 = arith.constant 0 : i32
        %dma_wait3A_581 = tpu.memref_slice %arg24[%dma_wait3A_580] : memref<3328xf32, #tpu.memory_space<vmem>> -> memref<2784xf32, #tpu.memory_space<vmem>>
        tpu.wait_dma2 semaphore(%run_scoped3A : memref<!tpu.dma_semaphore, #tpu.memory_space<semaphore_mem>>) src(%dma_wait3A_581 : memref<2784xf32, #tpu.memory_space<vmem>>) dst(%dma_wait3A_579 : memref<2784xf32, #tpu.memory_space<hbm>>)
        tpu.yield
      }) : () -> ()
      "tpu.region"() ({
        %run_scoped3A = tpu.sem_alloc : memref<!tpu.dma_semaphore, #tpu.memory_space<semaphore_mem>>
        %dma_start3A_570 = arith.constant 0 : i32
        %dma_start3A_571 = tpu.memref_slice %arg21[%dma_start3A_570] : memref<3328xi32, #tpu.memory_space<vmem>> -> memref<2784xi32, #tpu.memory_space<vmem>>
        %dma_start3A_572 = tpu.memref_slice %arg9[%mul3A_2] : memref<100000xi32, #tpu.memory_space<hbm>> -> memref<2784xi32, #tpu.memory_space<hbm>>
        %dma_start3A_573 = tpu.memref_slice %arg9[%mul3A_2] : memref<100000xi32, #tpu.memory_space<hbm>> -> memref<2784xi32, #tpu.memory_space<hbm>>
        %dma_start3A_574 = arith.constant 0 : i32
        %dma_start3A_575 = tpu.memref_slice %arg21[%dma_start3A_574] : memref<3328xi32, #tpu.memory_space<vmem>> -> memref<2784xi32, #tpu.memory_space<vmem>>
        tpu.enqueue_dma source(%dma_start3A_575 : memref<2784xi32, #tpu.memory_space<vmem>>) target(%dma_start3A_573 : memref<2784xi32, #tpu.memory_space<hbm>>) target_semaphore(%run_scoped3A : memref<!tpu.dma_semaphore, #tpu.memory_space<semaphore_mem>>)
        %dma_wait3A_576 = arith.constant 0 : i32
        %dma_wait3A_577 = tpu.memref_slice %arg21[%dma_wait3A_576] : memref<3328xi32, #tpu.memory_space<vmem>> -> memref<2784xi32, #tpu.memory_space<vmem>>
        %dma_wait3A_578 = tpu.memref_slice %arg9[%mul3A_2] : memref<100000xi32, #tpu.memory_space<hbm>> -> memref<2784xi32, #tpu.memory_space<hbm>>
        %dma_wait3A_579 = tpu.memref_slice %arg9[%mul3A_2] : memref<100000xi32, #tpu.memory_space<hbm>> -> memref<2784xi32, #tpu.memory_space<hbm>>
        %dma_wait3A_580 = arith.constant 0 : i32
        %dma_wait3A_581 = tpu.memref_slice %arg21[%dma_wait3A_580] : memref<3328xi32, #tpu.memory_space<vmem>> -> memref<2784xi32, #tpu.memory_space<vmem>>
        tpu.wait_dma2 semaphore(%run_scoped3A : memref<!tpu.dma_semaphore, #tpu.memory_space<semaphore_mem>>) src(%dma_wait3A_581 : memref<2784xi32, #tpu.memory_space<vmem>>) dst(%dma_wait3A_579 : memref<2784xi32, #tpu.memory_space<hbm>>)
        tpu.yield
      }) : () -> ()
    } else {
    }
    %while3A_558 = arith.constant 0 : i32
    %while3A_559 = arith.constant 0 : i32
    %while3A_560 = arith.subi %select_n3A, %while3A_558 : i32
    %while3A_561 = arith.addi %while3A_558, %while3A_560 : i32
    %while3A_562 = arith.constant 1 : i32
    %while3A_563 = arith.divsi %while3A_560, %while3A_562 : i32
    %while3A_564 = arith.muli %while3A_563, %while3A_562 : i32
    %while3A_565 = arith.addi %while3A_558, %while3A_564 : i32
    %while3A_566 = arith.constant 1 : i32
    %while3A_567 = scf.for %while3A_570 = %while3A_558 to %while3A_565 step %while3A_566 iter_args(%while3A_571 = %while3A_559) -> (i32)  : i32 {
      %dma_wait3A_572 = arith.constant 0 : i32
      %dma_wait3A_573 = tpu.memref_slice %arg23[%while3A_570, %dma_wait3A_572] : memref<26x128xi32, #tpu.memory_space<vmem>> -> memref<1x128xi32, #tpu.memory_space<vmem>>
      %dma_wait3A_574 = tpu.memref_squeeze %dma_wait3A_573 : memref<1x128xi32, #tpu.memory_space<vmem>> -> memref<128xi32, #tpu.memory_space<vmem>>
      %dma_wait3A_575 = arith.constant 0 : i32
      %dma_wait3A_576 = arith.constant 0 : i32
      %dma_wait3A_577 = tpu.memref_slice %arg7[%dma_wait3A_575, %dma_wait3A_576] : memref<100000x128xf32, #tpu.memory_space<hbm>> -> memref<100000x128xf32, #tpu.memory_space<hbm>>
      tpu.wait_indirect_dma semaphore(%arg31 : memref<!tpu.dma_semaphore, #tpu.memory_space<semaphore_mem>>) src(%arg29 : memref<128x128xf32, #tpu.memory_space<vmem>>) dst(%dma_wait3A_577 : memref<100000x128xf32, #tpu.memory_space<hbm>>)
      %while3A_578 = arith.constant 0 : i32
      scf.yield %while3A_578 : i32
    }
    %while3A_568 = arith.constant 1 : i32
    %while3A_569 = scf.for %while3A_570 = %while3A_565 to %while3A_561 step %while3A_568 iter_args(%while3A_571 = %while3A_567) -> (i32)  : i32 {
      %dma_wait3A_572 = arith.constant 0 : i32
      %dma_wait3A_573 = tpu.memref_slice %arg23[%while3A_570, %dma_wait3A_572] : memref<26x128xi32, #tpu.memory_space<vmem>> -> memref<1x128xi32, #tpu.memory_space<vmem>>
      %dma_wait3A_574 = tpu.memref_squeeze %dma_wait3A_573 : memref<1x128xi32, #tpu.memory_space<vmem>> -> memref<128xi32, #tpu.memory_space<vmem>>
      %dma_wait3A_575 = arith.constant 0 : i32
      %dma_wait3A_576 = arith.constant 0 : i32
      %dma_wait3A_577 = tpu.memref_slice %arg7[%dma_wait3A_575, %dma_wait3A_576] : memref<100000x128xf32, #tpu.memory_space<hbm>> -> memref<100000x128xf32, #tpu.memory_space<hbm>>
      tpu.wait_indirect_dma semaphore(%arg31 : memref<!tpu.dma_semaphore, #tpu.memory_space<semaphore_mem>>) src(%arg29 : memref<128x128xf32, #tpu.memory_space<vmem>>) dst(%dma_wait3A_577 : memref<100000x128xf32, #tpu.memory_space<hbm>>)
      %while3A_578 = arith.constant 0 : i32
      scf.yield %while3A_578 : i32
    }
    return
  }
}

</mosaic_0001>

<sc_bundles>
// kernel: kernel.4.cloned.1.call-start
scs
__scs_entry_jumppad:
0x0: {  	(pc) =	sbr.rel $0x88, $3  }
0x1: {  	(tag) =	ssettag $0x0;
	lr =	simm.s32 $0x1  }
0x2: {  	[smem:$0x3F9D] =	sst lr;
	_ =	strace $0xD0000000  }
0x3: {  	_ = 	snop  }
0x4: {  	_ = 	snop  }
0x5: {  	_ = 	snop  }
0x6: {  	_ = 	snop  }
0x7: {  	_ = 	snop  }
__scs_overlays_trampoline_lowered:
0x8: {  	[smem:$0x3FAC] =	sst s0  }
0x9: {  	[smem:$0x3FAD] =	sst s1  }
0xa: {  	[smem:$0x3FAE] =	sst s2  }
0xb: {  	[smem:$0x3FAF] =	sst s3  }
0xc: {  	[smem:$0x3FB0] =	sst s4  }
0xd: {  	[smem:$0x3FB1] =	sst s5  }
0xe: {  	[smem:$0x3FB2] =	sst s6  }
0xf: {  	[smem:$0x3FB3] =	sst s7  }
0x10: {  	[smem:$0x3FB4] =	sst s8  }
0x11: {  	[smem:$0x3FB5] =	sst s9;
	s0 =	simm.s32 @!p0 $0x0  }
0x12: {  	s1 =	sld [smem:$0x3F9B];
	s0 =	simm.s32 @p0 $0x1  }
0x13: {  	[smem:$0x3FB6] =	sst s0;
	s0 =	simm.s32 @!p1 $0x0  }
0x14: {  	s2 =	sld [smem:$0x3F9A];
	s0 =	simm.s32 @p1 $0x1  }
0x15: {  	[smem:$0x3FB7] =	sst s0;
	s0 =	simm.s32 @!p2 $0x0  }
0x16: {  	s3 =	sld [smem:$0x3FDB];
	s0 =	simm.s32 @p2 $0x1  }
0x17: {  	s4 =	simm.s32 $0x1BF5;
	[smem:$0x3FB9] =	sst s0  }
0x18: {  	s0 =	sld [smem:$0x3F9C];
	_ =	swait.ge [sflag:s4], $0x0  }
0x19: {  	s7 =	sld [smem:$0x3F9D]  }
0x1a: {  	s8 =	sadd.s32 $0xFFFFE003, lr  }
0x1b: {  	s9 =	sadd.s32 $0xFFFFFEF7, lr;
	s5 =	simm.s32 $0xFFFFFFFF;
	p2 =	slt.u32 s8, $0xFFFFF086  }
0x1c: {  	p1 =	slt.u32 s9, $0xF7A;
	s5 =	simm.s32 @!p2 $0x0  }
0x1d: {  	s5 =	simm.s32 @p1 $0x1;
	p0 =	seq.s32 s7, s2  }
0x1e: {  	s7 =	smul.u32 @!p0 $0xF7A, s2;
	p2 =	seq.s32 @!p0 s5, $0x0  }
0x1f: {  	s9 =	smul.u32 $0xF7A, s1;
	s8 =	simm.s32 @!p0 $0x1BF5;
	p2 =	por !p2, p0  }
0x20: {  	[sflag:s8] =	ssyncset.s32 @!p0 $0xFFFFF086;
	s6 =	sadd.s32 @!p0 s3, s7;
	s7 =	simm.s32 @!p0 $0x108  }
0x21: {  	s3 =	sadd.s32 s3, s9;
	s6 =	sadd.s32 @!p0 $0x88, s6;
	s7 =	simm.s32 @p2 $0x1082  }
0x22: {  	[simem:s7], [sflag:s8] =	dma.local @!p0 [hbm:s6], $0xF7A  }
0x23: {  	s9 =	sor.u32 $0xD0000000, s2;
	s6 =	simm.s32 $0x108;
	_ =	swait.ge @!p0 [sflag:s8], $0x0  }
0x24: {  	s3 =	sadd.s32 $0x88, s3;
	s6 =	simm.s32 @!p1 $0x1082;
	[sflag:s4] =	ssyncset.s32 $0xFFFFF086  }
0x25: {  	[simem:s6], [sflag:s4] =	dma.local [hbm:s3], $0xF7A  }
0x26: {  	[smem:$0x3F9D] =	sst s1;
	(tag) =	ssettag s2;
	_ =	strace s9  }
0x27: {  	s1 =	sld [smem:$0x3FAD]  }
0x28: {  	s2 =	sld [smem:$0x3FAE]  }
0x29: {  	s4 =	sld [smem:$0x3FB0]  }
0x2a: {  	p0 =	seq.s32 s5, $0x0;
	s5 =	sld [smem:$0x3FB1]  }
0x2b: {  	s6 =	sld [smem:$0x3FB2]  }
0x2c: {  	s7 =	sld [smem:$0x3FB3]  }
0x2d: {  	s3 =	simm.s32 $0x108;
	s8 =	sld [smem:$0x3FB4]  }
0x2e: {  	s3 =	simm.s32 @!p0 $0x1082;
	s9 =	sld [smem:$0x3FB5]  }
0x2f: {  	lr =	sadd.s32 s0, s3;
	s0 =	sld [smem:$0x3FAC]  }
0x30: {  	s3 =	sld [smem:$0x3FAF]  }
0x31: {  	[smem:$0x3FB8] =	sst s10  }
0x32: {  	s10 =	sld [smem:$0x3FB6];
	_ =	sdelay $0x3  }
0x33: {  	p0 =	seq.s32 s10, $0x1;
	s10 =	sld [smem:$0x3FB8];
	_ =	sdelay $0x3  }
0x34: {  	[smem:$0x3FB8] =	sst s10  }
0x35: {  	s10 =	sld [smem:$0x3FB7];
	_ =	sdelay $0x3  }
0x36: {  	p1 =	seq.s32 s10, $0x1;
	s10 =	sld [smem:$0x3FB8];
	_ =	sdelay $0x3  }
0x37: {  	[smem:$0x3FB8] =	sst s10  }
0x38: {  	s10 =	sld [smem:$0x3FB9]  }
0x39: {  	_ = 	snop;
	(pc) =	sbr.ind lr, $3  }
0x3a: {  	_ = 	snop  }
0x3b: {  	_ = 	snop  }
0x3c: {  	p2 =	seq.s32 s10, $0x1;
	s10 =	sld [smem:$0x3FB8]  }
0x3d: {  	_ =	shalt  }
0x3e: {  	_ =	shalt  }
0x3f: {  	_ =	shalt  }
0x40: {  	_ =	shalt  }
0x41: {  	_ =	shalt  }
0x42: {  	_ =	shalt  }
0x43: {  	_ =	shalt  }
0x44: {  	_ =	shalt  }
0x45: {  	_ =	shalt  }
0x46: {  	_ =	shalt  }
0x47: {  	_ =	shalt  }
0x48: {  	_ =	shalt  }
0x49: {  	_ =	shalt  }
0x4a: {  	_ =	shalt  }
0x4b: {  	_ =	shalt  }
0x4c: {  	_ =	shalt  }
0x4d: {  	_ =	shalt  }
0x4e: {  	_ =	shalt  }
0x4f: {  	_ =	shalt  }
0x50: {  	_ =	shalt  }
0x51: {  	_ =	shalt  }
0x52: {  	_ =	shalt  }
0x53: {  	_ =	shalt  }
0x54: {  	_ =	shalt  }
0x55: {  	_ =	shalt  }
0x56: {  	_ =	shalt  }
0x57: {  	_ =	shalt  }
0x58: {  	_ =	shalt  }
0x59: {  	_ =	shalt  }
0x5a: {  	_ =	shalt  }
0x5b: {  	_ =	shalt  }
0x5c: {  	_ =	shalt  }
0x5d: {  	_ =	shalt  }
0x5e: {  	_ =	shalt  }
0x5f: {  	_ =	shalt  }
0x60: {  	_ =	shalt  }
0x61: {  	_ =	shalt  }
0x62: {  	_ =	shalt  }
0x63: {  	_ =	shalt  }
0x64: {  	_ =	shalt  }
0x65: {  	_ =	shalt  }
0x66: {  	_ =	shalt  }
0x67: {  	_ =	shalt  }
0x68: {  	_ =	shalt  }
0x69: {  	_ =	shalt  }
0x6a: {  	_ =	shalt  }
0x6b: {  	_ =	shalt  }
0x6c: {  	_ =	shalt  }
0x6d: {  	_ =	shalt  }
0x6e: {  	_ =	shalt  }
0x6f: {  	_ =	shalt  }
0x70: {  	_ =	shalt  }
0x71: {  	_ =	shalt  }
0x72: {  	_ =	shalt  }
0x73: {  	_ =	shalt  }
0x74: {  	_ =	shalt  }
0x75: {  	_ =	shalt  }
0x76: {  	_ =	shalt  }
0x77: {  	_ =	shalt  }
0x78: {  	_ =	shalt  }
0x79: {  	_ =	shalt  }
0x7a: {  	_ =	shalt  }
0x7b: {  	_ =	shalt  }
0x7c: {  	_ =	shalt  }
0x7d: {  	_ =	shalt  }
0x7e: {  	_ =	shalt  }
0x7f: {  	_ =	shalt  }
0x80: {  	_ =	shalt  }
0x81: {  	_ =	shalt  }
0x82: {  	_ =	shalt  }
0x83: {  	_ =	shalt  }
0x84: {  	_ =	shalt  }
0x85: {  	_ =	shalt  }
0x86: {  	_ =	shalt  }
0x87: {  	_ =	shalt  }
.Lfunc_end0:
.L_simem_size_0:
called_computation_lowered:
.L_overlay_start_0:
0x88: {  	s2 =	sld [smem:$0x3FD9]  }
0x89: {  	s3 =	sld [smem:$0x3FFE];
	_ =	sdelay $0x1  }
0x8a: {  	s1 =	srdreg.scid  }
0x8b: {  	s0 =	sand.u32 $0x1, s1  }
0x8c: {  	s17 =	sshll.u32 s0, $0xA;
	s2 =	sadd.s32 s3, s2  }
0x8d: {  	s2 =	sadd.s32 s2, s17  }
0x8e: {  	[smem:$0x3FC4] =	sst s2  }
0x8f: {  	_ = 	snop  }
0x90: {  	s2 =	sld [smem:$0x3FC9];
	(tm) =	ssettm $0x1  }
0x91: {  	s18 =	sld [smem:$0x3FFB];
	_ =	sdelay $0x3  }
0x92: {  	_ =	strace s18  }
0x93: {  	s3 =	sld [smem:$0x3FFC];
	_ =	sdelay $0x3  }
0x94: {  	_ =	strace s3  }
0x95: {  	s3 =	sld [smem:$0x3FFD];
	_ =	sdelay $0x3  }
0x96: {  	_ =	strace s3  }
0x97: {  	_ =	strace $0x8FFFFFFF  }
0x98: {  	s19 =	sld [smem:$0x3FDB];
	_ =	sdelay $0x1  }
0x99: {  	s4 =	simm.s32 $_scs_section_size  }
0x9a: {  	s5 =	simm.s32 $_size__tile_overlayer_lowered;
	s6 =	simm.s32 $_tile_overlayer_lowered  }
0x9b: {  	s22 =	simm.s32 $0x1BFF;
	s21 =	sshll.u32 s6, $0x1;
	s3 =	sadd.s32 s4, s19  }
0x9c: {  	s7 =	simm.s32 $0x0;
	s20 =	sshll.u32 s5, $0x1;
	s5 =	sadd.s32 s21, s3  }
0x9d: {  	[timem:s7], [sflag:s22] =	dma.local [hbm:s5], s20  }
0x9e: {  	_ =	swait.ge [sflag:s22], s20  }
0x9f: {  	s4 =	ssub.s32 $0x0, s20;
	[sflag:s22] =	ssyncset.done $0x0  }
0xa0: {  	[sflag:s22] =	ssyncadd.s32 s4;
	_ =	sdelay $0x1  }
0xa1: {  	s23 =	simm.s32 $0x1B8B  }
0xa2: {  	_ =	swait.ge [sflag:s23], $0x1  }
0xa3: {  	[sflag:s23] =	ssyncset.done $0x0  }
0xa4: {  	s25 =	simm.s32 $0x1B8E;
	s24 =	sld [smem:$0x3FFE];
	[sflag:s23] =	ssyncadd.s32 $0xFFFFFFFF  }
0xa5: {  	s26 =	simm.s32 $execute0_lowered;
	[smem:$0x3FD2] =	sst s25  }
0xa6: {  	s5 =	sshll.u32 s26, $0x1;
	_ =	strace $0x80000046;
	[dreg:$0x1] =	wrdreg $0xFFFFFFFF  }
0xa7: {  	s28 =	simm.s32 $_size_execute0_lowered;
	s3 =	sadd.s32 s3, s5;
	[dreg:$0x0] =	wrdreg $0x0  }
0xa8: {  	s5 =	sshll.u32 s28, $0x1;
	[dreg:$0x2] =	wrdreg s3  }
0xa9: {  	[dreg:$0x3] =	wrdreg s5  }
0xaa: {  	[dreg:$0x4] =	wrdreg $0xC0  }
0xab: {  	_ =	task [dreg:s7], $0x5FFFF  }
0xac: {  	[dreg:$0x1] =	wrdreg $0xFFFFFFFF  }
0xad: {  	[dreg:$0x0] =	wrdreg $0x60  }
0xae: {  	[dreg:$0x2] =	wrdreg s2  }
0xaf: {  	[dreg:$0x3] =	wrdreg s24  }
0xb0: {  	[dreg:$0x4] =	wrdreg $0x9  }
0xb1: {  	_ =	task.clear_ibuf [dreg:s7], $0x5FFFF;
	_ =	strace $0x90000046  }
0xb2: {  	s29 =	simm.s32 $0x9;
	_ =	strace $0x80000048  }
0xb3: {  	_ =	swait.ge [sflag:s29], $0x1  }
0xb4: {  	[sflag:s29] =	ssyncadd.s32 $0xFFFFFFFF  }
0xb5: {  	_ =	strace $0x90000048  }
0xb6: {  	_ =	sfence  }
0xb7: {  	s30 =	sld [smem:$0x0];
	_ =	sdelay $0x2  }
0xb8: {  	s31 =	sshll.u32 s1, $0xD;
	s1 =	sshrl.u32 s1, $0x2  }
0xb9: {  	s3 =	sand.u32 $0x4000, s31;
	s1 =	sadd.s32 s1, s30  }
0xba: {  	s0 =	sor.u32 s3, s0;
	s1 =	sshll.u32 s1, $0x11  }
0xbb: {  	s0 =	sor.u32 s1, s0  }
0xbc: {  	s0 =	sadd.s32 $0x8F2B, s0  }
0xbd: {  	[sflag:s0] =	ssyncadd.remote.s32 $0x1  }
0xbe: {  	_ =	sfence.sel $0xFFFF  }
0xbf: {  	[dreg:$0x0] =	wrdreg $0xFFFFFFFF;
	(pc) =	sbr.abs _section_cstart, $3  }
0xc0: {  	[dreg:$0x1] =	wrdreg $0xFFFFFFFF  }
0xc1: {  	_ =	task.clear_ibuf [dreg:s7], $0x2FFFF;
	_ =	strace $0x9FFFFFFF  }
0xc2: {  	(tm) =	ssettm $0x7FFFFFFF  }
0xc3: {  	_ =	shalt  }
tec
execute0_lowered:
.L_overlay_start_1:
0x0: {  	(tag) =	ssettag $0x1  }
0x1: {  	s1 =	srdreg.scid;
	s4 =	rddreg [dreg:$0x0]  }
0x2: {  	s0 =	stileid.u32;
	s6 =	rddreg [dreg:$0x1]  }
0x3: {  	s3 =	sand.u32 $0x1, s1;
	s29 =	sshll.u32 s0, $0x1;
	s8 =	smul.u32 $0x30D4, s0  }
0x4: {  	s2 =	simm.s32 $0x0;
	s5 =	sor.u32 s3, s29;
	s10 =	smul.u32 $0x186A, s3  }
0x5: {  	v0 =	vimm.s32 $0xFFEDCBA9;
	v1 =	vimm.s32 $0x87654321;
	s1 =	rddreg [dreg:$0x2];
	s9 =	ssub.s32 $0x2, s3;
	s7 =	smul.u32 $0x3100, s5  }
0x6: {  	[smem:$0x7FF] =	sst s2;
	v0 =	vunpack.c.l.s4.s8 v0;
	v1 =	vunpack.c.l.s4.s8 v1;
	s5 =	smul.u32 $0x186A, s5;
	s30 =	sshrl.u32 s9, $0x1  }
0x7: {  	_ =	strace $0x80000047;
	s31 =	ssub.s32 s9, s30;
	s8 =	sadd.s32 s10, s8  }
0x8: {  	v2 =	vunpack.c.0.s8.s32 v0;
	v3 =	vunpack.c.0.s8.s32 v1;
	s9 =	simm.s32 $0x0;
	s6 =	sadd.s32 s7, s6;
	s5 =	sshrl.u32 s5, $0x3  }
0x9: {  	vm0 =	vcmask $0x3F3C;
	s7 =	simm.s32 $0x18800;
	s3 =	sadd.s32 s4, s5;
	s4 =	sadd.s32 $0xC00, s6  }
0xa: {  	v0 =	vimm.s32 $0xFFFFFFFF;
	v1 =	vlaneseq.u32;
	v2 =	vcombine.low v3, v2;
	s5 =	smax.u32 s31, $0x1;
	s6 =	sand.u32 $0x7FFF8, s8;
	s8 =	simm.s32 $0x1  }
.LBB2_1:
0xb: {  	s11 =	simm.s32 $0x100;
	s10 =	simm.s32 $0x0  }
.LBB2_2:
0xc: {  	p0 =	sne.s32 s11, $0x61F00;
	[tilespmem:s10+$0x30] =	vst v0;
	s12 =	smov.u32 s11;
	s11 =	sadd.s32 $0x100, s11  }
.Ltmp0:
0xd: {  	[tilespmem:s10+$0x20] =	vst v0;
	(pc) =	sbr.rel @p0 .LBB2_2-.Ltmp0, $3  }
0xe: {  	[tilespmem:s10+$0x0] =	vst v0  }
0xf: {  	[tilespmem:s10+$0x10] =	vst v0;
	_ =	sdelay $0x1  }
0x10: {  	s10 =	sshra.s32 s12, $0x2  }
0x11: {  	[tilespmem:s10+$0x30] =	vst v0  }
0x12: {  	[tilespmem:s10+$0x20] =	vst v0  }
0x13: {  	[tilespmem:s10+$0x0] =	vst v0  }
0x14: {  	[tilespmem:s10+$0x10] =	vst v0;
	s30 =	simm.s32 $0x0  }
0x15: {  	[tilespmem:s7], [sflag:$0x1] =	stream.linear.gather [hbm4b:s3+s30], $0x1870, $0x38;
	[tilespmem:$0x1A080] =	vst v63  }
0x16: {  	_ =	swait.ge [sflag:s8], $0x1870  }
0x17: {  	[sflag:s8] =	ssyncset.done $0x0  }
0x18: {  	s31 =	simm.s32 $0x0;
	[sflag:s8] =	ssyncadd.s32 $0xFFFFE790  }
0x19: {  	v3 =	vld [tilespmem:s31+$0x18800];
	_ =	sdelay $0x4  }
0x1a: {  	v3 =	vshll.u32 v3, $0x4  }
0x1b: {  	v4 =	vadd.s32 s6, v1;
	v3 =	vor.u32 v1, v3  }
0x1c: {  	(xrf1) =	vsort.ascd.msk.u32 $0xffff, v3, v4;
	_ =	sdelay $0xd  }
0x1d: {  	v3, v4, _ =	vpop (xrf1)  }
0x1e: {  	v3 =	vshra.s32 v3, $0x4  }
0x1f: {  	v5 =	vperm.xlane v3, v2;
	_ =	sdelay $0x1  }
0x20: {  	vm2 =	vgt.s32 v3, $0x0;
	vm1 =	vne.s32 v3, v5  }
0x21: {  	v3 =	vnsel vm2, $0x0, v3;
	vm1 =	vmor vm1, vm0  }
0x22: {  	v3 =	vmin.u32 v3, $0x187FF;
	_ =	sdelay $0x4  }
0x23: {  	s12 =	simm.s32 $0x10;
	s11 =	simm.s32 $0x80;
	s10 =	smov.u32 s6;
	[tilespmem:v3+s2+$0x0] =	vst.idx.msk vm1, v4  }
.LBB2_4:
0x24: {  	p0 =	sne.s32 s11, $0x6180;
	v3 =	vld [tilespmem:s12+$0x18800];
	_ =	sdelay $0x4  }
0x25: {  	s10 =	sadd.s32 $0x10, s10;
	v3 =	vshll.u32 v3, $0x4  }
0x26: {  	v4 =	vadd.s32 s10, v1;
	v3 =	vor.u32 v1, v3  }
0x27: {  	(xrf1) =	vsort.ascd.msk.u32 $0xffff, v3, v4;
	_ =	sdelay $0xd  }
0x28: {  	v3, v4, _ =	vpop (xrf1)  }
0x29: {  	v3 =	vshra.s32 v3, $0x4  }
0x2a: {  	v5 =	vperm.xlane v3, v2;
	_ =	sdelay $0x1  }
0x2b: {  	vm2 =	vgt.s32 v3, $0x0;
	vm1 =	vne.s32 v3, v5  }
0x2c: {  	v3 =	vnsel vm2, $0x0, v3;
	vm1 =	vmor vm1, vm0  }
0x2d: {  	v3 =	vmin.u32 v3, $0x187FF  }
.Ltmp1:
0x2e: {  	(pc) =	sbr.rel @p0 .LBB2_4-.Ltmp1, $2  }
0x2f: {  	_ =	sdelay $0x2  }
0x30: {  	s12 =	sshra.s32 s11, $0x2;
	s11 =	sadd.s32 $0x40, s11;
	[tilespmem:v3+s2+$0x0] =	vst.idx.msk vm1, v4  }
0x31: {  	v3 =	vld [tilespmem:s12+$0x18800];
	_ =	sdelay $0x4  }
0x32: {  	s10 =	sadd.s32 $0x10, s10;
	v3 =	vshll.u32 v3, $0x4  }
0x33: {  	v4 =	vadd.s32 s10, v1;
	v3 =	vor.u32 v1, v3  }
0x34: {  	(xrf1) =	vsort.ascd.msk.u32 $0xffff, v3, v4;
	_ =	sdelay $0xd  }
0x35: {  	v3, v4, _ =	vpop (xrf1)  }
0x36: {  	v3 =	vshra.s32 v3, $0x4  }
0x37: {  	v5 =	vperm.xlane v3, v2;
	_ =	sdelay $0x1  }
0x38: {  	vm2 =	vgt.s32 v3, $0x0;
	vm1 =	vne.s32 v3, v5  }
0x39: {  	v3 =	vnsel vm2, $0x0, v3;
	vm1 =	vmor vm1, vm0  }
0x3a: {  	v3 =	vmin.u32 v3, $0x187FF;
	_ =	sdelay $0x2  }
0x3b: {  	s9 =	sadd.s32 $0x1, s9  }
0x3c: {  	p0 =	sne.s32 s9, s5  }
.Ltmp2:
0x3d: {  	[tilespmem:v3+s2+$0x0] =	vst.idx.msk vm1, v4;
	(pc) =	sbr.rel @p0 .LBB2_1-.Ltmp2, $4  }
0x3e: {  	[hbm4b:s4+s2] =	stream.linear.scatter [tilespmem:s2], [sflag:$0x1], $0x18800, $0x38;
	[tilespmem:$0x1A080] =	vst v63  }
0x3f: {  	_ =	swait.ge [sflag:s8], $0x18800  }
0x40: {  	[sflag:s8] =	ssyncset.done $0x0  }
0x41: {  	[sflag:s8] =	ssyncadd.s32 $0xFFFE7800  }
0x42: {  	_ =	sfence.sel $0x180000  }
0x43: {  	[bflag:$0x0] =	sbarrier.arrive $0xFFFF  }
0x44: {  	p0 =	sne.s32 s0, $0x0;
	_ =	strace $0x90000047  }
0x45: {  	s0 =	sadd.s32 @!p0 $0x100000, s1;
	[bflag:$0x2] =	sbarrier.arrive $0xFFFF  }
0x46: {  	[sflag:s0] =	ssyncadd.tile.s32 @!p0 $0x1;
	_ =	shalt  }
.Lfunc_end2:
_tile_overlayer_lowered:
.L_overlay_start_2:
0x47: {  	(tag) =	ssettag $0x2  }
0x48: {  	s0 =	rddreg [dreg:$0x0];
	s2 =	stileid.u32  }
0x49: {  	s1 =	rddreg [dreg:$0x1];
	p0 =	sne.s32 s2, $0x0  }
0x4a: {  	s3 =	rddreg [dreg:$0x2];
	[bflag:$0x3] =	sbarrier.arrive $0xFFFF;
	s2 =	simm.s32 @!p0 $0x1C01  }
0x4b: {  	[timem:s3], [sflag:s2] =	dma.local @!p0 [hbm:s0], s1  }
0x4c: {  	s0 =	simm.s32 @!p0 $0x1  }
0x4d: {  	_ =	swait.ge @!p0 [sflag:s0], s1  }
0x4e: {  	s1 =	ssub.s32 @!p0 $0x0, s1;
	[sflag:s0] =	ssyncset.done @!p0 $0x0  }
0x4f: {  	[sflag:s0] =	ssyncadd.s32 @!p0 s1  }
0x50: {  	[bflag:$0x3] =	sbarrier.arrive $0xFFFF  }
0x51: {  	_ =	shalt  }

// kernel: kernel.7.cloned.1.call-start
scs
__scs_entry_jumppad:
0x0: {  	(pc) =	sbr.rel $0x88, $3  }
0x1: {  	(tag) =	ssettag $0x0;
	lr =	simm.s32 $0x1  }
0x2: {  	[smem:$0x3F9D] =	sst lr;
	_ =	strace $0xD0000000  }
0x3: {  	_ = 	snop  }
0x4: {  	_ = 	snop  }
0x5: {  	_ = 	snop  }
0x6: {  	_ = 	snop  }
0x7: {  	_ = 	snop  }
__scs_overlays_trampoline_lowered:
0x8: {  	[smem:$0x3FAC] =	sst s0  }
0x9: {  	[smem:$0x3FAD] =	sst s1  }
0xa: {  	[smem:$0x3FAE] =	sst s2  }
0xb: {  	[smem:$0x3FAF] =	sst s3  }
0xc: {  	[smem:$0x3FB0] =	sst s4  }
0xd: {  	[smem:$0x3FB1] =	sst s5  }
0xe: {  	[smem:$0x3FB2] =	sst s6  }
0xf: {  	[smem:$0x3FB3] =	sst s7  }
0x10: {  	[smem:$0x3FB4] =	sst s8  }
0x11: {  	[smem:$0x3FB5] =	sst s9;
	s0 =	simm.s32 @!p0 $0x0  }
0x12: {  	s1 =	sld [smem:$0x3F9B];
	s0 =	simm.s32 @p0 $0x1  }
0x13: {  	[smem:$0x3FB6] =	sst s0;
	s0 =	simm.s32 @!p1 $0x0  }
0x14: {  	s2 =	sld [smem:$0x3F9A];
	s0 =	simm.s32 @p1 $0x1  }
0x15: {  	[smem:$0x3FB7] =	sst s0;
	s0 =	simm.s32 @!p2 $0x0  }
0x16: {  	s3 =	sld [smem:$0x3FDB];
	s0 =	simm.s32 @p2 $0x1  }
0x17: {  	s4 =	simm.s32 $0x1BF5;
	[smem:$0x3FB9] =	sst s0  }
0x18: {  	s0 =	sld [smem:$0x3F9C];
	_ =	swait.ge [sflag:s4], $0x0  }
0x19: {  	s7 =	sld [smem:$0x3F9D]  }
0x1a: {  	s8 =	sadd.s32 $0xFFFFE003, lr  }
0x1b: {  	s9 =	sadd.s32 $0xFFFFFEF7, lr;
	s5 =	simm.s32 $0xFFFFFFFF;
	p2 =	slt.u32 s8, $0xFFFFF086  }
0x1c: {  	p1 =	slt.u32 s9, $0xF7A;
	s5 =	simm.s32 @!p2 $0x0  }
0x1d: {  	s5 =	simm.s32 @p1 $0x1;
	p0 =	seq.s32 s7, s2  }
0x1e: {  	s7 =	smul.u32 @!p0 $0xF7A, s2;
	p2 =	seq.s32 @!p0 s5, $0x0  }
0x1f: {  	s9 =	smul.u32 $0xF7A, s1;
	s8 =	simm.s32 @!p0 $0x1BF5;
	p2 =	por !p2, p0  }
0x20: {  	[sflag:s8] =	ssyncset.s32 @!p0 $0xFFFFF086;
	s6 =	sadd.s32 @!p0 s3, s7;
	s7 =	simm.s32 @!p0 $0x108  }
0x21: {  	s3 =	sadd.s32 s3, s9;
	s6 =	sadd.s32 @!p0 $0x88, s6;
	s7 =	simm.s32 @p2 $0x1082  }
0x22: {  	[simem:s7], [sflag:s8] =	dma.local @!p0 [hbm:s6], $0xF7A  }
0x23: {  	s9 =	sor.u32 $0xD0000000, s2;
	s6 =	simm.s32 $0x108;
	_ =	swait.ge @!p0 [sflag:s8], $0x0  }
0x24: {  	s3 =	sadd.s32 $0x88, s3;
	s6 =	simm.s32 @!p1 $0x1082;
	[sflag:s4] =	ssyncset.s32 $0xFFFFF086  }
0x25: {  	[simem:s6], [sflag:s4] =	dma.local [hbm:s3], $0xF7A  }
0x26: {  	[smem:$0x3F9D] =	sst s1;
	(tag) =	ssettag s2;
	_ =	strace s9  }
0x27: {  	s1 =	sld [smem:$0x3FAD]  }
0x28: {  	s2 =	sld [smem:$0x3FAE]  }
0x29: {  	s4 =	sld [smem:$0x3FB0]  }
0x2a: {  	p0 =	seq.s32 s5, $0x0;
	s5 =	sld [smem:$0x3FB1]  }
0x2b: {  	s6 =	sld [smem:$0x3FB2]  }
0x2c: {  	s7 =	sld [smem:$0x3FB3]  }
0x2d: {  	s3 =	simm.s32 $0x108;
	s8 =	sld [smem:$0x3FB4]  }
0x2e: {  	s3 =	simm.s32 @!p0 $0x1082;
	s9 =	sld [smem:$0x3FB5]  }
0x2f: {  	lr =	sadd.s32 s0, s3;
	s0 =	sld [smem:$0x3FAC]  }
0x30: {  	s3 =	sld [smem:$0x3FAF]  }
0x31: {  	[smem:$0x3FB8] =	sst s10  }
0x32: {  	s10 =	sld [smem:$0x3FB6];
	_ =	sdelay $0x3  }
0x33: {  	p0 =	seq.s32 s10, $0x1;
	s10 =	sld [smem:$0x3FB8];
	_ =	sdelay $0x3  }
0x34: {  	[smem:$0x3FB8] =	sst s10  }
0x35: {  	s10 =	sld [smem:$0x3FB7];
	_ =	sdelay $0x3  }
0x36: {  	p1 =	seq.s32 s10, $0x1;
	s10 =	sld [smem:$0x3FB8];
	_ =	sdelay $0x3  }
0x37: {  	[smem:$0x3FB8] =	sst s10  }
0x38: {  	s10 =	sld [smem:$0x3FB9]  }
0x39: {  	_ = 	snop;
	(pc) =	sbr.ind lr, $3  }
0x3a: {  	_ = 	snop  }
0x3b: {  	_ = 	snop  }
0x3c: {  	p2 =	seq.s32 s10, $0x1;
	s10 =	sld [smem:$0x3FB8]  }
0x3d: {  	_ =	shalt  }
0x3e: {  	_ =	shalt  }
0x3f: {  	_ =	shalt  }
0x40: {  	_ =	shalt  }
0x41: {  	_ =	shalt  }
0x42: {  	_ =	shalt  }
0x43: {  	_ =	shalt  }
0x44: {  	_ =	shalt  }
0x45: {  	_ =	shalt  }
0x46: {  	_ =	shalt  }
0x47: {  	_ =	shalt  }
0x48: {  	_ =	shalt  }
0x49: {  	_ =	shalt  }
0x4a: {  	_ =	shalt  }
0x4b: {  	_ =	shalt  }
0x4c: {  	_ =	shalt  }
0x4d: {  	_ =	shalt  }
0x4e: {  	_ =	shalt  }
0x4f: {  	_ =	shalt  }
0x50: {  	_ =	shalt  }
0x51: {  	_ =	shalt  }
0x52: {  	_ =	shalt  }
0x53: {  	_ =	shalt  }
0x54: {  	_ =	shalt  }
0x55: {  	_ =	shalt  }
0x56: {  	_ =	shalt  }
0x57: {  	_ =	shalt  }
0x58: {  	_ =	shalt  }
0x59: {  	_ =	shalt  }
0x5a: {  	_ =	shalt  }
0x5b: {  	_ =	shalt  }
0x5c: {  	_ =	shalt  }
0x5d: {  	_ =	shalt  }
0x5e: {  	_ =	shalt  }
0x5f: {  	_ =	shalt  }
0x60: {  	_ =	shalt  }
0x61: {  	_ =	shalt  }
0x62: {  	_ =	shalt  }
0x63: {  	_ =	shalt  }
0x64: {  	_ =	shalt  }
0x65: {  	_ =	shalt  }
0x66: {  	_ =	shalt  }
0x67: {  	_ =	shalt  }
0x68: {  	_ =	shalt  }
0x69: {  	_ =	shalt  }
0x6a: {  	_ =	shalt  }
0x6b: {  	_ =	shalt  }
0x6c: {  	_ =	shalt  }
0x6d: {  	_ =	shalt  }
0x6e: {  	_ =	shalt  }
0x6f: {  	_ =	shalt  }
0x70: {  	_ =	shalt  }
0x71: {  	_ =	shalt  }
0x72: {  	_ =	shalt  }
0x73: {  	_ =	shalt  }
0x74: {  	_ =	shalt  }
0x75: {  	_ =	shalt  }
0x76: {  	_ =	shalt  }
0x77: {  	_ =	shalt  }
0x78: {  	_ =	shalt  }
0x79: {  	_ =	shalt  }
0x7a: {  	_ =	shalt  }
0x7b: {  	_ =	shalt  }
0x7c: {  	_ =	shalt  }
0x7d: {  	_ =	shalt  }
0x7e: {  	_ =	shalt  }
0x7f: {  	_ =	shalt  }
0x80: {  	_ =	shalt  }
0x81: {  	_ =	shalt  }
0x82: {  	_ =	shalt  }
0x83: {  	_ =	shalt  }
0x84: {  	_ =	shalt  }
0x85: {  	_ =	shalt  }
0x86: {  	_ =	shalt  }
0x87: {  	_ =	shalt  }
.Lfunc_end0:
.L_simem_size_0:
called_computation.1_lowered:
.L_overlay_start_0:
0x88: {  	s2 =	sld [smem:$0x3FD9]  }
0x89: {  	s3 =	sld [smem:$0x3FFE];
	_ =	sdelay $0x1  }
0x8a: {  	s1 =	srdreg.scid  }
0x8b: {  	s0 =	sand.u32 $0x1, s1  }
0x8c: {  	s14 =	sshll.u32 s0, $0xA;
	s2 =	sadd.s32 s3, s2  }
0x8d: {  	s2 =	sadd.s32 s2, s14  }
0x8e: {  	[smem:$0x3FC4] =	sst s2  }
0x8f: {  	_ = 	snop  }
0x90: {  	s2 =	sld [smem:$0x3FD0];
	_ =	sdelay $0x1  }
0x91: {  	s15 =	sld [smem:$0x3FC8]  }
0x92: {  	s5 =	simm.s32 $0xA;
	s6 =	simm.s32 $0x10;
	s4 =	sld [smem:$0x3FC7]  }
0x93: {  	[smem:s6], [sflag:s5] =	dma.local [hbm:s2], $0x1  }
0x94: {  	_ =	swait.eq [sflag:s5], $0x1  }
0x95: {  	s16 =	sld [smem:$0x10];
	[sflag:s5] =	ssyncset.done $0x0  }
0x96: {  	s17 =	sld [smem:$0x11];
	[sflag:s5] =	ssyncadd.s32 $0xFFFFFFFF  }
0x97: {  	s18 =	sld [smem:$0x12];
	(tm) =	ssettm $0x1  }
0x98: {  	s7 =	sld [smem:$0x3FFB];
	_ =	sdelay $0x3  }
0x99: {  	_ =	strace s7  }
0x9a: {  	s7 =	sld [smem:$0x3FFC];
	_ =	sdelay $0x3  }
0x9b: {  	_ =	strace s7  }
0x9c: {  	s7 =	sld [smem:$0x3FFD];
	_ =	sdelay $0x3  }
0x9d: {  	_ =	strace s7  }
0x9e: {  	_ =	strace $0x8FFFFFFF  }
0x9f: {  	s19 =	sld [smem:$0x3FDB];
	_ =	sdelay $0x1  }
0xa0: {  	s8 =	simm.s32 $_scs_section_size  }
0xa1: {  	s9 =	simm.s32 $_size__tile_overlayer_lowered;
	s10 =	simm.s32 $_tile_overlayer_lowered  }
0xa2: {  	s22 =	simm.s32 $0x1BFF;
	s21 =	sshll.u32 s10, $0x1;
	s7 =	sadd.s32 s8, s19  }
0xa3: {  	s11 =	simm.s32 $0x0;
	s20 =	sshll.u32 s9, $0x1;
	s9 =	sadd.s32 s21, s7  }
0xa4: {  	[timem:s11], [sflag:s22] =	dma.local [hbm:s9], s20  }
0xa5: {  	_ =	swait.ge [sflag:s22], s20  }
0xa6: {  	s8 =	ssub.s32 $0x0, s20;
	[sflag:s22] =	ssyncset.done $0x0  }
0xa7: {  	[sflag:s22] =	ssyncadd.s32 s8;
	_ =	sdelay $0x1  }
0xa8: {  	s23 =	simm.s32 $0x1B8B  }
0xa9: {  	_ =	swait.ge [sflag:s23], $0x1  }
0xaa: {  	[sflag:s23] =	ssyncset.done $0x0  }
0xab: {  	s25 =	simm.s32 $0x1B8E;
	s24 =	sld [smem:$0x3FFE];
	[sflag:s23] =	ssyncadd.s32 $0xFFFFFFFF  }
0xac: {  	s26 =	simm.s32 $execute0_lowered;
	[smem:$0x3FD2] =	sst s25  }
0xad: {  	s9 =	sshll.u32 s26, $0x1;
	_ =	strace $0x80000049;
	[dreg:$0x1] =	wrdreg $0xFFFFFFFF  }
0xae: {  	s28 =	simm.s32 $_size_execute0_lowered;
	s7 =	sadd.s32 s7, s9;
	[dreg:$0x0] =	wrdreg $0x0  }
0xaf: {  	s9 =	sshll.u32 s28, $0x1;
	[dreg:$0x2] =	wrdreg s7  }
0xb0: {  	[dreg:$0x3] =	wrdreg s9  }
0xb1: {  	[dreg:$0x4] =	wrdreg $0xC0  }
0xb2: {  	_ =	task [dreg:s11], $0x5FFFF  }
0xb3: {  	[dreg:$0x1] =	wrdreg $0xFFFFFFFF  }
0xb4: {  	[dreg:$0x0] =	wrdreg $0x60  }
0xb5: {  	[dreg:$0x2] =	wrdreg s24  }
0xb6: {  	[dreg:$0x3] =	wrdreg s15  }
0xb7: {  	[dreg:$0x4] =	wrdreg s4  }
0xb8: {  	[dreg:$0x5] =	wrdreg s18  }
0xb9: {  	[dreg:$0x6] =	wrdreg s16  }
0xba: {  	[dreg:$0x7] =	wrdreg s17  }
0xbb: {  	[dreg:$0x8] =	wrdreg $0x9  }
0xbc: {  	_ =	task.clear_ibuf [dreg:s11], $0x9FFFF;
	_ =	strace $0x90000049  }
0xbd: {  	s29 =	simm.s32 $0x9;
	_ =	strace $0x8000004B  }
0xbe: {  	_ =	swait.ge [sflag:s29], $0x1  }
0xbf: {  	[sflag:s29] =	ssyncadd.s32 $0xFFFFFFFF  }
0xc0: {  	_ =	strace $0x9000004B  }
0xc1: {  	_ =	sfence  }
0xc2: {  	s30 =	sld [smem:$0x0];
	_ =	sdelay $0x2  }
0xc3: {  	s31 =	sshll.u32 s1, $0xD;
	s1 =	sshrl.u32 s1, $0x2  }
0xc4: {  	s3 =	sand.u32 $0x4000, s31;
	s1 =	sadd.s32 s1, s30  }
0xc5: {  	s0 =	sor.u32 s3, s0;
	s1 =	sshll.u32 s1, $0x11  }
0xc6: {  	s0 =	sor.u32 s1, s0  }
0xc7: {  	s0 =	sadd.s32 $0x8F2B, s0  }
0xc8: {  	[sflag:s0] =	ssyncadd.remote.s32 $0x1  }
0xc9: {  	_ =	sfence.sel $0xFFFF  }
0xca: {  	[dreg:$0x0] =	wrdreg $0xFFFFFFFF;
	(pc) =	sbr.abs _section_cstart, $3  }
0xcb: {  	[dreg:$0x1] =	wrdreg $0xFFFFFFFF  }
0xcc: {  	_ =	task.clear_ibuf [dreg:s11], $0x2FFFF;
	_ =	strace $0x9FFFFFFF  }
0xcd: {  	(tm) =	ssettm $0x7FFFFFFF  }
tec
execute0_lowered:
.L_overlay_start_1:
0x0: {  	(tag) =	ssettag $0x1  }
0x1: {  	s3 =	srdreg.scid;
	s13 =	stileid.u32  }
0x2: {  	s0 =	rddreg [dreg:$0x0];
	s3 =	sand.u32 $0x1, s3;
	s4 =	sshll.u32 s13, $0x1  }
0x3: {  	s1 =	rddreg [dreg:$0x1];
	s4 =	sor.u32 s3, s4  }
0x4: {  	s2 =	rddreg [dreg:$0x2];
	s8 =	smul.u32 $0xC40, s4  }
0x5: {  	s5 =	rddreg [dreg:$0x4]  }
0x6: {  	s7 =	rddreg [dreg:$0x5];
	s6 =	simm.s32 $0x0;
	s9 =	sshrl.u32 s8, $0x3  }
0x7: {  	[smem:$0x7FF] =	sst s6;
	s11 =	sadd.s32 s9, s0;
	s0 =	sadd.s32 $0x62C00, s0  }
0x8: {  	_ =	strace $0x8000004A;
	s7 =	sadd.s32 s7, s9;
	[dreg:$0x7] =	wrdreg s0  }
0x9: {  	s19 =	sadd.s32 $0xC00, s11;
	[dreg:$0x10] =	wrdreg s7  }
0xa: {  	s20 =	sadd.s32 $0x3D00, s11;
	[dreg:$0x8] =	wrdreg s19  }
0xb: {  	s21 =	sadd.s32 $0x6E00, s11;
	[dreg:$0x9] =	wrdreg s20  }
0xc: {  	s22 =	smul.u32 $0x1880, s13;
	s23 =	sadd.s32 $0x9F00, s11;
	[dreg:$0xa] =	wrdreg s21  }
0xd: {  	s13 =	smul.u32 $0x18800, s13;
	s24 =	sadd.s32 $0xD000, s11;
	[dreg:$0xb] =	wrdreg s23  }
0xe: {  	s10 =	ssub.s32 $0x2, s3;
	s14 =	sadd.s32 $0x10100, s11;
	[dreg:$0xc] =	wrdreg s24  }
0xf: {  	s25 =	smul.u32 $0xC40, s3;
	s26 =	sadd.s32 $0x13200, s11;
	[dreg:$0xd] =	wrdreg s14  }
0x10: {  	s12 =	sshrl.u32 s10, $0x1;
	s31 =	sadd.s32 $0x16300, s11;
	[dreg:$0xe] =	wrdreg s26  }
0x11: {  	s0 =	ssub.s32 s10, s12;
	s15 =	sadd.s32 $0x19400, s11;
	[dreg:$0xf] =	wrdreg s31  }
0x12: {  	s10 =	sadd.s32 s25, s22;
	s22 =	sadd.s32 $0x22700, s11;
	[dreg:$0x11] =	wrdreg s15  }
0x13: {  	s3 =	smul.u32 $0xC400, s3;
	s25 =	sadd.s32 $0x28900, s11;
	[dreg:$0x15] =	wrdreg s22  }
0x14: {  	s16 =	sadd.s32 s13, s5;
	s9 =	sadd.s32 $0x37E00, s11;
	[dreg:$0x18] =	wrdreg s25  }
0x15: {  	s18 =	smul.u32 $0xC400, s4;
	s12 =	sadd.s32 $0x3AF00, s11;
	[dreg:$0x1d] =	wrdreg s9  }
0x16: {  	s3 =	sadd.s32 s3, s16;
	s13 =	sadd.s32 $0x3E000, s11;
	[dreg:$0x1e] =	wrdreg s12  }
0x17: {  	s17 =	sadd.s32 $0xFFFE84DF, s8;
	s16 =	sadd.s32 $0x47300, s11;
	[dreg:$0x1f] =	wrdreg s13  }
0x18: {  	p1 =	sgt.u32 s17, $0x7E;
	s17 =	sadd.s32 $0x4A400, s11;
	[smem:$0x7F1] =	sst s16  }
0x19: {  	s7 =	sadd.s32 s18, s5;
	s18 =	sadd.s32 $0x4D500, s11;
	[smem:$0x7F2] =	sst s17  }
0x1a: {  	p0 =	seq.s32 s4, $0x1F;
	[smem:$0x7F3] =	sst s18  }
0x1b: {  	s4 =	simm.s32 @!p1 $0x0;
	s19 =	sadd.s32 $0x1C500, s11;
	[dreg:$0x12] =	wrdreg s10  }
0x1c: {  	s4 =	simm.s32 @p1 $0x1;
	[dreg:$0x13] =	wrdreg s19  }
0x1d: {  	s30 =	simm.s32 $0x3;
	s20 =	sadd.s32 $0x1F600, s11;
	[smem:$0x7ED] =	sst s4  }
0x1e: {  	s28 =	simm.s32 $0x7200;
	s23 =	sadd.s32 $0xC000, s7;
	[dreg:$0x14] =	wrdreg s20  }
0x1f: {  	s29 =	simm.s32 $0x7280;
	s24 =	sadd.s32 $0x25800, s11;
	[dreg:$0x16] =	wrdreg s23  }
0x20: {  	s21 =	sadd.s32 $0xFFFE855F, s8;
	s26 =	sadd.s32 $0x2BA00, s11;
	[dreg:$0x17] =	wrdreg s24  }
0x21: {  	s31 =	sadd.s32 $0x2EB00, s11;
	s7 =	sadd.s32 $0x31C00, s11;
	[dreg:$0x19] =	wrdreg s26  }
0x22: {  	s8 =	sadd.s32 $0x34D00, s11;
	s14 =	sadd.s32 $0x41100, s11;
	[dreg:$0x1a] =	wrdreg s31  }
0x23: {  	s15 =	sadd.s32 $0x44200, s11;
	s22 =	sadd.s32 $0x59900, s11;
	[dreg:$0x1b] =	wrdreg s7  }
0x24: {  	s25 =	sadd.s32 $0x62E00, s11;
	s0 =	smax.u32 s0, $0x1;
	[dreg:$0x1c] =	wrdreg s8  }
0x25: {  	s13 =	simm.s32 $0xC80;
	s16 =	simm.s32 $0x1900;
	[smem:$0x7EF] =	sst s14  }
0x26: {  	s17 =	simm.s32 $0x2580;
	s18 =	simm.s32 $0x3200;
	[smem:$0x7F0] =	sst s15  }
0x27: {  	s9 =	simm.s32 $0xB500;
	s12 =	simm.s32 $0x1;
	[smem:$0x7F7] =	sst s22  }
0x28: {  	p1 =	sgt.u32 s21, $0x7E;
	s19 =	sadd.s32 $0x50600, s11;
	[smem:$0x7FA] =	sst s25  }
0x29: {  	s20 =	sadd.s32 $0x53700, s11;
	s21 =	sadd.s32 $0x56800, s11;
	[smem:$0x7FB] =	sst s0  }
0x2a: {  	s23 =	sadd.s32 $0x5CA00, s11;
	s24 =	sadd.s32 $0x5FB00, s11;
	[smem:$0x7F4] =	sst s19  }
0x2b: {  	s26 =	sadd.s32 $0x1000, s3;
	s31 =	sadd.s32 $0x200, s10;
	[smem:$0x7F5] =	sst s20  }
0x2c: {  	s15 =	sadd.s32 $0x100, s10;
	s22 =	simm.s32 $0x8;
	[smem:$0x7F6] =	sst s21  }
0x2d: {  	s7 =	simm.s32 $0x80;
	s25 =	simm.s32 $0x7100;
	[smem:$0x7F8] =	sst s23  }
.Ltmp0:
0x2e: {  	s14 =	simm.s32 $0x2;
	[smem:$0x7F9] =	sst s24;
	(pc) =	sbr.rel .LBB2_1-.Ltmp0, $4  }
0x2f: {  	s8 =	simm.s32 $0x0;
	s4 =	simm.s32 @!p1 $0x0;
	[smem:$0x7FC] =	sst s26  }
0x30: {  	[smem:$0x7FD] =	sst s31;
	s24 =	simm.s32 $0x1B500;
	s19 =	simm.s32 $0x3E80  }
0x31: {  	v0 =	vimm.s32 $0xFFFFFFFF;
	s20 =	simm.s32 $0x4B00;
	s21 =	simm.s32 $0x5780;
	s4 =	simm.s32 @p1 $0x1  }
0x32: {  	v1 =	vimm.s32 $0x0;
	v2 =	vimm.s32 $0x18800;
	v3 =	vlaneseq.u32;
	s23 =	simm.s32 $0x6400;
	s26 =	simm.s32 $0x7180;
	[smem:$0x7EE] =	sst s4  }
.LBB2_37:
0x33: {  	[sflag:s14] =	ssyncadd.s32 $0xFFFFC000  }
.LBB2_38:
0x34: {  	s0 =	sld [smem:$0x7FB];
	_ =	sdelay $0x1  }
0x35: {  	s8 =	sadd.s32 $0x1, s8  }
0x36: {  	p1 =	sne.s32 s8, s0  }
.Ltmp1:
0x37: {  	_ = 	snop;
	(pc) =	sbr.rel @!p1 .LBB2_39-.Ltmp1, $1  }
0x38: {  	_ =	sdelay $0x3  }
.LBB2_1:
0x39: {  	s0 =	rddreg [dreg:$0x7];
	s3 =	simm.s32 $0x7080;
	s11 =	simm.s32 $0x9  }
0x3a: {  	[tilespmem:s3], [sflag:$0x9] =	stream.linear.gather [hbm4b:s0+s6], $0x80, $0x38;
	[tilespmem:$0x1F500] =	vst v63  }
0x3b: {  	_ =	swait.ge [sflag:s11], $0x80  }
0x3c: {  	[sflag:s11] =	ssyncset.done $0x0  }
0x3d: {  	[sflag:s11] =	ssyncadd.s32 $0xFFFFFF80  }
0x3e: {  	s31 =	rddreg [dreg:$0x3]  }
0x3f: {  	[tilespmem:s24], [sflag:$0x9] =	stream.linear.gather [hbm4b:s31+s6], $0x4000, $0x38;
	[tilespmem:$0x1F500] =	vst v63  }
0x40: {  	_ =	swait.ge [sflag:s11], $0x4000  }
0x41: {  	[sflag:s11] =	ssyncset.done $0x0  }
0x42: {  	s4 =	simm.s32 $0x0;
	[sflag:s11] =	ssyncadd.s32 $0xFFFFC000  }
.LBB2_2:
0x43: {  	p1 =	sne.s32 s4, $0x30C0  }
.Ltmp2:
0x44: {  	_ = 	snop;
	(pc) =	sbr.rel @p1 .LBB2_2-.Ltmp2, $3  }
0x45: {  	_ =	sdelay $0x1  }
0x46: {  	s10 =	sshra.s32 s4, $0x2  }
0x47: {  	s4 =	sadd.s32 $0x40, s4;
	[tilespmem:s10+$0x0] =	vst v0  }
0x48: {  	s4 =	simm.s32 $0x40;
	s10 =	simm.s32 $0x0  }
.LBB2_4:
0x49: {  	p1 =	sne.s32 s4, $0x33C0;
	[tilespmem:s10+$0x7100] =	vst v1;
	s11 =	smov.u32 s4;
	s4 =	sadd.s32 $0x40, s4  }
.Ltmp3:
0x4a: {  	[tilespmem:s10+$0x8B00] =	vst v2;
	(pc) =	sbr.rel @p1 .LBB2_4-.Ltmp3, $2  }
0x4b: {  	_ =	sdelay $0x2  }
0x4c: {  	s10 =	sshra.s32 s11, $0x2  }
0x4d: {  	[tilespmem:s10+$0x7100] =	vst v1  }
0x4e: {  	[tilespmem:s10+$0x8B00] =	vst v2;
	s4 =	simm.s32 $0x0;
	s0 =	rddreg [dreg:$0x8]  }
0x4f: {  	[tilespmem:s13], [sflag:$0x3] =	stream.linear.gather [hbm4b:s0+s4], $0xC40, $0x38;
	[tilespmem:$0x1F500] =	vst v63  }
0x50: {  	s10 =	rddreg [dreg:$0x9]  }
0x51: {  	[tilespmem:s16], [sflag:$0x3] =	stream.linear.gather [hbm4b:s10+s4], $0xC40, $0x38;
	[tilespmem:$0x1F500] =	vst v63  }
0x52: {  	s11 =	rddreg [dreg:$0xa]  }
0x53: {  	[tilespmem:s17], [sflag:$0x3] =	stream.linear.gather [hbm4b:s11+s4], $0xC40, $0x38;
	[tilespmem:$0x1F500] =	vst v63  }
0x54: {  	s31 =	rddreg [dreg:$0xb]  }
0x55: {  	[tilespmem:s18], [sflag:$0x3] =	stream.linear.gather [hbm4b:s31+s4], $0xC40, $0x38;
	[tilespmem:$0x1F500] =	vst v63  }
0x56: {  	_ =	swait.ge [sflag:s30], $0xC40  }
0x57: {  	[sflag:s30] =	ssyncset.done $0x0  }
0x58: {  	[sflag:s30] =	ssyncadd.s32 $0xFFFFF3C0  }
0x59: {  	_ =	swait.ge [sflag:s30], $0xC40  }
0x5a: {  	[sflag:s30] =	ssyncset.done $0x0  }
0x5b: {  	[sflag:s30] =	ssyncadd.s32 $0xFFFFF3C0  }
0x5c: {  	_ =	swait.ge [sflag:s30], $0xC40  }
0x5d: {  	[sflag:s30] =	ssyncset.done $0x0  }
0x5e: {  	[sflag:s30] =	ssyncadd.s32 $0xFFFFF3C0  }
0x5f: {  	_ =	swait.ge [sflag:s30], $0xC40  }
0x60: {  	[sflag:s30] =	ssyncset.done $0x0  }
0x61: {  	s3 =	rddreg [dreg:$0xc];
	[sflag:s30] =	ssyncadd.s32 $0xFFFFF3C0  }
0x62: {  	[tilespmem:s19], [sflag:$0x8] =	stream.linear.gather [hbm4b:s3+s4], $0xC40, $0x38;
	[tilespmem:$0x1F500] =	vst v63  }
0x63: {  	s10 =	rddreg [dreg:$0xd]  }
0x64: {  	[tilespmem:s20], [sflag:$0x8] =	stream.linear.gather [hbm4b:s10+s4], $0xC40, $0x38;
	[tilespmem:$0x1F500] =	vst v63  }
0x65: {  	s11 =	rddreg [dreg:$0xe]  }
0x66: {  	[tilespmem:s21], [sflag:$0x8] =	stream.linear.gather [hbm4b:s11+s4], $0xC40, $0x38;
	[tilespmem:$0x1F500] =	vst v63  }
0x67: {  	s31 =	rddreg [dreg:$0xf]  }
0x68: {  	[tilespmem:s23], [sflag:$0x8] =	stream.linear.gather [hbm4b:s31+s4], $0xC40, $0x38;
	[tilespmem:$0x1F500] =	vst v63  }
0x69: {  	s4 =	simm.s32 $0x0  }
0x6a: {  	s10 =	simm.s32 $0x40;
	v4 =	vld [tilespmem:s4+$0xC80]  }
.LBB2_6:
0x6b: {  	p1 =	sne.s32 s10, $0x30C0;
	v5 =	vld [tilespmem:s4+$0x0];
	_ =	sdelay $0x1  }
0x6c: {  	v6 =	vld [tilespmem:s4+$0x1900];
	_ =	sdelay $0x1  }
0x6d: {  	v7 =	vld [tilespmem:s4+$0x2580]  }
0x6e: {  	vm0 =	vgt.s32 v5, v4  }
0x6f: {  	v4 =	vsel vm0, v5, v4;
	v5 =	vld [tilespmem:s4+$0x3200]  }
0x70: {  	vm0 =	vgt.s32 v4, v6  }
0x71: {  	v4 =	vsel vm0, v4, v6  }
.Ltmp4:
0x72: {  	vm0 =	vgt.s32 v4, v7;
	(pc) =	sbr.rel @p1 .LBB2_6-.Ltmp4, $4  }
0x73: {  	v4 =	vsel vm0, v4, v7  }
0x74: {  	vm0 =	vgt.s32 v4, v5  }
0x75: {  	s11 =	sshra.s32 s10, $0x2;
	v5 =	vsel vm0, v4, v5  }
0x76: {  	s10 =	sadd.s32 $0x40, s10;
	v4 =	vld [tilespmem:s11+$0xC80];
	[tilespmem:s4+$0x0] =	vst v5;
	s4 =	smov.u32 s11  }
0x77: {  	v5 =	vld [tilespmem:s4+$0x0];
	_ =	sdelay $0x1  }
0x78: {  	v6 =	vld [tilespmem:s4+$0x1900];
	_ =	sdelay $0x1  }
0x79: {  	v7 =	vld [tilespmem:s4+$0x2580]  }
0x7a: {  	vm0 =	vgt.s32 v5, v4  }
0x7b: {  	v4 =	vsel vm0, v5, v4;
	v5 =	vld [tilespmem:s4+$0x3200]  }
0x7c: {  	vm0 =	vgt.s32 v4, v6  }
0x7d: {  	v4 =	vsel vm0, v4, v6  }
0x7e: {  	vm0 =	vgt.s32 v4, v7  }
0x7f: {  	v4 =	vsel vm0, v4, v7  }
0x80: {  	vm0 =	vgt.s32 v4, v5  }
0x81: {  	v4 =	vsel vm0, v4, v5  }
0x82: {  	[tilespmem:s4+$0x0] =	vst v4  }
0x83: {  	_ =	swait.ge [sflag:s22], $0xC40  }
0x84: {  	[sflag:s22] =	ssyncset.done $0x0  }
0x85: {  	[sflag:s22] =	ssyncadd.s32 $0xFFFFF3C0  }
0x86: {  	_ =	swait.ge [sflag:s22], $0xC40  }
0x87: {  	[sflag:s22] =	ssyncset.done $0x0  }
0x88: {  	[sflag:s22] =	ssyncadd.s32 $0xFFFFF3C0  }
0x89: {  	_ =	swait.ge [sflag:s22], $0xC40  }
0x8a: {  	[sflag:s22] =	ssyncset.done $0x0  }
0x8b: {  	[sflag:s22] =	ssyncadd.s32 $0xFFFFF3C0  }
0x8c: {  	_ =	swait.ge [sflag:s22], $0xC40  }
0x8d: {  	[sflag:s22] =	ssyncset.done $0x0  }
0x8e: {  	s3 =	simm.s32 $0x0;
	s0 =	rddreg [dreg:$0x11];
	[sflag:s22] =	ssyncadd.s32 $0xFFFFF3C0  }
0x8f: {  	[tilespmem:s13], [sflag:$0x3] =	stream.linear.gather [hbm4b:s0+s3], $0xC40, $0x38;
	[tilespmem:$0x1F500] =	vst v63  }
0x90: {  	s10 =	rddreg [dreg:$0x13]  }
0x91: {  	[tilespmem:s16], [sflag:$0x3] =	stream.linear.gather [hbm4b:s10+s3], $0xC40, $0x38;
	[tilespmem:$0x1F500] =	vst v63  }
0x92: {  	s11 =	rddreg [dreg:$0x14]  }
0x93: {  	[tilespmem:s17], [sflag:$0x3] =	stream.linear.gather [hbm4b:s11+s3], $0xC40, $0x38;
	[tilespmem:$0x1F500] =	vst v63  }
0x94: {  	s4 =	simm.s32 $0x0;
	s31 =	rddreg [dreg:$0x15]  }
0x95: {  	[tilespmem:s18], [sflag:$0x3] =	stream.linear.gather [hbm4b:s31+s3], $0xC40, $0x38;
	[tilespmem:$0x1F500] =	vst v63  }
0x96: {  	s10 =	simm.s32 $0x40;
	v4 =	vld [tilespmem:s4+$0x3E80]  }
.LBB2_8:
0x97: {  	p1 =	sne.s32 s10, $0x30C0;
	v5 =	vld [tilespmem:s4+$0x0];
	_ =	sdelay $0x1  }
0x98: {  	v6 =	vld [tilespmem:s4+$0x4B00];
	_ =	sdelay $0x1  }
0x99: {  	v7 =	vld [tilespmem:s4+$0x5780]  }
0x9a: {  	vm0 =	vgt.s32 v5, v4  }
0x9b: {  	v4 =	vsel vm0, v5, v4;
	v5 =	vld [tilespmem:s4+$0x6400]  }
0x9c: {  	vm0 =	vgt.s32 v4, v6  }
0x9d: {  	v4 =	vsel vm0, v4, v6  }
.Ltmp5:
0x9e: {  	vm0 =	vgt.s32 v4, v7;
	(pc) =	sbr.rel @p1 .LBB2_8-.Ltmp5, $4  }
0x9f: {  	v4 =	vsel vm0, v4, v7  }
0xa0: {  	vm0 =	vgt.s32 v4, v5  }
0xa1: {  	s11 =	sshra.s32 s10, $0x2;
	v5 =	vsel vm0, v4, v5  }
0xa2: {  	s10 =	sadd.s32 $0x40, s10;
	v4 =	vld [tilespmem:s11+$0x3E80];
	[tilespmem:s4+$0x0] =	vst v5;
	s4 =	smov.u32 s11  }
0xa3: {  	v5 =	vld [tilespmem:s4+$0x0];
	_ =	sdelay $0x1  }
0xa4: {  	v6 =	vld [tilespmem:s4+$0x4B00];
	_ =	sdelay $0x1  }
0xa5: {  	v7 =	vld [tilespmem:s4+$0x5780]  }
0xa6: {  	vm0 =	vgt.s32 v5, v4  }
0xa7: {  	v4 =	vsel vm0, v5, v4;
	v5 =	vld [tilespmem:s4+$0x6400]  }
0xa8: {  	vm0 =	vgt.s32 v4, v6  }
0xa9: {  	v4 =	vsel vm0, v4, v6  }
0xaa: {  	vm0 =	vgt.s32 v4, v7  }
0xab: {  	v4 =	vsel vm0, v4, v7  }
0xac: {  	vm0 =	vgt.s32 v4, v5  }
0xad: {  	v4 =	vsel vm0, v4, v5  }
0xae: {  	[tilespmem:s4+$0x0] =	vst v4  }
0xaf: {  	_ =	swait.ge [sflag:s30], $0xC40  }
0xb0: {  	[sflag:s30] =	ssyncset.done $0x0  }
0xb1: {  	[sflag:s30] =	ssyncadd.s32 $0xFFFFF3C0  }
0xb2: {  	_ =	swait.ge [sflag:s30], $0xC40  }
0xb3: {  	[sflag:s30] =	ssyncset.done $0x0  }
0xb4: {  	[sflag:s30] =	ssyncadd.s32 $0xFFFFF3C0  }
0xb5: {  	_ =	swait.ge [sflag:s30], $0xC40  }
0xb6: {  	[sflag:s30] =	ssyncset.done $0x0  }
0xb7: {  	[sflag:s30] =	ssyncadd.s32 $0xFFFFF3C0  }
0xb8: {  	_ =	swait.ge [sflag:s30], $0xC40  }
0xb9: {  	[sflag:s30] =	ssyncset.done $0x0  }
0xba: {  	s3 =	simm.s32 $0x0;
	s0 =	rddreg [dreg:$0x17];
	[sflag:s30] =	ssyncadd.s32 $0xFFFFF3C0  }
0xbb: {  	[tilespmem:s19], [sflag:$0x8] =	stream.linear.gather [hbm4b:s0+s3], $0xC40, $0x38;
	[tilespmem:$0x1F500] =	vst v63  }
0xbc: {  	s10 =	rddreg [dreg:$0x18]  }
0xbd: {  	[tilespmem:s20], [sflag:$0x8] =	stream.linear.gather [hbm4b:s10+s3], $0xC40, $0x38;
	[tilespmem:$0x1F500] =	vst v63  }
0xbe: {  	s11 =	rddreg [dreg:$0x19]  }
0xbf: {  	[tilespmem:s21], [sflag:$0x8] =	stream.linear.gather [hbm4b:s11+s3], $0xC40, $0x38;
	[tilespmem:$0x1F500] =	vst v63  }
0xc0: {  	s4 =	simm.s32 $0x0;
	s31 =	rddreg [dreg:$0x1a]  }
0xc1: {  	[tilespmem:s23], [sflag:$0x8] =	stream.linear.gather [hbm4b:s31+s3], $0xC40, $0x38;
	[tilespmem:$0x1F500] =	vst v63  }
0xc2: {  	s10 =	simm.s32 $0x40;
	v4 =	vld [tilespmem:s4+$0xC80]  }
.LBB2_10:
0xc3: {  	p1 =	sne.s32 s10, $0x30C0;
	v5 =	vld [tilespmem:s4+$0x0];
	_ =	sdelay $0x1  }
0xc4: {  	v6 =	vld [tilespmem:s4+$0x1900];
	_ =	sdelay $0x1  }
0xc5: {  	v7 =	vld [tilespmem:s4+$0x2580]  }
0xc6: {  	vm0 =	vgt.s32 v5, v4  }
0xc7: {  	v4 =	vsel vm0, v5, v4;
	v5 =	vld [tilespmem:s4+$0x3200]  }
0xc8: {  	vm0 =	vgt.s32 v4, v6  }
0xc9: {  	v4 =	vsel vm0, v4, v6  }
.Ltmp6:
0xca: {  	vm0 =	vgt.s32 v4, v7;
	(pc) =	sbr.rel @p1 .LBB2_10-.Ltmp6, $4  }
0xcb: {  	v4 =	vsel vm0, v4, v7  }
0xcc: {  	vm0 =	vgt.s32 v4, v5  }
0xcd: {  	s11 =	sshra.s32 s10, $0x2;
	v5 =	vsel vm0, v4, v5  }
0xce: {  	s10 =	sadd.s32 $0x40, s10;
	v4 =	vld [tilespmem:s11+$0xC80];
	[tilespmem:s4+$0x0] =	vst v5;
	s4 =	smov.u32 s11  }
0xcf: {  	v5 =	vld [tilespmem:s4+$0x0];
	_ =	sdelay $0x1  }
0xd0: {  	v6 =	vld [tilespmem:s4+$0x1900];
	_ =	sdelay $0x1  }
0xd1: {  	v7 =	vld [tilespmem:s4+$0x2580]  }
0xd2: {  	vm0 =	vgt.s32 v5, v4  }
0xd3: {  	v4 =	vsel vm0, v5, v4;
	v5 =	vld [tilespmem:s4+$0x3200]  }
0xd4: {  	vm0 =	vgt.s32 v4, v6  }
0xd5: {  	v4 =	vsel vm0, v4, v6  }
0xd6: {  	vm0 =	vgt.s32 v4, v7  }
0xd7: {  	v4 =	vsel vm0, v4, v7  }
0xd8: {  	vm0 =	vgt.s32 v4, v5  }
0xd9: {  	v4 =	vsel vm0, v4, v5  }
0xda: {  	[tilespmem:s4+$0x0] =	vst v4  }
0xdb: {  	_ =	swait.ge [sflag:s22], $0xC40  }
0xdc: {  	[sflag:s22] =	ssyncset.done $0x0  }
0xdd: {  	[sflag:s22] =	ssyncadd.s32 $0xFFFFF3C0  }
0xde: {  	_ =	swait.ge [sflag:s22], $0xC40  }
0xdf: {  	[sflag:s22] =	ssyncset.done $0x0  }
0xe0: {  	[sflag:s22] =	ssyncadd.s32 $0xFFFFF3C0  }
0xe1: {  	_ =	swait.ge [sflag:s22], $0xC40  }
0xe2: {  	[sflag:s22] =	ssyncset.done $0x0  }
0xe3: {  	[sflag:s22] =	ssyncadd.s32 $0xFFFFF3C0  }
0xe4: {  	_ =	swait.ge [sflag:s22], $0xC40  }
0xe5: {  	[sflag:s22] =	ssyncset.done $0x0  }
0xe6: {  	s3 =	simm.s32 $0x0;
	s0 =	rddreg [dreg:$0x1b];
	[sflag:s22] =	ssyncadd.s32 $0xFFFFF3C0  }
0xe7: {  	[tilespmem:s13], [sflag:$0x3] =	stream.linear.gather [hbm4b:s0+s3], $0xC40, $0x38;
	[tilespmem:$0x1F500] =	vst v63  }
0xe8: {  	s10 =	rddreg [dreg:$0x1c]  }
0xe9: {  	[tilespmem:s16], [sflag:$0x3] =	stream.linear.gather [hbm4b:s10+s3], $0xC40, $0x38;
	[tilespmem:$0x1F500] =	vst v63  }
0xea: {  	s11 =	rddreg [dreg:$0x1d]  }
0xeb: {  	[tilespmem:s17], [sflag:$0x3] =	stream.linear.gather [hbm4b:s11+s3], $0xC40, $0x38;
	[tilespmem:$0x1F500] =	vst v63  }
0xec: {  	s4 =	simm.s32 $0x0;
	s31 =	rddreg [dreg:$0x1e]  }
0xed: {  	[tilespmem:s18], [sflag:$0x3] =	stream.linear.gather [hbm4b:s31+s3], $0xC40, $0x38;
	[tilespmem:$0x1F500] =	vst v63  }
0xee: {  	s10 =	simm.s32 $0x40;
	v4 =	vld [tilespmem:s4+$0x3E80]  }
.LBB2_12:
0xef: {  	p1 =	sne.s32 s10, $0x30C0;
	v5 =	vld [tilespmem:s4+$0x0];
	_ =	sdelay $0x1  }
0xf0: {  	v6 =	vld [tilespmem:s4+$0x4B00];
	_ =	sdelay $0x1  }
0xf1: {  	v7 =	vld [tilespmem:s4+$0x5780]  }
0xf2: {  	vm0 =	vgt.s32 v5, v4  }
0xf3: {  	v4 =	vsel vm0, v5, v4;
	v5 =	vld [tilespmem:s4+$0x6400]  }
0xf4: {  	vm0 =	vgt.s32 v4, v6  }
0xf5: {  	v4 =	vsel vm0, v4, v6  }
.Ltmp7:
0xf6: {  	vm0 =	vgt.s32 v4, v7;
	(pc) =	sbr.rel @p1 .LBB2_12-.Ltmp7, $4  }
0xf7: {  	v4 =	vsel vm0, v4, v7  }
0xf8: {  	vm0 =	vgt.s32 v4, v5  }
0xf9: {  	s11 =	sshra.s32 s10, $0x2;
	v5 =	vsel vm0, v4, v5  }
0xfa: {  	s10 =	sadd.s32 $0x40, s10;
	v4 =	vld [tilespmem:s11+$0x3E80];
	[tilespmem:s4+$0x0] =	vst v5;
	s4 =	smov.u32 s11  }
0xfb: {  	v5 =	vld [tilespmem:s4+$0x0];
	_ =	sdelay $0x1  }
0xfc: {  	v6 =	vld [tilespmem:s4+$0x4B00];
	_ =	sdelay $0x1  }
0xfd: {  	v7 =	vld [tilespmem:s4+$0x5780]  }
0xfe: {  	vm0 =	vgt.s32 v5, v4  }
0xff: {  	v4 =	vsel vm0, v5, v4;
	v5 =	vld [tilespmem:s4+$0x6400]  }
0x100: {  	vm0 =	vgt.s32 v4, v6  }
0x101: {  	v4 =	vsel vm0, v4, v6  }
0x102: {  	vm0 =	vgt.s32 v4, v7  }
0x103: {  	v4 =	vsel vm0, v4, v7  }
0x104: {  	vm0 =	vgt.s32 v4, v5  }
0x105: {  	v4 =	vsel vm0, v4, v5  }
0x106: {  	[tilespmem:s4+$0x0] =	vst v4  }
0x107: {  	_ =	swait.ge [sflag:s30], $0xC40  }
0x108: {  	[sflag:s30] =	ssyncset.done $0x0  }
0x109: {  	[sflag:s30] =	ssyncadd.s32 $0xFFFFF3C0  }
0x10a: {  	_ =	swait.ge [sflag:s30], $0xC40  }
0x10b: {  	[sflag:s30] =	ssyncset.done $0x0  }
0x10c: {  	[sflag:s30] =	ssyncadd.s32 $0xFFFFF3C0  }
0x10d: {  	_ =	swait.ge [sflag:s30], $0xC40  }
0x10e: {  	[sflag:s30] =	ssyncset.done $0x0  }
0x10f: {  	[sflag:s30] =	ssyncadd.s32 $0xFFFFF3C0  }
0x110: {  	_ =	swait.ge [sflag:s30], $0xC40  }
0x111: {  	[sflag:s30] =	ssyncset.done $0x0;
	s0 =	rddreg [dreg:$0x1f]  }
0x112: {  	s3 =	simm.s32 $0x0;
	s10 =	sld [smem:$0x7EF];
	[sflag:s30] =	ssyncadd.s32 $0xFFFFF3C0  }
0x113: {  	[tilespmem:s19], [sflag:$0x8] =	stream.linear.gather [hbm4b:s0+s3], $0xC40, $0x38;
	[tilespmem:$0x1F500] =	vst v63  }
0x114: {  	s11 =	sld [smem:$0x7F0]  }
0x115: {  	[tilespmem:s20], [sflag:$0x8] =	stream.linear.gather [hbm4b:s10+s3], $0xC40, $0x38;
	[tilespmem:$0x1F500] =	vst v63  }
0x116: {  	s31 =	sld [smem:$0x7F1]  }
0x117: {  	[tilespmem:s21], [sflag:$0x8] =	stream.linear.gather [hbm4b:s11+s3], $0xC40, $0x38;
	[tilespmem:$0x1F500] =	vst v63  }
0x118: {  	s4 =	simm.s32 $0x0  }
0x119: {  	[tilespmem:s23], [sflag:$0x8] =	stream.linear.gather [hbm4b:s31+s3], $0xC40, $0x38;
	[tilespmem:$0x1F500] =	vst v63  }
0x11a: {  	s10 =	simm.s32 $0x40;
	v4 =	vld [tilespmem:s4+$0xC80]  }
.LBB2_14:
0x11b: {  	p1 =	sne.s32 s10, $0x30C0;
	v5 =	vld [tilespmem:s4+$0x0];
	_ =	sdelay $0x1  }
0x11c: {  	v6 =	vld [tilespmem:s4+$0x1900];
	_ =	sdelay $0x1  }
0x11d: {  	v7 =	vld [tilespmem:s4+$0x2580]  }
0x11e: {  	vm0 =	vgt.s32 v5, v4  }
0x11f: {  	v4 =	vsel vm0, v5, v4;
	v5 =	vld [tilespmem:s4+$0x3200]  }
0x120: {  	vm0 =	vgt.s32 v4, v6  }
0x121: {  	v4 =	vsel vm0, v4, v6  }
.Ltmp8:
0x122: {  	vm0 =	vgt.s32 v4, v7;
	(pc) =	sbr.rel @p1 .LBB2_14-.Ltmp8, $4  }
0x123: {  	v4 =	vsel vm0, v4, v7  }
0x124: {  	vm0 =	vgt.s32 v4, v5  }
0x125: {  	s11 =	sshra.s32 s10, $0x2;
	v5 =	vsel vm0, v4, v5  }
0x126: {  	s10 =	sadd.s32 $0x40, s10;
	v4 =	vld [tilespmem:s11+$0xC80];
	[tilespmem:s4+$0x0] =	vst v5;
	s4 =	smov.u32 s11  }
0x127: {  	v5 =	vld [tilespmem:s4+$0x0];
	_ =	sdelay $0x1  }
0x128: {  	v6 =	vld [tilespmem:s4+$0x1900];
	_ =	sdelay $0x1  }
0x129: {  	v7 =	vld [tilespmem:s4+$0x2580]  }
0x12a: {  	vm0 =	vgt.s32 v5, v4  }
0x12b: {  	v4 =	vsel vm0, v5, v4;
	v5 =	vld [tilespmem:s4+$0x3200]  }
0x12c: {  	vm0 =	vgt.s32 v4, v6  }
0x12d: {  	v4 =	vsel vm0, v4, v6  }
0x12e: {  	vm0 =	vgt.s32 v4, v7  }
0x12f: {  	v4 =	vsel vm0, v4, v7  }
0x130: {  	vm0 =	vgt.s32 v4, v5  }
0x131: {  	v4 =	vsel vm0, v4, v5  }
0x132: {  	[tilespmem:s4+$0x0] =	vst v4  }
0x133: {  	_ =	swait.ge [sflag:s22], $0xC40  }
0x134: {  	[sflag:s22] =	ssyncset.done $0x0  }
0x135: {  	[sflag:s22] =	ssyncadd.s32 $0xFFFFF3C0  }
0x136: {  	_ =	swait.ge [sflag:s22], $0xC40  }
0x137: {  	[sflag:s22] =	ssyncset.done $0x0  }
0x138: {  	[sflag:s22] =	ssyncadd.s32 $0xFFFFF3C0  }
0x139: {  	_ =	swait.ge [sflag:s22], $0xC40  }
0x13a: {  	[sflag:s22] =	ssyncset.done $0x0  }
0x13b: {  	[sflag:s22] =	ssyncadd.s32 $0xFFFFF3C0  }
0x13c: {  	_ =	swait.ge [sflag:s22], $0xC40  }
0x13d: {  	s0 =	sld [smem:$0x7F2]  }
0x13e: {  	[sflag:s22] =	ssyncset.done $0x0  }
0x13f: {  	s11 =	simm.s32 $0x0;
	[sflag:s22] =	ssyncadd.s32 $0xFFFFF3C0  }
0x140: {  	[tilespmem:s13], [sflag:$0x3] =	stream.linear.gather [hbm4b:s0+s11], $0xC40, $0x38;
	[tilespmem:$0x1F500] =	vst v63  }
0x141: {  	s13 =	sld [smem:$0x7F3];
	_ =	sdelay $0x2  }
0x142: {  	[tilespmem:s16], [sflag:$0x3] =	stream.linear.gather [hbm4b:s13+s11], $0xC40, $0x38;
	[tilespmem:$0x1F500] =	vst v63  }
0x143: {  	s16 =	sld [smem:$0x7F4];
	_ =	sdelay $0x1  }
0x144: {  	s31 =	sld [smem:$0x7F5]  }
0x145: {  	[tilespmem:s17], [sflag:$0x3] =	stream.linear.gather [hbm4b:s16+s11], $0xC40, $0x38;
	[tilespmem:$0x1F500] =	vst v63  }
0x146: {  	s4 =	simm.s32 $0x0  }
0x147: {  	[tilespmem:s18], [sflag:$0x3] =	stream.linear.gather [hbm4b:s31+s11], $0xC40, $0x38;
	[tilespmem:$0x1F500] =	vst v63  }
0x148: {  	s10 =	simm.s32 $0x40;
	v4 =	vld [tilespmem:s4+$0x3E80]  }
.LBB2_16:
0x149: {  	p1 =	sne.s32 s10, $0x30C0;
	v5 =	vld [tilespmem:s4+$0x0];
	_ =	sdelay $0x1  }
0x14a: {  	v6 =	vld [tilespmem:s4+$0x4B00];
	_ =	sdelay $0x1  }
0x14b: {  	v7 =	vld [tilespmem:s4+$0x5780]  }
0x14c: {  	vm0 =	vgt.s32 v5, v4  }
0x14d: {  	v4 =	vsel vm0, v5, v4;
	v5 =	vld [tilespmem:s4+$0x6400]  }
0x14e: {  	vm0 =	vgt.s32 v4, v6  }
0x14f: {  	v4 =	vsel vm0, v4, v6  }
.Ltmp9:
0x150: {  	vm0 =	vgt.s32 v4, v7;
	(pc) =	sbr.rel @p1 .LBB2_16-.Ltmp9, $4  }
0x151: {  	v4 =	vsel vm0, v4, v7  }
0x152: {  	vm0 =	vgt.s32 v4, v5  }
0x153: {  	s11 =	sshra.s32 s10, $0x2;
	v5 =	vsel vm0, v4, v5  }
0x154: {  	s10 =	sadd.s32 $0x40, s10;
	v4 =	vld [tilespmem:s11+$0x3E80];
	[tilespmem:s4+$0x0] =	vst v5;
	s4 =	smov.u32 s11  }
0x155: {  	v5 =	vld [tilespmem:s4+$0x0];
	_ =	sdelay $0x1  }
0x156: {  	v6 =	vld [tilespmem:s4+$0x4B00];
	_ =	sdelay $0x1  }
0x157: {  	v7 =	vld [tilespmem:s4+$0x5780]  }
0x158: {  	vm0 =	vgt.s32 v5, v4  }
0x159: {  	v4 =	vsel vm0, v5, v4;
	v5 =	vld [tilespmem:s4+$0x6400]  }
0x15a: {  	vm0 =	vgt.s32 v4, v6  }
0x15b: {  	v4 =	vsel vm0, v4, v6  }
0x15c: {  	vm0 =	vgt.s32 v4, v7  }
0x15d: {  	v4 =	vsel vm0, v4, v7  }
0x15e: {  	vm0 =	vgt.s32 v4, v5  }
0x15f: {  	v4 =	vsel vm0, v4, v5  }
0x160: {  	[tilespmem:s4+$0x0] =	vst v4  }
0x161: {  	_ =	swait.ge [sflag:s30], $0xC40  }
0x162: {  	[sflag:s30] =	ssyncset.done $0x0  }
0x163: {  	[sflag:s30] =	ssyncadd.s32 $0xFFFFF3C0  }
0x164: {  	_ =	swait.ge [sflag:s30], $0xC40  }
0x165: {  	[sflag:s30] =	ssyncset.done $0x0  }
0x166: {  	[sflag:s30] =	ssyncadd.s32 $0xFFFFF3C0  }
0x167: {  	_ =	swait.ge [sflag:s30], $0xC40  }
0x168: {  	[sflag:s30] =	ssyncset.done $0x0  }
0x169: {  	[sflag:s30] =	ssyncadd.s32 $0xFFFFF3C0  }
0x16a: {  	_ =	swait.ge [sflag:s30], $0xC40  }
0x16b: {  	s0 =	sld [smem:$0x7F6]  }
0x16c: {  	[sflag:s30] =	ssyncset.done $0x0  }
0x16d: {  	s18 =	simm.s32 $0x0;
	[sflag:s30] =	ssyncadd.s32 $0xFFFFF3C0  }
0x16e: {  	[tilespmem:s19], [sflag:$0x8] =	stream.linear.gather [hbm4b:s0+s18], $0xC40, $0x38;
	[tilespmem:$0x1F500] =	vst v63  }
0x16f: {  	s19 =	sld [smem:$0x7F7];
	_ =	sdelay $0x2  }
0x170: {  	[tilespmem:s20], [sflag:$0x8] =	stream.linear.gather [hbm4b:s19+s18], $0xC40, $0x38;
	[tilespmem:$0x1F500] =	vst v63  }
0x171: {  	s20 =	sld [smem:$0x7F8];
	_ =	sdelay $0x1  }
0x172: {  	s31 =	sld [smem:$0x7F9]  }
0x173: {  	[tilespmem:s21], [sflag:$0x8] =	stream.linear.gather [hbm4b:s20+s18], $0xC40, $0x38;
	[tilespmem:$0x1F500] =	vst v63  }
0x174: {  	s4 =	simm.s32 $0x0  }
0x175: {  	[tilespmem:s23], [sflag:$0x8] =	stream.linear.gather [hbm4b:s31+s18], $0xC40, $0x38;
	[tilespmem:$0x1F500] =	vst v63  }
0x176: {  	s10 =	simm.s32 $0x40;
	v4 =	vld [tilespmem:s4+$0xC80]  }
.LBB2_18:
0x177: {  	p1 =	sne.s32 s10, $0x30C0;
	v5 =	vld [tilespmem:s4+$0x0];
	_ =	sdelay $0x1  }
0x178: {  	v6 =	vld [tilespmem:s4+$0x1900];
	_ =	sdelay $0x1  }
0x179: {  	v7 =	vld [tilespmem:s4+$0x2580]  }
0x17a: {  	vm0 =	vgt.s32 v5, v4  }
0x17b: {  	v4 =	vsel vm0, v5, v4;
	v5 =	vld [tilespmem:s4+$0x3200]  }
0x17c: {  	vm0 =	vgt.s32 v4, v6  }
0x17d: {  	v4 =	vsel vm0, v4, v6  }
.Ltmp10:
0x17e: {  	vm0 =	vgt.s32 v4, v7;
	(pc) =	sbr.rel @p1 .LBB2_18-.Ltmp10, $4  }
0x17f: {  	v4 =	vsel vm0, v4, v7  }
0x180: {  	vm0 =	vgt.s32 v4, v5  }
0x181: {  	s11 =	sshra.s32 s10, $0x2;
	v5 =	vsel vm0, v4, v5  }
0x182: {  	s10 =	sadd.s32 $0x40, s10;
	v4 =	vld [tilespmem:s11+$0xC80];
	[tilespmem:s4+$0x0] =	vst v5;
	s4 =	smov.u32 s11  }
0x183: {  	v5 =	vld [tilespmem:s4+$0x0];
	_ =	sdelay $0x1  }
0x184: {  	v6 =	vld [tilespmem:s4+$0x1900];
	_ =	sdelay $0x1  }
0x185: {  	v7 =	vld [tilespmem:s4+$0x2580]  }
0x186: {  	vm0 =	vgt.s32 v5, v4  }
0x187: {  	v4 =	vsel vm0, v5, v4;
	v5 =	vld [tilespmem:s4+$0x3200]  }
0x188: {  	vm0 =	vgt.s32 v4, v6  }
0x189: {  	v4 =	vsel vm0, v4, v6  }
0x18a: {  	vm0 =	vgt.s32 v4, v7  }
0x18b: {  	v4 =	vsel vm0, v4, v7  }
0x18c: {  	vm0 =	vgt.s32 v4, v5  }
0x18d: {  	v4 =	vsel vm0, v4, v5  }
0x18e: {  	[tilespmem:s4+$0x0] =	vst v4  }
0x18f: {  	_ =	swait.ge [sflag:s22], $0xC40  }
0x190: {  	[sflag:s22] =	ssyncset.done $0x0  }
0x191: {  	[sflag:s22] =	ssyncadd.s32 $0xFFFFF3C0  }
0x192: {  	_ =	swait.ge [sflag:s22], $0xC40  }
0x193: {  	[sflag:s22] =	ssyncset.done $0x0  }
0x194: {  	[sflag:s22] =	ssyncadd.s32 $0xFFFFF3C0  }
0x195: {  	_ =	swait.ge [sflag:s22], $0xC40  }
0x196: {  	[sflag:s22] =	ssyncset.done $0x0  }
0x197: {  	[sflag:s22] =	ssyncadd.s32 $0xFFFFF3C0  }
0x198: {  	_ =	swait.ge [sflag:s22], $0xC40  }
0x199: {  	[sflag:s22] =	ssyncset.done $0x0  }
0x19a: {  	s4 =	simm.s32 $0x0;
	[sflag:s22] =	ssyncadd.s32 $0xFFFFF3C0  }
0x19b: {  	s10 =	simm.s32 $0x40;
	v4 =	vld [tilespmem:s4+$0x3E80]  }
.LBB2_20:
0x19c: {  	p1 =	sne.s32 s10, $0x30C0;
	v5 =	vld [tilespmem:s4+$0x0];
	_ =	sdelay $0x1  }
0x19d: {  	v6 =	vld [tilespmem:s4+$0x4B00];
	_ =	sdelay $0x1  }
0x19e: {  	v7 =	vld [tilespmem:s4+$0x5780]  }
0x19f: {  	vm0 =	vgt.s32 v5, v4  }
0x1a0: {  	v4 =	vsel vm0, v5, v4;
	v5 =	vld [tilespmem:s4+$0x6400]  }
0x1a1: {  	vm0 =	vgt.s32 v4, v6  }
0x1a2: {  	v4 =	vsel vm0, v4, v6  }
.Ltmp11:
0x1a3: {  	vm0 =	vgt.s32 v4, v7;
	(pc) =	sbr.rel @p1 .LBB2_20-.Ltmp11, $4  }
0x1a4: {  	v4 =	vsel vm0, v4, v7  }
0x1a5: {  	vm0 =	vgt.s32 v4, v5  }
0x1a6: {  	s11 =	sshra.s32 s10, $0x2;
	v5 =	vsel vm0, v4, v5  }
0x1a7: {  	s10 =	sadd.s32 $0x40, s10;
	v4 =	vld [tilespmem:s11+$0x3E80];
	[tilespmem:s4+$0x0] =	vst v5;
	s4 =	smov.u32 s11  }
0x1a8: {  	v5 =	vld [tilespmem:s4+$0x0];
	_ =	sdelay $0x1  }
0x1a9: {  	v6 =	vld [tilespmem:s4+$0x4B00];
	_ =	sdelay $0x1  }
0x1aa: {  	v7 =	vld [tilespmem:s4+$0x5780]  }
0x1ab: {  	vm0 =	vgt.s32 v5, v4  }
0x1ac: {  	v4 =	vsel vm0, v5, v4;
	v5 =	vld [tilespmem:s4+$0x6400]  }
0x1ad: {  	vm0 =	vgt.s32 v4, v6  }
0x1ae: {  	v4 =	vsel vm0, v4, v6  }
0x1af: {  	vm0 =	vgt.s32 v4, v7  }
0x1b0: {  	v4 =	vsel vm0, v4, v7  }
0x1b1: {  	vm0 =	vgt.s32 v4, v5  }
0x1b2: {  	v4 =	vsel vm0, v4, v5  }
0x1b3: {  	[tilespmem:s4+$0x0] =	vst v4  }
0x1b4: {  	s31 =	simm.s32 $0x0;
	v4 =	vld [tilespmem:$0x7080]  }
0x1b5: {  	v5 =	vld [tilespmem:s31+$0x0];
	_ =	sdelay $0x2  }
0x1b6: {  	s11 =	rddreg [dreg:$0x12]  }
0x1b7: {  	v6 =	vor.u32 s11, v3  }
0x1b8: {  	vm14 =	vgt.s32 v5, $0xFFFFFFFF;
	vm1 =	vlt.s32 v6, v4  }
0x1b9: {  	v7 =	vmov s11;
	vm0 =	vmand vm1, vm14  }
0x1ba: {  	vm15 =	vlt.u32 v7, $0x186A0;
	vm2 =	vmneg vm0  }
0x1bb: {  	vm1 =	vmand vm15, vm2  }
0x1bc: {  	v7 =	vmpcnt.ones.xlane vm1;
	_ =	sdelay $0x1  }
0x1bd: {  	v7 =	vxor.u32 $0x80000000, v7  }
0x1be: {  	(xrf0) =	vmax.scan.msk.u32 $0xffff, v7;
	_ =	sdelay $0x2  }
0x1bf: {  	v5 =	vsel vm0, v5, v6  }
0x1c0: {  	[tilespmem:s31+$0x7100] =	vst v5;
	v7 =	vsel vm0, $0x1, v1  }
0x1c1: {  	s10 =	simm.s32 $0x0;
	[tilespmem:s31+$0x7E00] =	vst v7  }
0x1c2: {  	s13 =	simm.s32 $0x80;
	s4 =	simm.s32 $0x10;
	[tilespmem:s10+$0x8B00] =	vst.msk vm1, v6;
	v5, _, _ =	vpop (xrf0)  }
.LBB2_22:
0x1c3: {  	p1 =	sne.s32 s13, $0x7C0;
	v6 =	vld [tilespmem:s4+$0x0];
	(v2sf) =	vpush v5, $0xF;
	_ =	sdelay $0x2  }
0x1c4: {  	s11 =	sadd.s32 $0x10, s11  }
0x1c5: {  	v5 =	vor.u32 s11, v3  }
0x1c6: {  	v7 =	vmov s11;
	vm1 =	vlt.s32 v5, v4;
	vm0 =	vgt.s32 v6, $0xFFFFFFFF  }
0x1c7: {  	vm0 =	vmand vm1, vm0;
	vm1 =	vlt.u32 v7, $0x186A0  }
0x1c8: {  	v6 =	vsel vm0, v6, v5;
	v7 =	vsel vm0, $0x1, v1;
	vm0 =	vmneg vm0  }
0x1c9: {  	vm0 =	vmand vm1, vm0  }
0x1ca: {  	v8 =	vmpcnt.ones.xlane vm0;
	_ =	sdelay $0x1  }
0x1cb: {  	v8 =	vxor.u32 $0x80000000, v8  }
0x1cc: {  	(xrf0) =	vmax.scan.msk.u32 $0xffff, v8;
	_ =	sdelay $0x1  }
.Ltmp12:
0x1cd: {  	(pc) =	sbr.rel @p1 .LBB2_22-.Ltmp12, $4  }
0x1ce: {  	s16 =	spop (v2sf)  }
0x1cf: {  	[tilespmem:s4+$0x7100] =	vst v6;
	s10 =	sadd.s32 s16, s10  }
0x1d0: {  	[tilespmem:s4+$0x7E00] =	vst v7;
	s10 =	sadd.s32 $0x80000000, s10  }
0x1d1: {  	s4 =	sshra.s32 s13, $0x2;
	s13 =	sadd.s32 $0x40, s13;
	[tilespmem:s10+$0x8B00] =	vst.msk vm0, v5;
	v5, _, _ =	vpop (xrf0)  }
0x1d2: {  	(v2sf) =	vpush v5, $0xF;
	_ =	sdelay $0x5  }
0x1d3: {  	v5 =	vld [tilespmem:s4+$0x0];
	_ =	sdelay $0x2  }
0x1d4: {  	s11 =	sadd.s32 $0x10, s11  }
0x1d5: {  	v6 =	vor.u32 s11, v3  }
0x1d6: {  	vm1 =	vlt.s32 v6, v4;
	vm0 =	vgt.s32 v5, $0xFFFFFFFF  }
0x1d7: {  	v7 =	vmov s11;
	vm0 =	vmand vm1, vm0  }
0x1d8: {  	vm10 =	vlt.u32 v7, $0x186A0;
	vm2 =	vmneg vm0  }
0x1d9: {  	v5 =	vsel vm0, v5, v6;
	vm11 =	vmand vm10, vm2  }
0x1da: {  	[tilespmem:s4+$0x7100] =	vst v5;
	v5 =	vmpcnt.ones.xlane vm11;
	s18 =	spop (v2sf)  }
0x1db: {  	v7 =	vsel vm0, $0x1, v1;
	s10 =	sadd.s32 s18, s10  }
0x1dc: {  	[tilespmem:s4+$0x7E00] =	vst v7;
	v5 =	vxor.u32 $0x80000000, v5;
	s19 =	sadd.s32 $0x80000000, s10  }
0x1dd: {  	(xrf0) =	vmax.scan.msk.u32 $0xffff, v5;
	[tilespmem:s19+$0x8B00] =	vst.msk vm11, v6  }
0x1de: {  	[tilespmem:s9], [sflag:$0x1] =	stream.indirect.gather [hbm4b:s1+s7], $0x80, s25, s7, $0xb8;
	[tilespmem:$0x1F500] =	vst v63  }
0x1df: {  	s0 =	simm.s32 $0xF500  }
0x1e0: {  	[tilespmem:s0], [sflag:$0x1] =	stream.indirect.gather [hbm4b:s1+s7], $0x80, s26, s7, $0xb8;
	[tilespmem:$0x1F500] =	vst v63  }
0x1e1: {  	s20 =	simm.s32 $0x13500  }
0x1e2: {  	[tilespmem:s20], [sflag:$0x1] =	stream.indirect.gather [hbm4b:s1+s7], $0x80, s28, s7, $0xb8;
	[tilespmem:$0x1F500] =	vst v63  }
0x1e3: {  	s21 =	simm.s32 $0x17500;
	s23 =	simm.s32 $0x200  }
0x1e4: {  	v5, _, _ =	vpop (xrf0);
	[tilespmem:s21], [sflag:$0x1] =	stream.indirect.gather [hbm4b:s1+s7], $0x80, s29, s7, $0xb8;
	[tilespmem:$0x1F500] =	vst v63  }
0x1e5: {  	(v2sf) =	vpush v5, $0xF;
	v5 =	vld [tilespmem:s23+$0x0]  }
0x1e6: {  	s13 =	sld [smem:$0x7FD];
	_ =	sdelay $0x2  }
0x1e7: {  	v6 =	vor.u32 s13, v3  }
0x1e8: {  	vm13 =	vlt.s32 v6, v4;
	vm12 =	vgt.s32 v5, $0xFFFFFFFF  }
0x1e9: {  	v7 =	vmov s13;
	vm0 =	vmand vm13, vm12  }
0x1ea: {  	vm14 =	vlt.u32 v7, $0x186A0;
	vm15 =	vmneg vm0  }
0x1eb: {  	vm1 =	vmand vm14, vm15  }
0x1ec: {  	v7 =	vmpcnt.ones.xlane vm1;
	_ =	sdelay $0x1  }
0x1ed: {  	v7 =	vxor.u32 $0x80000000, v7  }
0x1ee: {  	(xrf0) =	vmax.scan.msk.u32 $0xffff, v7;
	_ =	sdelay $0x2  }
0x1ef: {  	v5 =	vsel vm0, v5, v6;
	s31 =	spop (v2sf)  }
0x1f0: {  	[tilespmem:s23+$0x7100] =	vst v5;
	s4 =	sadd.s32 s31, s19;
	v7 =	vsel vm0, $0x1, v1  }
0x1f1: {  	s4 =	sadd.s32 $0x80000000, s4;
	[tilespmem:s23+$0x7E00] =	vst v7  }
0x1f2: {  	s11 =	simm.s32 $0x880;
	s10 =	simm.s32 $0x210;
	[tilespmem:s4+$0x8B00] =	vst.msk vm1, v6;
	v5, _, _ =	vpop (xrf0)  }
.LBB2_24:
0x1f3: {  	p1 =	sne.s32 s11, $0x30C0;
	v6 =	vld [tilespmem:s10+$0x0];
	(v2sf) =	vpush v5, $0xF;
	_ =	sdelay $0x2  }
0x1f4: {  	s13 =	sadd.s32 $0x10, s13  }
0x1f5: {  	v5 =	vor.u32 s13, v3  }
0x1f6: {  	v7 =	vmov s13;
	vm1 =	vlt.s32 v5, v4;
	vm0 =	vgt.s32 v6, $0xFFFFFFFF  }
0x1f7: {  	vm0 =	vmand vm1, vm0;
	vm1 =	vlt.u32 v7, $0x186A0  }
0x1f8: {  	v6 =	vsel vm0, v6, v5;
	v7 =	vsel vm0, $0x1, v1;
	vm0 =	vmneg vm0  }
0x1f9: {  	vm0 =	vmand vm1, vm0  }
0x1fa: {  	v8 =	vmpcnt.ones.xlane vm0;
	_ =	sdelay $0x1  }
0x1fb: {  	v8 =	vxor.u32 $0x80000000, v8  }
0x1fc: {  	(xrf0) =	vmax.scan.msk.u32 $0xffff, v8;
	_ =	sdelay $0x1  }
.Ltmp13:
0x1fd: {  	(pc) =	sbr.rel @p1 .LBB2_24-.Ltmp13, $4  }
0x1fe: {  	s16 =	spop (v2sf)  }
0x1ff: {  	[tilespmem:s10+$0x7100] =	vst v6;
	s4 =	sadd.s32 s16, s4  }
0x200: {  	[tilespmem:s10+$0x7E00] =	vst v7;
	s4 =	sadd.s32 $0x80000000, s4  }
0x201: {  	s10 =	sshra.s32 s11, $0x2;
	s11 =	sadd.s32 $0x40, s11;
	[tilespmem:s4+$0x8B00] =	vst.msk vm0, v5;
	v5, _, _ =	vpop (xrf0)  }
0x202: {  	v6 =	vld [tilespmem:s10+$0x0];
	_ =	sdelay $0x2  }
0x203: {  	s11 =	sadd.s32 $0x10, s13  }
0x204: {  	v7 =	vor.u32 s11, v3  }
0x205: {  	vm1 =	vlt.s32 v7, v4;
	vm0 =	vgt.s32 v6, $0xFFFFFFFF  }
0x206: {  	v4 =	vmov s11;
	vm0 =	vmand vm1, vm0  }
0x207: {  	vm15 =	vlt.u32 v4, $0x186A0;
	vm2 =	vmneg vm0  }
0x208: {  	vm1 =	vmand vm15, vm2  }
0x209: {  	v4 =	vmpcnt.ones.xlane vm1;
	_ =	sdelay $0x1  }
0x20a: {  	v4 =	vxor.u32 $0x80000000, v4  }
0x20b: {  	(xrf0) =	vmax.scan.msk.u32 $0xffff, v4;
	_ =	sdelay $0x4  }
0x20c: {  	(v2sf) =	vpush v5, $0xF  }
0x20d: {  	v4, _, _ =	vpop (xrf0)  }
0x20e: {  	(v2sf) =	vpush v4, $0xF;
	_ =	sdelay $0xc  }
0x20f: {  	s23 =	spop (v2sf)  }
0x210: {  	s4 =	sadd.s32 s23, s4  }
0x211: {  	s4 =	sadd.s32 $0x80000000, s4;
	s31 =	spop (v2sf)  }
0x212: {  	s11 =	sadd.s32 s31, s4  }
0x213: {  	s17 =	sadd.s32 $0x80000000, s11  }
0x214: {  	s11 =	sadd.s32 $0xFFFFFFFF, s17  }
0x215: {  	p1 =	sgt.s32 s11, $0x0  }
0x216: {  	s11 =	simm.s32 @!p1 $0x0  }
0x217: {  	v4 =	vmov s11  }
0x218: {  	v4 =	vbroadcast v4, $0x0;
	_ =	sdelay $0x1  }
0x219: {  	v5 =	vsel vm0, v6, v7  }
0x21a: {  	v6 =	vsel vm0, $0x1, v1;
	[tilespmem:s10+$0x7100] =	vst v5  }
0x21b: {  	[tilespmem:s10+$0x7E00] =	vst v6  }
0x21c: {  	s0 =	simm.s32 $0x8B00;
	[tilespmem:s4+$0x8B00] =	vst.msk vm1, v7  }
0x21d: {  	v4 =	vld.idx.msk [tilespmem:v4+s0+$0x0], $0xffff;
	_ =	sdelay $0x4  }
0x21e: {  	[tilespmem:s17+$0x8B00] =	vst v4  }
0x21f: {  	[tilespmem:s17+$0x8B10] =	vst v4  }
0x220: {  	[tilespmem:s17+$0x8B20] =	vst v4  }
0x221: {  	[tilespmem:s17+$0x8B30] =	vst v4  }
0x222: {  	[tilespmem:s17+$0x8B40] =	vst v4  }
0x223: {  	[tilespmem:s17+$0x8B50] =	vst v4  }
0x224: {  	[tilespmem:s17+$0x8B60] =	vst v4  }
0x225: {  	s4 =	simm.s32 $0x0;
	[tilespmem:s17+$0x8B70] =	vst v4  }
0x226: {  	v7 =	vld [tilespmem:s4+$0x8B70]  }
0x227: {  	v8 =	vld [tilespmem:s4+$0x8B00]  }
0x228: {  	v9 =	vld [tilespmem:s4+$0x8B10]  }
0x229: {  	v6 =	vld [tilespmem:s4+$0x8B20]  }
0x22a: {  	v4 =	vld [tilespmem:s4+$0x8B30]  }
0x22b: {  	v5 =	vld [tilespmem:s4+$0x8B40];
	[tilespmem:s4+$0x9870] =	vst v7  }
0x22c: {  	[tilespmem:s4+$0x9800] =	vst v8;
	v7 =	vld [tilespmem:s4+$0x8B50]  }
0x22d: {  	s10 =	simm.s32 $0x80;
	s11 =	simm.s32 $0x400;
	[tilespmem:s4+$0x9810] =	vst v9;
	v8 =	vld [tilespmem:s4+$0x8B60]  }
.LBB2_26:
0x22e: {  	p1 =	sne.s32 s11, $0x3200;
	v9 =	vld [tilespmem:s10+$0x8B70];
	[tilespmem:s4+$0x9820] =	vst v6  }
0x22f: {  	v10 =	vld [tilespmem:s10+$0x8B00];
	[tilespmem:s4+$0x9830] =	vst v4  }
0x230: {  	v11 =	vld [tilespmem:s10+$0x8B10];
	[tilespmem:s4+$0x9840] =	vst v5  }
.Ltmp14:
0x231: {  	v6 =	vld [tilespmem:s10+$0x8B20];
	[tilespmem:s4+$0x9850] =	vst v7;
	(pc) =	sbr.rel @p1 .LBB2_26-.Ltmp14, $4  }
0x232: {  	v4 =	vld [tilespmem:s10+$0x8B30];
	[tilespmem:s4+$0x9860] =	vst v8;
	s4 =	smov.u32 s10  }
0x233: {  	v5 =	vld [tilespmem:s4+$0x8B40];
	[tilespmem:s4+$0x9870] =	vst v9  }
0x234: {  	[tilespmem:s4+$0x9800] =	vst v10;
	v7 =	vld [tilespmem:s4+$0x8B50]  }
0x235: {  	s10 =	sshra.s32 s11, $0x2;
	s11 =	sadd.s32 $0x200, s11;
	[tilespmem:s4+$0x9810] =	vst v11;
	v8 =	vld [tilespmem:s4+$0x8B60]  }
0x236: {  	v9 =	vld [tilespmem:s10+$0x8B70];
	[tilespmem:s4+$0x9820] =	vst v6  }
0x237: {  	v6 =	vld [tilespmem:s10+$0x8B00];
	[tilespmem:s4+$0x9830] =	vst v4  }
0x238: {  	v4 =	vld [tilespmem:s10+$0x8B10];
	[tilespmem:s4+$0x9840] =	vst v5  }
0x239: {  	v5 =	vld [tilespmem:s10+$0x8B20];
	[tilespmem:s4+$0x9850] =	vst v7  }
0x23a: {  	v7 =	vld [tilespmem:s10+$0x8B30];
	[tilespmem:s4+$0x9860] =	vst v8  }
0x23b: {  	v8 =	vld [tilespmem:s10+$0x8B40];
	[tilespmem:s10+$0x9870] =	vst v9  }
0x23c: {  	v63 =	vld [tilespmem:s10+$0x8B50];
	[tilespmem:s10+$0x9800] =	vst v6  }
0x23d: {  	[tilespmem:s10+$0x9810] =	vst v4;
	v4 =	vld [tilespmem:s10+$0x8B60]  }
0x23e: {  	[tilespmem:s10+$0x9820] =	vst v5  }
0x23f: {  	[tilespmem:s10+$0x9830] =	vst v7  }
0x240: {  	[tilespmem:s10+$0x9840] =	vst v8  }
0x241: {  	[tilespmem:s10+$0x9850] =	vst v63  }
0x242: {  	s0 =	simm.s32 $0xA800;
	[tilespmem:s10+$0x9860] =	vst v4  }
0x243: {  	[tilespmem:s0], [sflag:$0x3] =	stream.indirect.gather [hbm4b:s2+s7], $0x1, s25, s7, $0xb8;
	[tilespmem:$0x1F500] =	vst v63  }
0x244: {  	s23 =	simm.s32 $0xA880  }
0x245: {  	[tilespmem:s23], [sflag:$0x3] =	stream.indirect.gather [hbm4b:s2+s7], $0x1, s26, s7, $0xb8;
	[tilespmem:$0x1F500] =	vst v63  }
0x246: {  	s25 =	simm.s32 $0xA900  }
0x247: {  	[tilespmem:s25], [sflag:$0x3] =	stream.indirect.gather [hbm4b:s2+s7], $0x1, s28, s7, $0xb8;
	[tilespmem:$0x1F500] =	vst v63  }
0x248: {  	s26 =	simm.s32 $0xA980  }
0x249: {  	[tilespmem:s26], [sflag:$0x3] =	stream.indirect.gather [hbm4b:s2+s7], $0x1, s29, s7, $0xb8;
	[tilespmem:$0x1F500] =	vst v63  }
0x24a: {  	s3 =	simm.s32 $0xAA00;
	s29 =	simm.s32 $0x7300  }
0x24b: {  	[tilespmem:s3], [sflag:$0x3] =	stream.indirect.gather [hbm4b:s2+s7], $0x1, s29, s7, $0xb8;
	[tilespmem:$0x1F500] =	vst v63  }
0x24c: {  	s4 =	simm.s32 $0xAA80;
	s3 =	simm.s32 $0x7380  }
0x24d: {  	[tilespmem:s4], [sflag:$0x3] =	stream.indirect.gather [hbm4b:s2+s7], $0x1, s3, s7, $0xb8;
	[tilespmem:$0x1F500] =	vst v63  }
0x24e: {  	s11 =	simm.s32 $0xAB00;
	s10 =	simm.s32 $0x7400  }
0x24f: {  	[tilespmem:s11], [sflag:$0x3] =	stream.indirect.gather [hbm4b:s2+s7], $0x1, s10, s7, $0xb8;
	[tilespmem:$0x1F500] =	vst v63  }
0x250: {  	s13 =	simm.s32 $0x7480;
	s16 =	simm.s32 $0xAB80  }
0x251: {  	[tilespmem:s16], [sflag:$0x3] =	stream.indirect.gather [hbm4b:s2+s7], $0x1, s13, s7, $0xb8;
	[tilespmem:$0x1F500] =	vst v63  }
0x252: {  	s18 =	simm.s32 $0x7500;
	s19 =	simm.s32 $0xAC00  }
0x253: {  	[tilespmem:s19], [sflag:$0x3] =	stream.indirect.gather [hbm4b:s2+s7], $0x1, s18, s7, $0xb8;
	[tilespmem:$0x1F500] =	vst v63  }
0x254: {  	s20 =	simm.s32 $0x7580;
	s21 =	simm.s32 $0xAC80  }
0x255: {  	[tilespmem:s21], [sflag:$0x3] =	stream.indirect.gather [hbm4b:s2+s7], $0x1, s20, s7, $0xb8;
	[tilespmem:$0x1F500] =	vst v63  }
0x256: {  	s23 =	simm.s32 $0x7600;
	s25 =	simm.s32 $0xAD00  }
0x257: {  	[tilespmem:s25], [sflag:$0x3] =	stream.indirect.gather [hbm4b:s2+s7], $0x1, s23, s7, $0xb8;
	[tilespmem:$0x1F500] =	vst v63  }
0x258: {  	s26 =	simm.s32 $0x7680;
	s29 =	simm.s32 $0xAD80  }
0x259: {  	[tilespmem:s29], [sflag:$0x3] =	stream.indirect.gather [hbm4b:s2+s7], $0x1, s26, s7, $0xb8;
	[tilespmem:$0x1F500] =	vst v63  }
0x25a: {  	s3 =	simm.s32 $0x7700;
	s4 =	simm.s32 $0xAE00  }
0x25b: {  	[tilespmem:s4], [sflag:$0x3] =	stream.indirect.gather [hbm4b:s2+s7], $0x1, s3, s7, $0xb8;
	[tilespmem:$0x1F500] =	vst v63  }
0x25c: {  	s10 =	simm.s32 $0x7780;
	s11 =	simm.s32 $0xAE80  }
0x25d: {  	[tilespmem:s11], [sflag:$0x3] =	stream.indirect.gather [hbm4b:s2+s7], $0x1, s10, s7, $0xb8;
	[tilespmem:$0x1F500] =	vst v63  }
0x25e: {  	s13 =	simm.s32 $0x7800;
	s16 =	simm.s32 $0xAF00  }
0x25f: {  	[tilespmem:s16], [sflag:$0x3] =	stream.indirect.gather [hbm4b:s2+s7], $0x1, s13, s7, $0xb8;
	[tilespmem:$0x1F500] =	vst v63  }
0x260: {  	s18 =	simm.s32 $0x7880;
	s19 =	simm.s32 $0xAF80  }
0x261: {  	[tilespmem:s19], [sflag:$0x3] =	stream.indirect.gather [hbm4b:s2+s7], $0x1, s18, s7, $0xb8;
	[tilespmem:$0x1F500] =	vst v63  }
0x262: {  	s20 =	simm.s32 $0x7900;
	s21 =	simm.s32 $0xB000  }
0x263: {  	[tilespmem:s21], [sflag:$0x3] =	stream.indirect.gather [hbm4b:s2+s7], $0x1, s20, s7, $0xb8;
	[tilespmem:$0x1F500] =	vst v63  }
0x264: {  	s23 =	simm.s32 $0x7980;
	s25 =	simm.s32 $0xB080  }
0x265: {  	[tilespmem:s25], [sflag:$0x3] =	stream.indirect.gather [hbm4b:s2+s7], $0x1, s23, s7, $0xb8;
	[tilespmem:$0x1F500] =	vst v63  }
0x266: {  	s26 =	simm.s32 $0x7A00;
	s29 =	simm.s32 $0xB100  }
0x267: {  	[tilespmem:s29], [sflag:$0x3] =	stream.indirect.gather [hbm4b:s2+s7], $0x1, s26, s7, $0xb8;
	[tilespmem:$0x1F500] =	vst v63  }
0x268: {  	s4 =	simm.s32 $0x7A80;
	s10 =	simm.s32 $0xB180  }
0x269: {  	[tilespmem:s10], [sflag:$0x3] =	stream.indirect.gather [hbm4b:s2+s7], $0x1, s4, s7, $0xb8;
	[tilespmem:$0x1F500] =	vst v63  }
0x26a: {  	s11 =	simm.s32 $0x7B00;
	s13 =	simm.s32 $0xB200  }
0x26b: {  	[tilespmem:s13], [sflag:$0x3] =	stream.indirect.gather [hbm4b:s2+s7], $0x1, s11, s7, $0xb8;
	[tilespmem:$0x1F500] =	vst v63  }
0x26c: {  	s16 =	simm.s32 $0x7B80;
	s18 =	simm.s32 $0xB280  }
0x26d: {  	[tilespmem:s18], [sflag:$0x3] =	stream.indirect.gather [hbm4b:s2+s7], $0x1, s16, s7, $0xb8;
	[tilespmem:$0x1F500] =	vst v63  }
0x26e: {  	p1 =	por $0x1, $0x1;
	s19 =	simm.s32 $0x7C00;
	s20 =	simm.s32 $0xB300  }
0x26f: {  	[tilespmem:s20], [sflag:$0x3] =	stream.indirect.gather [hbm4b:s2+s7], $0x1, s19, s7, $0xb8;
	[tilespmem:$0x1F500] =	vst v63  }
0x270: {  	p2 =	por p1, p1;
	s21 =	simm.s32 $0x7C80;
	s23 =	simm.s32 $0xB380  }
0x271: {  	[tilespmem:s23], [sflag:$0x3] =	stream.indirect.gather [hbm4b:s2+s7], $0x1, s21, s7, $0xb8;
	[tilespmem:$0x1F500] =	vst v63  }
0x272: {  	s25 =	simm.s32 $0x7D00;
	s26 =	simm.s32 $0xB400;
	s4 =	simm.s32 @!p2 $0x4  }
0x273: {  	[tilespmem:s26], [sflag:$0x3] =	stream.indirect.gather [hbm4b:s2+s7], $0x1, s25, s7, $0xb8;
	[tilespmem:$0x1F500] =	vst v63  }
0x274: {  	_ =	swait.ge @!p2 [sflag:s4], $0x4000  }
0x275: {  	s10 =	simm.s32 @!p1 $0x7100;
	s11 =	simm.s32 @!p2 $0x80;
	[sflag:s4] =	ssyncset.done @!p2 $0x0  }
0x276: {  	s13 =	simm.s32 @!p2 $0xB500;
	[sflag:s4] =	ssyncadd.s32 @!p2 $0xFFFFC000;
	s4 =	simm.s32 @!p2 $0x5  }
0x277: {  	[tilespmem:s13], [sflag:$0x1] =	stream.indirect.gather @!p2 [hbm4b:s1+s11], $0x80, s10, s11, $0xb8;
	[tilespmem:$0x1F500] =	vst v63  }
0x278: {  	_ =	swait.ge @!p2 [sflag:s4], $0x4000  }
0x279: {  	s10 =	simm.s32 @!p1 $0x7180;
	[sflag:s4] =	ssyncset.done @!p2 $0x0  }
0x27a: {  	s13 =	simm.s32 @!p2 $0xF500;
	[sflag:s4] =	ssyncadd.s32 @!p2 $0xFFFFC000;
	s4 =	simm.s32 @!p2 $0x6  }
0x27b: {  	[tilespmem:s13], [sflag:$0x1] =	stream.indirect.gather @!p2 [hbm4b:s1+s11], $0x80, s10, s11, $0xb8;
	[tilespmem:$0x1F500] =	vst v63  }
0x27c: {  	_ =	swait.ge @!p2 [sflag:s4], $0x4000  }
0x27d: {  	s16 =	simm.s32 @!p2 $0x13500;
	[sflag:s4] =	ssyncset.done @!p2 $0x0  }
0x27e: {  	s10 =	simm.s32 @!p1 $0x7200;
	s13 =	simm.s32 @!p2 $0x7;
	[sflag:s4] =	ssyncadd.s32 @!p2 $0xFFFFC000  }
0x27f: {  	[tilespmem:s16], [sflag:$0x1] =	stream.indirect.gather @!p2 [hbm4b:s1+s11], $0x80, s10, s11, $0xb8;
	[tilespmem:$0x1F500] =	vst v63  }
0x280: {  	_ =	swait.ge @!p2 [sflag:s13], $0x4000  }
0x281: {  	p6 =	sgt.u32 s15, $0x18620;
	[sflag:s13] =	ssyncset.done @!p2 $0x0  }
0x282: {  	s4 =	simm.s32 @!p1 $0x7280;
	s10 =	simm.s32 @!p2 $0x17500;
	[sflag:s13] =	ssyncadd.s32 @!p2 $0xFFFFC000  }
0x283: {  	[tilespmem:s10], [sflag:$0x1] =	stream.indirect.gather @!p2 [hbm4b:s1+s11], $0x80, s4, s11, $0xb8;
	[tilespmem:$0x1F500] =	vst v63  }
0x284: {  	s31 =	simm.s32 @!p6 $0x13500;
	_ =	swait.ge [sflag:s12], $0x4000  }
0x285: {  	s21 =	smov.u32 s15;
	p1 =	por $0x0, $0x0;
	s0 =	sld [smem:$0x7FC]  }
0x286: {  	s26 =	simm.s32 $0x1000;
	s25 =	simm.s32 @!p1 $0x7300;
	s4 =	sadd.s32 $0xFFFFFF80, s15  }
0x287: {  	s28 =	simm.s32 @!p1 $0x7380;
	p2 =	sgt.u32 s4, $0x18620;
	[sflag:s12] =	ssyncset.done $0x0  }
0x288: {  	p3 =	sgt.u32 @p2 s4, $0x1869F;
	[sflag:s12] =	ssyncadd.s32 $0xFFFFC000;
	s29 =	sadd.s32 $0xFFFFF000, s0  }
0x289: {  	[hbm4b:s29+s6] =	stream.linear.scatter [tilespmem:s9], [sflag:$0x4], $0x4000, $0x38;
	[tilespmem:$0x1F500] =	vst v63  }
0x28a: {  	s13 =	simm.s32 @!p1 $0x7480;
	p3 =	por p3, !p2;
	_ =	swait.ge [sflag:s12], $0x4000  }
0x28b: {  	s10 =	simm.s32 @!p1 $0x7400;
	s11 =	simm.s32 @!p3 $0x0;
	[sflag:s12] =	ssyncset.done $0x0  }
0x28c: {  	s16 =	simm.s32 @!p3 $0xF500;
	s4 =	sadd.s32 @!p3 $0xFFFFF800, s0;
	[sflag:s12] =	ssyncadd.s32 $0xFFFFC000  }
0x28d: {  	[hbm4b:s4+s11] =	stream.linear.scatter @!p3 [tilespmem:s16], [sflag:$0x5], $0x3000, $0x38;
	[tilespmem:$0x1F500] =	vst v63  }
0x28e: {  	s4 =	simm.s32 @!p2 $0xF500;
	s11 =	simm.s32 @!p2 $0x0;
	s16 =	sadd.s32 @!p2 $0xFFFFF800, s0  }
0x28f: {  	[hbm4b:s16+s11] =	stream.linear.scatter @!p2 [tilespmem:s4], [sflag:$0x5], $0x4000, $0x38;
	[tilespmem:$0x1F500] =	vst v63  }
0x290: {  	s19 =	smov.u32 s0;
	p3 =	por p1, p1;
	p2 =	sgt.u32 @p6 s15, $0x1869F  }
0x291: {  	s11 =	sadd.s32 $0x200, s15;
	s16 =	smov.u32 s0;
	p2 =	por p2, !p6  }
.LBB2_28:
0x292: {  	_ =	swait.ge [sflag:s12], $0x4000  }
0x293: {  	s4 =	simm.s32 @!p2 $0x0;
	s0 =	simm.s32 @!p2 $0x13500;
	s3 =	smov.u32 s26  }
0x294: {  	s26 =	sadd.s32 $0x800, s26;
	p5 =	seq.s32 s3, $0x0;
	[sflag:s12] =	ssyncset.done $0x0  }
0x295: {  	s21 =	sadd.s32 $0x80, s21;
	p4 =	sne.s32 s26, $0x3000;
	[sflag:s12] =	ssyncadd.s32 $0xFFFFC000  }
0x296: {  	s23 =	simm.s32 @!p6 $0x0;
	s19 =	sadd.s32 $0x2000, s19;
	p1 =	sgt.u32 s21, $0x18620  }
0x297: {  	[hbm4b:s16+s4] =	stream.linear.scatter @!p2 [tilespmem:s0], [sflag:$0x6], $0x3000, $0x38;
	[tilespmem:$0x1F500] =	vst v63  }
0x298: {  	s0 =	sshra.s32 @!p5 s3, $0x2;
	p2 =	sgt.u32 @p1 s21, $0x1869F;
	s3 =	simm.s32 @!p1 $0x17500  }
0x299: {  	[hbm4b:s16+s23] =	stream.linear.scatter @!p6 [tilespmem:s31], [sflag:$0x6], $0x4000, $0x38;
	[tilespmem:$0x1F500] =	vst v63  }
0x29a: {  	p2 =	por p2, !p1;
	s23 =	sadd.s32 @!p5 $0x7200, s0;
	_ =	swait.ge [sflag:s12], $0x4000  }
0x29b: {  	s21 =	sadd.s32 @!p2 $0x800, s16;
	s31 =	simm.s32 @!p2 $0x0;
	[sflag:s12] =	ssyncset.done $0x0  }
0x29c: {  	s4 =	sadd.s32 @!p5 $0x7280, s0;
	s18 =	simm.s32 @!p2 $0x17500;
	[sflag:s12] =	ssyncadd.s32 $0xFFFFC000  }
0x29d: {  	[hbm4b:s21+s31] =	stream.linear.scatter @!p2 [tilespmem:s18], [sflag:$0x7], $0x3000, $0x38;
	[tilespmem:$0x1F500] =	vst v63  }
0x29e: {  	s16 =	sadd.s32 @!p1 $0x800, s16;
	s18 =	simm.s32 @!p3 $0x4;
	s21 =	simm.s32 @!p1 $0x0  }
0x29f: {  	[hbm4b:s16+s21] =	stream.linear.scatter @!p1 [tilespmem:s3], [sflag:$0x7], $0x4000, $0x38;
	[tilespmem:$0x1F500] =	vst v63  }
0x2a0: {  	s3 =	simm.s32 @!p3 $0x80;
	s21 =	simm.s32 @!p3 $0xB500;
	_ =	swait.ge @!p3 [sflag:s18], $0x4000  }
0x2a1: {  	s31 =	sadd.s32 @!p5 $0x7100, s0;
	s0 =	sadd.s32 @!p5 $0x7180, s0;
	[sflag:s18] =	ssyncset.done @!p3 $0x0  }
0x2a2: {  	s16 =	smov.u32 s19;
	[sflag:s18] =	ssyncadd.s32 @!p3 $0xFFFFC000;
	s18 =	simm.s32 @!p3 $0x5  }
0x2a3: {  	[tilespmem:s21], [sflag:$0x1] =	stream.indirect.gather @!p3 [hbm4b:s1+s3], $0x80, s25, s3, $0xb8;
	[tilespmem:$0x1F500] =	vst v63  }
0x2a4: {  	s25 =	smov.u32 s31;
	s21 =	smov.u32 s11;
	_ =	swait.ge @!p3 [sflag:s18], $0x4000  }
0x2a5: {  	s20 =	sadd.s32 $0xFFFFFF80, s11;
	s31 =	simm.s32 @!p3 $0xF500;
	[sflag:s18] =	ssyncset.done @!p3 $0x0  }
0x2a6: {  	[sflag:s18] =	ssyncadd.s32 @!p3 $0xFFFFC000;
	s18 =	simm.s32 @!p3 $0x6  }
0x2a7: {  	[tilespmem:s31], [sflag:$0x1] =	stream.indirect.gather @!p3 [hbm4b:s1+s3], $0x80, s28, s3, $0xb8;
	[tilespmem:$0x1F500] =	vst v63  }
0x2a8: {  	s29 =	simm.s32 @!p3 $0x7;
	p1 =	sgt.u32 s20, $0x18620;
	_ =	swait.ge @!p3 [sflag:s18], $0x4000  }
0x2a9: {  	p2 =	sgt.u32 @p1 s20, $0x1869F;
	s31 =	simm.s32 @!p3 $0x13500;
	[sflag:s18] =	ssyncset.done @!p3 $0x0  }
0x2aa: {  	s28 =	smov.u32 s0;
	[sflag:s18] =	ssyncadd.s32 @!p3 $0xFFFFC000  }
0x2ab: {  	[tilespmem:s31], [sflag:$0x1] =	stream.indirect.gather @!p3 [hbm4b:s1+s3], $0x80, s10, s3, $0xb8;
	[tilespmem:$0x1F500] =	vst v63  }
0x2ac: {  	p6 =	sgt.u32 s11, $0x18620;
	s10 =	smov.u32 s23;
	_ =	swait.ge @!p3 [sflag:s29], $0x4000  }
0x2ad: {  	s0 =	simm.s32 @!p3 $0x17500;
	s31 =	simm.s32 @!p6 $0x13500;
	[sflag:s29] =	ssyncset.done @!p3 $0x0  }
0x2ae: {  	s20 =	simm.s32 @!p1 $0x0;
	[sflag:s29] =	ssyncadd.s32 @!p3 $0xFFFFC000  }
0x2af: {  	[tilespmem:s0], [sflag:$0x1] =	stream.indirect.gather @!p3 [hbm4b:s1+s3], $0x80, s13, s3, $0xb8;
	[tilespmem:$0x1F500] =	vst v63  }
0x2b0: {  	p2 =	por p2, !p1;
	s0 =	sadd.s32 $0xFFFFF000, s19;
	_ =	swait.ge [sflag:s12], $0x4000  }
0x2b1: {  	s18 =	simm.s32 @!p2 $0x0;
	s3 =	sadd.s32 @!p2 $0xFFFFF800, s19;
	[sflag:s12] =	ssyncset.done $0x0  }
0x2b2: {  	s13 =	smov.u32 s4;
	p3 =	por p5, p5;
	[sflag:s12] =	ssyncadd.s32 $0xFFFFC000  }
0x2b3: {  	[hbm4b:s0+s6] =	stream.linear.scatter [tilespmem:s9], [sflag:$0x4], $0x4000, $0x38;
	[tilespmem:$0x1F500] =	vst v63  }
0x2b4: {  	p5 =	sgt.u32 @p6 s11, $0x1869F;
	s0 =	simm.s32 @!p1 $0xF500;
	_ =	swait.ge [sflag:s12], $0x4000  }
.Ltmp15:
0x2b5: {  	s4 =	simm.s32 @!p2 $0xF500;
	[sflag:s12] =	ssyncset.done $0x0;
	(pc) =	sbr.rel @p4 .LBB2_28-.Ltmp15, $4  }
0x2b6: {  	[sflag:s12] =	ssyncadd.s32 $0xFFFFC000  }
0x2b7: {  	[hbm4b:s3+s18] =	stream.linear.scatter @!p2 [tilespmem:s4], [sflag:$0x5], $0x3000, $0x38;
	[tilespmem:$0x1F500] =	vst v63  }
0x2b8: {  	s11 =	sadd.s32 $0x200, s11;
	s3 =	sadd.s32 @!p1 $0xFFFFF800, s19;
	p2 =	por p5, !p6  }
0x2b9: {  	[hbm4b:s3+s20] =	stream.linear.scatter @!p1 [tilespmem:s0], [sflag:$0x5], $0x4000, $0x38;
	[tilespmem:$0x1F500] =	vst v63  }
0x2ba: {  	_ =	swait.ge [sflag:s12], $0x4000  }
0x2bb: {  	s0 =	simm.s32 @!p2 $0x0;
	s3 =	sadd.s32 $0x80, s21;
	[sflag:s12] =	ssyncset.done $0x0  }
0x2bc: {  	s4 =	simm.s32 @!p2 $0x13500;
	p1 =	sgt.u32 s3, $0x18620;
	[sflag:s12] =	ssyncadd.s32 $0xFFFFC000  }
0x2bd: {  	[hbm4b:s16+s0] =	stream.linear.scatter @!p2 [tilespmem:s4], [sflag:$0x6], $0x3000, $0x38;
	[tilespmem:$0x1F500] =	vst v63  }
0x2be: {  	s0 =	simm.s32 @!p6 $0x0;
	p2 =	sgt.u32 @p1 s3, $0x1869F  }
0x2bf: {  	[hbm4b:s16+s0] =	stream.linear.scatter @!p6 [tilespmem:s31], [sflag:$0x6], $0x4000, $0x38;
	[tilespmem:$0x1F500] =	vst v63  }
0x2c0: {  	p2 =	por p2, !p1;
	_ =	swait.ge [sflag:s12], $0x4000  }
0x2c1: {  	s0 =	simm.s32 @!p1 $0x17500;
	s3 =	sadd.s32 @!p2 $0x800, s16;
	[sflag:s12] =	ssyncset.done $0x0  }
0x2c2: {  	s4 =	simm.s32 @!p2 $0x0;
	s18 =	simm.s32 @!p2 $0x17500;
	[sflag:s12] =	ssyncadd.s32 $0xFFFFC000  }
0x2c3: {  	[hbm4b:s3+s4] =	stream.linear.scatter @!p2 [tilespmem:s18], [sflag:$0x7], $0x3000, $0x38;
	[tilespmem:$0x1F500] =	vst v63  }
0x2c4: {  	s3 =	simm.s32 @!p3 $0x4;
	s4 =	sadd.s32 @!p1 $0x800, s16;
	s16 =	simm.s32 @!p1 $0x0  }
0x2c5: {  	[hbm4b:s4+s16] =	stream.linear.scatter @!p1 [tilespmem:s0], [sflag:$0x7], $0x4000, $0x38;
	[tilespmem:$0x1F500] =	vst v63  }
0x2c6: {  	_ =	swait.ge @!p3 [sflag:s3], $0x4000  }
0x2c7: {  	s0 =	simm.s32 @!p3 $0x80;
	[sflag:s3] =	ssyncset.done @!p3 $0x0  }
0x2c8: {  	s4 =	simm.s32 @!p3 $0xB500;
	[sflag:s3] =	ssyncadd.s32 @!p3 $0xFFFFC000;
	s3 =	simm.s32 @!p3 $0x5  }
0x2c9: {  	[tilespmem:s4], [sflag:$0x1] =	stream.indirect.gather @!p3 [hbm4b:s1+s0], $0x80, s25, s0, $0xb8;
	[tilespmem:$0x1F500] =	vst v63  }
0x2ca: {  	_ =	swait.ge @!p3 [sflag:s3], $0x4000  }
0x2cb: {  	[sflag:s3] =	ssyncset.done @!p3 $0x0  }
0x2cc: {  	s4 =	simm.s32 @!p3 $0xF500;
	[sflag:s3] =	ssyncadd.s32 @!p3 $0xFFFFC000;
	s3 =	simm.s32 @!p3 $0x6  }
0x2cd: {  	[tilespmem:s4], [sflag:$0x1] =	stream.indirect.gather @!p3 [hbm4b:s1+s0], $0x80, s28, s0, $0xb8;
	[tilespmem:$0x1F500] =	vst v63  }
0x2ce: {  	_ =	swait.ge @!p3 [sflag:s3], $0x4000  }
0x2cf: {  	[sflag:s3] =	ssyncset.done @!p3 $0x0  }
0x2d0: {  	s16 =	simm.s32 @!p3 $0x13500;
	s4 =	simm.s32 @!p3 $0x7;
	[sflag:s3] =	ssyncadd.s32 @!p3 $0xFFFFC000  }
0x2d1: {  	[tilespmem:s16], [sflag:$0x1] =	stream.indirect.gather @!p3 [hbm4b:s1+s0], $0x80, s10, s0, $0xb8;
	[tilespmem:$0x1F500] =	vst v63  }
0x2d2: {  	_ =	swait.ge @!p3 [sflag:s4], $0x4000  }
0x2d3: {  	[sflag:s4] =	ssyncset.done @!p3 $0x0  }
0x2d4: {  	s3 =	simm.s32 @!p3 $0x17500;
	[sflag:s4] =	ssyncadd.s32 @!p3 $0xFFFFC000  }
0x2d5: {  	[tilespmem:s3], [sflag:$0x1] =	stream.indirect.gather @!p3 [hbm4b:s1+s0], $0x80, s13, s0, $0xb8;
	[tilespmem:$0x1F500] =	vst v63  }
0x2d6: {  	s0 =	sadd.s32 $0xFFFFFF80, s11;
	_ =	swait.ge [sflag:s12], $0x4000  }
0x2d7: {  	s3 =	sadd.s32 $0x2000, s19;
	p2 =	sgt.u32 s0, $0x18620;
	[sflag:s12] =	ssyncset.done $0x0  }
0x2d8: {  	s29 =	sadd.s32 $0xFFFFF000, s3;
	p3 =	sgt.u32 @p2 s0, $0x1869F;
	[sflag:s12] =	ssyncadd.s32 $0xFFFFC000  }
0x2d9: {  	[hbm4b:s29+s6] =	stream.linear.scatter [tilespmem:s9], [sflag:$0x4], $0x4000, $0x38;
	[tilespmem:$0x1F500] =	vst v63  }
0x2da: {  	p1 =	sgt.u32 s11, $0x18620;
	p3 =	por p3, !p2;
	_ =	swait.ge [sflag:s12], $0x4000  }
0x2db: {  	s10 =	simm.s32 @!p2 $0xF500;
	s0 =	sadd.s32 @!p3 $0xFFFFF800, s3;
	[sflag:s12] =	ssyncset.done $0x0  }
0x2dc: {  	s4 =	simm.s32 @!p3 $0x0;
	s13 =	simm.s32 @!p3 $0xF500;
	[sflag:s12] =	ssyncadd.s32 $0xFFFFC000  }
0x2dd: {  	[hbm4b:s0+s4] =	stream.linear.scatter @!p3 [tilespmem:s13], [sflag:$0x5], $0x3000, $0x38;
	[tilespmem:$0x1F500] =	vst v63  }
0x2de: {  	p3 =	sgt.u32 @p1 s11, $0x1869F;
	s0 =	simm.s32 @!p2 $0x0;
	s4 =	sadd.s32 @!p2 $0xFFFFF800, s3  }
0x2df: {  	[hbm4b:s4+s0] =	stream.linear.scatter @!p2 [tilespmem:s10], [sflag:$0x5], $0x4000, $0x38;
	[tilespmem:$0x1F500] =	vst v63  }
0x2e0: {  	p3 =	por p3, !p1;
	_ =	swait.ge [sflag:s12], $0x4000  }
0x2e1: {  	s0 =	simm.s32 @!p3 $0x0;
	s4 =	sadd.s32 $0x80, s11;
	[sflag:s12] =	ssyncset.done $0x0  }
0x2e2: {  	s10 =	simm.s32 @!p3 $0x13500;
	p2 =	sgt.u32 s4, $0x18620;
	[sflag:s12] =	ssyncadd.s32 $0xFFFFC000  }
0x2e3: {  	[hbm4b:s3+s0] =	stream.linear.scatter @!p3 [tilespmem:s10], [sflag:$0x6], $0x3000, $0x38;
	[tilespmem:$0x1F500] =	vst v63  }
0x2e4: {  	s0 =	simm.s32 @!p1 $0x13500;
	s10 =	simm.s32 @!p1 $0x0;
	p3 =	sgt.u32 @p2 s4, $0x1869F  }
0x2e5: {  	[hbm4b:s3+s10] =	stream.linear.scatter @!p1 [tilespmem:s0], [sflag:$0x6], $0x4000, $0x38;
	[tilespmem:$0x1F500] =	vst v63  }
0x2e6: {  	s31 =	simm.s32 $0x4;
	p1 =	por p3, !p2;
	_ =	swait.ge [sflag:s12], $0x4000  }
0x2e7: {  	s0 =	sadd.s32 @!p1 $0x800, s3;
	s4 =	simm.s32 @!p1 $0x0;
	[sflag:s12] =	ssyncset.done $0x0  }
0x2e8: {  	s10 =	simm.s32 @!p1 $0x17500;
	s3 =	sadd.s32 @!p2 $0x800, s3;
	[sflag:s12] =	ssyncadd.s32 $0xFFFFC000  }
0x2e9: {  	[hbm4b:s0+s4] =	stream.linear.scatter @!p1 [tilespmem:s10], [sflag:$0x7], $0x3000, $0x38;
	[tilespmem:$0x1F500] =	vst v63  }
.Ltmp16:
0x2ea: {  	s0 =	simm.s32 @!p2 $0x17500;
	s4 =	simm.s32 @!p2 $0x0;
	(pc) =	sbr.rel @!p0 .LBB2_30-.Ltmp16, $4  }
0x2eb: {  	[hbm4b:s3+s4] =	stream.linear.scatter @!p2 [tilespmem:s0], [sflag:$0x7], $0x4000, $0x38;
	[tilespmem:$0x1F500] =	vst v63  }
0x2ec: {  	_ =	swait.ge [sflag:s31], $0x4000  }
0x2ed: {  	[sflag:s31] =	ssyncset.done $0x0  }
0x2ee: {  	s0 =	simm.s32 $0x5;
	[sflag:s31] =	ssyncadd.s32 $0xFFFFC000  }
.Ltmp17:
0x2ef: {  	(pc) =	sbr.rel .LBB2_31-.Ltmp17, $4  }
0x2f0: {  	_ =	swait.ge [sflag:s0], $0x3000;
	s16 =	simm.s32 $0x1900;
	s18 =	simm.s32 $0x3200  }
0x2f1: {  	s19 =	simm.s32 $0x3E80;
	s20 =	simm.s32 $0x4B00;
	s21 =	simm.s32 $0x5780  }
0x2f2: {  	s23 =	simm.s32 $0x6400;
	s25 =	simm.s32 $0x7100;
	[sflag:s0] =	ssyncset.done $0x0  }
0x2f3: {  	s26 =	simm.s32 $0x7180;
	s28 =	simm.s32 $0x7200;
	[sflag:s0] =	ssyncadd.s32 $0xFFFFD000  }
.LBB2_30:
0x2f4: {  	_ =	swait.ge [sflag:s0], $0x4000  }
0x2f5: {  	[sflag:s0] =	ssyncset.done $0x0  }
0x2f6: {  	s21 =	simm.s32 $0x6;
	[sflag:s0] =	ssyncadd.s32 $0xFFFFC000  }
0x2f7: {  	_ =	swait.ge [sflag:s21], $0x4000  }
0x2f8: {  	s23 =	sld [smem:$0x7ED];
	_ =	sdelay $0x2  }
0x2f9: {  	[sflag:s21] =	ssyncset.done $0x0;
	p1 =	seq.s32 s23, $0x1  }
0x2fa: {  	[sflag:s21] =	ssyncadd.s32 $0xFFFFC000;
	s0 =	simm.s32 @!p1 $0x6  }
0x2fb: {  	_ =	swait.ge @!p1 [sflag:s0], $0x3000  }
0x2fc: {  	[sflag:s0] =	ssyncset.done @!p1 $0x0  }
0x2fd: {  	s25 =	simm.s32 $0x7;
	[sflag:s0] =	ssyncadd.s32 @!p1 $0xFFFFD000  }
0x2fe: {  	_ =	swait.ge [sflag:s25], $0x4000  }
0x2ff: {  	s26 =	sld [smem:$0x7EE];
	_ =	sdelay $0x2  }
0x300: {  	[sflag:s25] =	ssyncset.done $0x0;
	p1 =	seq.s32 s26, $0x1  }
0x301: {  	[sflag:s25] =	ssyncadd.s32 $0xFFFFC000;
	s0 =	simm.s32 @!p1 $0x7  }
0x302: {  	_ =	swait.ge @!p1 [sflag:s0], $0x3000  }
0x303: {  	[sflag:s0] =	ssyncset.done @!p1 $0x0  }
0x304: {  	s29 =	simm.s32 $0x7D00;
	s3 =	simm.s32 $0x40;
	[sflag:s0] =	ssyncadd.s32 @!p1 $0xFFFFD000  }
0x305: {  	[tilespmem:s9], [sflag:$0x1] =	stream.indirect.gather [hbm4b:s1+s3], $0x80, s29, s3, $0xb8;
	[tilespmem:$0x1F500] =	vst v63  }
0x306: {  	_ =	swait.ge [sflag:s12], $0x2000  }
0x307: {  	s16 =	simm.s32 $0x1900;
	s18 =	simm.s32 $0x3200;
	[sflag:s12] =	ssyncset.done $0x0  }
0x308: {  	s19 =	simm.s32 $0x3E80;
	s31 =	rddreg [dreg:$0x16];
	[sflag:s12] =	ssyncadd.s32 $0xFFFFE000  }
0x309: {  	[hbm4b:s31+s6] =	stream.linear.scatter [tilespmem:s9], [sflag:$0x2], $0x2000, $0x38;
	[tilespmem:$0x1F500] =	vst v63  }
0x30a: {  	s28 =	simm.s32 $0x7200;
	s20 =	simm.s32 $0x4B00;
	_ =	swait.ge [sflag:s14], $0x2000  }
0x30b: {  	s21 =	simm.s32 $0x5780;
	s23 =	simm.s32 $0x6400;
	[sflag:s14] =	ssyncset.done $0x0  }
0x30c: {  	s25 =	simm.s32 $0x7100;
	s26 =	simm.s32 $0x7180;
	[sflag:s14] =	ssyncadd.s32 $0xFFFFE000  }
.LBB2_31:
0x30d: {  	s0 =	sadd.s32 $0x7F, s17  }
0x30e: {  	s3 =	sand.u32 $0x7F, s0  }
0x30f: {  	s4 =	sshra.s32 s0, $0x1F;
	p1 =	slt.s32 s0, $0x1;
	p2 =	sne.s32 s3, $0x0  }
0x310: {  	s31 =	sshrl.u32 s4, $0x19;
	p1 =	por !p1, !p2  }
0x311: {  	s3 =	simm.s32 $0x1;
	s0 =	sadd.s32 s31, s0;
	p1 =	por !p1, !p1  }
0x312: {  	s0 =	sshra.s32 s0, $0x7;
	s3 =	simm.s32 @!p1 $0x0  }
0x313: {  	s10 =	ssub.s32 s0, s3  }
0x314: {  	p1 =	sgt.s32 s10, $0x0  }
.Ltmp18:
0x315: {  	_ = 	snop;
	(pc) =	sbr.rel @!p1 .LBB2_32-.Ltmp18, $2  }
0x316: {  	_ =	sdelay $0x2  }
0x317: {  	s17 =	simm.s32 $0x2580;
	s29 =	simm.s32 $0x7280;
	s4 =	simm.s32 $0x9800  }
0x318: {  	p1 =	seq.s32 s10, $0x1  }
.Ltmp19:
0x319: {  	_ = 	snop;
	(pc) =	sbr.rel @p1 .LBB2_32-.Ltmp19, $3  }
0x31a: {  	_ =	sdelay $0x1  }
0x31b: {  	[hbm4b:s5+s7] =	stream.indirect.scatter [tilespmem:s24], [sflag:$0x2], $0x80, s4, s7, $0xb8;
	[tilespmem:$0x1F500] =	vst v63  }
0x31c: {  	s11 =	sadd.s32 $0xFFFFFFFF, s10  }
.LBB2_41:
0x31d: {  	p1 =	seq.s32 s11, $0x1  }
.Ltmp20:
0x31e: {  	_ = 	snop;
	(pc) =	sbr.rel @!p1 .LBB2_41-.Ltmp20, $3  }
0x31f: {  	_ = 	snop  }
0x320: {  	s11 =	sadd.s32 $0xFFFFFFFF, s11;
	s4 =	sadd.s32 $0x80, s4;
	_ =	sdelay $0x1  }
0x321: {  	[hbm4b:s5+s7] =	stream.indirect.scatter [tilespmem:s24], [sflag:$0x2], $0x80, s4, s7, $0xb8;
	[tilespmem:$0x1F500] =	vst v63  }
.LBB2_32:
0x322: {  	_ =	swait.ge [sflag:s30], $0x80  }
0x323: {  	[sflag:s30] =	ssyncset.done $0x0  }
0x324: {  	[sflag:s30] =	ssyncadd.s32 $0xFFFFFF80  }
0x325: {  	_ =	swait.ge [sflag:s30], $0x80  }
0x326: {  	[sflag:s30] =	ssyncset.done $0x0  }
0x327: {  	[sflag:s30] =	ssyncadd.s32 $0xFFFFFF80  }
0x328: {  	_ =	swait.ge [sflag:s30], $0x80  }
0x329: {  	[sflag:s30] =	ssyncset.done $0x0  }
0x32a: {  	[sflag:s30] =	ssyncadd.s32 $0xFFFFFF80  }
0x32b: {  	_ =	swait.ge [sflag:s30], $0x80  }
0x32c: {  	[sflag:s30] =	ssyncset.done $0x0  }
0x32d: {  	[sflag:s30] =	ssyncadd.s32 $0xFFFFFF80  }
0x32e: {  	_ =	swait.ge [sflag:s30], $0x80  }
0x32f: {  	[sflag:s30] =	ssyncset.done $0x0  }
0x330: {  	[sflag:s30] =	ssyncadd.s32 $0xFFFFFF80  }
0x331: {  	_ =	swait.ge [sflag:s30], $0x80  }
0x332: {  	[sflag:s30] =	ssyncset.done $0x0  }
0x333: {  	[sflag:s30] =	ssyncadd.s32 $0xFFFFFF80  }
0x334: {  	_ =	swait.ge [sflag:s30], $0x80  }
0x335: {  	[sflag:s30] =	ssyncset.done $0x0  }
0x336: {  	[sflag:s30] =	ssyncadd.s32 $0xFFFFFF80  }
0x337: {  	_ =	swait.ge [sflag:s30], $0x80  }
0x338: {  	[sflag:s30] =	ssyncset.done $0x0  }
0x339: {  	[sflag:s30] =	ssyncadd.s32 $0xFFFFFF80  }
0x33a: {  	_ =	swait.ge [sflag:s30], $0x80  }
0x33b: {  	[sflag:s30] =	ssyncset.done $0x0  }
0x33c: {  	[sflag:s30] =	ssyncadd.s32 $0xFFFFFF80  }
0x33d: {  	_ =	swait.ge [sflag:s30], $0x80  }
0x33e: {  	[sflag:s30] =	ssyncset.done $0x0  }
0x33f: {  	[sflag:s30] =	ssyncadd.s32 $0xFFFFFF80  }
0x340: {  	_ =	swait.ge [sflag:s30], $0x80  }
0x341: {  	[sflag:s30] =	ssyncset.done $0x0  }
0x342: {  	[sflag:s30] =	ssyncadd.s32 $0xFFFFFF80  }
0x343: {  	_ =	swait.ge [sflag:s30], $0x80  }
0x344: {  	[sflag:s30] =	ssyncset.done $0x0  }
0x345: {  	[sflag:s30] =	ssyncadd.s32 $0xFFFFFF80  }
0x346: {  	_ =	swait.ge [sflag:s30], $0x80  }
0x347: {  	[sflag:s30] =	ssyncset.done $0x0  }
0x348: {  	[sflag:s30] =	ssyncadd.s32 $0xFFFFFF80  }
0x349: {  	_ =	swait.ge [sflag:s30], $0x80  }
0x34a: {  	[sflag:s30] =	ssyncset.done $0x0  }
0x34b: {  	[sflag:s30] =	ssyncadd.s32 $0xFFFFFF80  }
0x34c: {  	_ =	swait.ge [sflag:s30], $0x80  }
0x34d: {  	[sflag:s30] =	ssyncset.done $0x0  }
0x34e: {  	[sflag:s30] =	ssyncadd.s32 $0xFFFFFF80  }
0x34f: {  	_ =	swait.ge [sflag:s30], $0x80  }
0x350: {  	[sflag:s30] =	ssyncset.done $0x0  }
0x351: {  	[sflag:s30] =	ssyncadd.s32 $0xFFFFFF80  }
0x352: {  	_ =	swait.ge [sflag:s30], $0x80  }
0x353: {  	[sflag:s30] =	ssyncset.done $0x0  }
0x354: {  	[sflag:s30] =	ssyncadd.s32 $0xFFFFFF80  }
0x355: {  	_ =	swait.ge [sflag:s30], $0x80  }
0x356: {  	[sflag:s30] =	ssyncset.done $0x0  }
0x357: {  	[sflag:s30] =	ssyncadd.s32 $0xFFFFFF80  }
0x358: {  	_ =	swait.ge [sflag:s30], $0x80  }
0x359: {  	[sflag:s30] =	ssyncset.done $0x0  }
0x35a: {  	[sflag:s30] =	ssyncadd.s32 $0xFFFFFF80  }
0x35b: {  	_ =	swait.ge [sflag:s30], $0x80  }
0x35c: {  	[sflag:s30] =	ssyncset.done $0x0  }
0x35d: {  	[sflag:s30] =	ssyncadd.s32 $0xFFFFFF80  }
0x35e: {  	_ =	swait.ge [sflag:s30], $0x80  }
0x35f: {  	[sflag:s30] =	ssyncset.done $0x0  }
0x360: {  	[sflag:s30] =	ssyncadd.s32 $0xFFFFFF80  }
0x361: {  	_ =	swait.ge [sflag:s30], $0x80  }
0x362: {  	[sflag:s30] =	ssyncset.done $0x0  }
0x363: {  	[sflag:s30] =	ssyncadd.s32 $0xFFFFFF80  }
0x364: {  	_ =	swait.ge [sflag:s30], $0x80  }
0x365: {  	[sflag:s30] =	ssyncset.done $0x0  }
0x366: {  	[sflag:s30] =	ssyncadd.s32 $0xFFFFFF80  }
0x367: {  	_ =	swait.ge [sflag:s30], $0x80  }
0x368: {  	[sflag:s30] =	ssyncset.done $0x0  }
0x369: {  	[sflag:s30] =	ssyncadd.s32 $0xFFFFFF80  }
0x36a: {  	_ =	swait.ge [sflag:s30], $0x80  }
0x36b: {  	[sflag:s30] =	ssyncset.done $0x0  }
0x36c: {  	s4 =	simm.s32 $0x0;
	[sflag:s30] =	ssyncadd.s32 $0xFFFFFF80  }
0x36d: {  	v4 =	vld [tilespmem:s4+$0x7E00];
	_ =	sdelay $0x1  }
0x36e: {  	v5 =	vld [tilespmem:s4+$0xA800];
	_ =	sdelay $0x2  }
0x36f: {  	v4 =	vcvt.s32.f32 v4;
	_ =	sdelay $0x1  }
0x370: {  	s13 =	simm.s32 $0x10;
	s11 =	simm.s32 $0x80;
	v4 =	vmul.f32 v4, v5  }
.LBB2_33:
0x371: {  	p1 =	sne.s32 s11, $0x30C0;
	v5 =	vld [tilespmem:s13+$0x7E00]  }
0x372: {  	[tilespmem:s4+$0xA800] =	vst v4;
	s4 =	smov.u32 s13  }
0x373: {  	v4 =	vld [tilespmem:s4+$0xA800]  }
.Ltmp21:
0x374: {  	(pc) =	sbr.rel @p1 .LBB2_33-.Ltmp21, $3  }
0x375: {  	_ = 	snop  }
0x376: {  	v5 =	vcvt.s32.f32 v5;
	_ =	sdelay $0x1  }
0x377: {  	s13 =	sshra.s32 s11, $0x2;
	s11 =	sadd.s32 $0x40, s11;
	v4 =	vmul.f32 v5, v4  }
0x378: {  	v5 =	vld [tilespmem:s13+$0x7E00]  }
0x379: {  	[tilespmem:s4+$0xA800] =	vst v4  }
0x37a: {  	v4 =	vld [tilespmem:s13+$0xA800];
	_ =	sdelay $0x2  }
0x37b: {  	v5 =	vcvt.s32.f32 v5;
	_ =	sdelay $0x1  }
0x37c: {  	v4 =	vmul.f32 v5, v4;
	_ =	sdelay $0x1  }
0x37d: {  	s0 =	simm.s32 @p0 $0x0;
	s3 =	simm.s32 @p0 $0xA800;
	s11 =	rddreg [dreg:$0x10];
	[tilespmem:s13+$0xA800] =	vst v4  }
0x37e: {  	[hbm4b:s11+s0] =	stream.linear.scatter @p0 [tilespmem:s3], [sflag:$0x9], $0xAE0, $0x38;
	[tilespmem:$0x1F500] =	vst v63  }
0x37f: {  	s3 =	simm.s32 @p0 $0x9  }
0x380: {  	_ =	swait.ge @p0 [sflag:s3], $0xAE0  }
0x381: {  	s13 =	sld [smem:$0x7FA]  }
0x382: {  	[sflag:s3] =	ssyncset.done @p0 $0x0  }
0x383: {  	s4 =	simm.s32 @p0 $0x7E00;
	[sflag:s3] =	ssyncadd.s32 @p0 $0xFFFFF520  }
0x384: {  	[hbm4b:s13+s0] =	stream.linear.scatter @p0 [tilespmem:s4], [sflag:$0x9], $0xAE0, $0x38;
	[tilespmem:$0x1F500] =	vst v63  }
0x385: {  	_ =	swait.ge @p0 [sflag:s3], $0xAE0  }
0x386: {  	[sflag:s3] =	ssyncset.done @p0 $0x0  }
0x387: {  	s0 =	simm.s32 @!p0 $0x0;
	[sflag:s3] =	ssyncadd.s32 @p0 $0xFFFFF520;
	s3 =	simm.s32 @!p0 $0xA800  }
0x388: {  	[hbm4b:s11+s0] =	stream.linear.scatter @!p0 [tilespmem:s3], [sflag:$0x9], $0xC40, $0x38;
	[tilespmem:$0x1F500] =	vst v63  }
0x389: {  	s3 =	simm.s32 @!p0 $0x9  }
0x38a: {  	_ =	swait.ge @!p0 [sflag:s3], $0xC40  }
0x38b: {  	p1 =	slt.s32 s10, $0x1;
	[sflag:s3] =	ssyncset.done @!p0 $0x0  }
.Ltmp22:
0x38c: {  	s4 =	simm.s32 @!p0 $0x7E00;
	[sflag:s3] =	ssyncadd.s32 @!p0 $0xFFFFF3C0;
	(pc) =	sbr.rel @p1 .LBB2_38-.Ltmp22, $4  }
0x38d: {  	[hbm4b:s13+s0] =	stream.linear.scatter @!p0 [tilespmem:s4], [sflag:$0x9], $0xC40, $0x38;
	[tilespmem:$0x1F500] =	vst v63  }
0x38e: {  	_ =	swait.ge @!p0 [sflag:s3], $0xC40  }
0x38f: {  	[sflag:s3] =	ssyncset.done @!p0 $0x0  }
0x390: {  	s13 =	simm.s32 $0xC80;
	[sflag:s3] =	ssyncadd.s32 @!p0 $0xFFFFF3C0  }
0x391: {  	p1 =	sne.s32 s10, $0x1  }
.Ltmp23:
0x392: {  	_ = 	snop;
	(pc) =	sbr.rel @!p1 .LBB2_37-.Ltmp23, $3  }
0x393: {  	_ =	sdelay $0x1  }
0x394: {  	_ =	swait.ge [sflag:s14], $0x4000  }
0x395: {  	s4 =	sadd.s32 $0xFFFFFFFF, s10;
	[sflag:s14] =	ssyncset.done $0x0  }
.LBB2_36:
0x396: {  	p1 =	sne.s32 s4, $0x1;
	s4 =	sadd.s32 $0xFFFFFFFF, s4;
	[sflag:s14] =	ssyncadd.s32 $0xFFFFC000  }
.Ltmp24:
0x397: {  	(pc) =	sbr.rel @p1 .LBB2_36-.Ltmp24, $3  }
0x398: {  	_ =	sdelay $0x1  }
0x399: {  	_ =	swait.ge [sflag:s14], $0x4000  }
0x39a: {  	[sflag:s14] =	ssyncset.done $0x0  }
.Ltmp25:
0x39b: {  	_ = 	snop;
	(pc) =	sbr.rel .LBB2_37-.Ltmp25, $1  }
0x39c: {  	_ =	sdelay $0x3  }
.LBB2_39:
0x39d: {  	_ =	sfence.sel $0x180000  }
0x39e: {  	[bflag:$0x0] =	sbarrier.arrive $0xFFFF  }
0x39f: {  	_ =	strace $0x9000004A  }
0x3a0: {  	s0 =	stileid.u32;
	[bflag:$0x2] =	sbarrier.arrive $0xFFFF  }
0x3a1: {  	p0 =	sne.s32 s0, $0x0;
	s0 =	rddreg [dreg:$0x6]  }
0x3a2: {  	s0 =	sadd.s32 @!p0 $0x100000, s0  }
0x3a3: {  	[sflag:s0] =	ssyncadd.tile.s32 @!p0 $0x1;
	_ =	shalt  }
.Lfunc_end2:
_tile_overlayer_lowered:
.L_overlay_start_2:
0x3a4: {  	(tag) =	ssettag $0x2  }
0x3a5: {  	s0 =	rddreg [dreg:$0x0];
	s2 =	stileid.u32  }
0x3a6: {  	s1 =	rddreg [dreg:$0x1];
	p0 =	sne.s32 s2, $0x0  }
0x3a7: {  	s3 =	rddreg [dreg:$0x2];
	[bflag:$0x3] =	sbarrier.arrive $0xFFFF;
	s2 =	simm.s32 @!p0 $0x1C09  }
0x3a8: {  	[timem:s3], [sflag:s2] =	dma.local @!p0 [hbm:s0], s1  }
0x3a9: {  	s0 =	simm.s32 @!p0 $0x9  }
0x3aa: {  	_ =	swait.ge @!p0 [sflag:s0], s1  }
0x3ab: {  	s1 =	ssub.s32 @!p0 $0x0, s1;
	[sflag:s0] =	ssyncset.done @!p0 $0x0  }
0x3ac: {  	[sflag:s0] =	ssyncadd.s32 @!p0 s1  }
0x3ad: {  	[bflag:$0x3] =	sbarrier.arrive $0xFFFF  }
0x3ae: {  	_ =	shalt  }

</sc_bundles>
